<compile_context>
chip_gen: v7x
topology: tpu7x:2x2x1
jax: 0.10.2.dev20260603
libtpu: 0.0.44.dev20260713+nightly
codegen_flags: <defaults>
</compile_context>

<pallas_src>
import functools

import jax
import jax.numpy as jnp
from jax import lax
from jax.experimental import pallas as pl
from jax.experimental.pallas import tpu as pltpu
from jax.experimental.pallas import tpu_sc as plsc

N = 10000
E = 320000
F = 128
U = 128

NC = 2
NS = 16
LANES = 16

E_PER_TILE = E // (NC * NS)
WIN = 80
NWIN = E_PER_TILE // WIN
ROWS_A = 624
ROWS_B = N - 15 * ROWS_A
NPAD = 10240
DEG_PER_TILE = NPAD // NS

GRP = 5
PWIN = 40
PNWIN = E_PER_TILE // PWIN
NGRP = PNWIN // GRP

_mesh = plsc.VectorSubcoreMesh(core_axis_name="c", subcore_axis_name="s")


@functools.partial(
    pl.kernel,
    mesh=_mesh,
    out_type=jax.ShapeDtypeStruct((NC * NPAD,), jnp.float32),
    scratch_types=[
        pltpu.VMEM((E_PER_TILE,), jnp.int32),
        pltpu.VMEM((WIN,), jnp.float32),
        pltpu.VMEM((DEG_PER_TILE,), jnp.float32),
        pltpu.VMEM_SHARED((NPAD,), jnp.float32),
        pltpu.SemaphoreType.DMA,
    ],
)
def _deg_kernel(row_hbm, out_hbm, idx_v, ones_v, z_v, hist_sh, sem):
    cid = lax.axis_index("c")
    sid = lax.axis_index("s")
    tid = cid * NS + sid

    one = jnp.ones((LANES,), jnp.float32)
    zero = jnp.zeros((LANES,), jnp.float32)
    for j in range(WIN // LANES):
        ones_v[pl.ds(j * LANES, LANES)] = one

    def _zwrite(i, carry):
        z_v[pl.ds(i * LANES, LANES)] = zero
        return carry

    lax.fori_loop(0, DEG_PER_TILE // LANES, _zwrite, 0)
    pltpu.sync_copy(z_v, hist_sh.at[pl.ds(sid * DEG_PER_TILE, DEG_PER_TILE)])
    pltpu.sync_copy(row_hbm.at[pl.ds(tid * E_PER_TILE, E_PER_TILE)], idx_v)
    plsc.subcore_barrier()

    def _win(w, carry):
        pltpu.async_copy(ones_v, hist_sh.at[idx_v.at[pl.ds(w * WIN, WIN)]],
                         sem, add=True)
        return carry

    lax.fori_loop(0, NWIN, _win, 0)

    def _drain(w, carry):
        pltpu.make_async_copy(ones_v, hist_sh.at[idx_v.at[pl.ds(0, WIN)]],
                              sem).wait()
        return carry

    lax.fori_loop(0, NWIN, _drain, 0)
    plsc.subcore_barrier()

    pltpu.sync_copy(
        hist_sh.at[pl.ds(sid * DEG_PER_TILE, DEG_PER_TILE)],
        out_hbm.at[pl.ds(cid * NPAD + sid * DEG_PER_TILE, DEG_PER_TILE)],
    )


@functools.partial(
    pl.kernel,
    mesh=_mesh,
    out_type=jax.ShapeDtypeStruct((NC, N, U), jnp.float32),
    scratch_types=[
        pltpu.VMEM((E_PER_TILE,), jnp.int32),
        pltpu.VMEM((GRP, PWIN), jnp.int32),
        pltpu.VMEM((GRP, PWIN, U), jnp.float32),
        pltpu.VMEM_SHARED((N, U), jnp.float32),
        pltpu.SemaphoreType.DMA,
        pltpu.SemaphoreType.DMA,
    ],
)
def _prop_kernel(h2_hbm, row_hbm, col_hbm, out_hbm, idxr_v, idxc_v, g_v,
                 acc_sh, sem, sem_c):
    cid = lax.axis_index("c")
    sid = lax.axis_index("s")
    tid = cid * NS + sid
    rbase = sid * ROWS_A

    @pl.when(cid == 0)
    def _():
        @pl.when(sid < NS - 1)
        def _():
            pltpu.sync_copy(h2_hbm.at[pl.ds(rbase, ROWS_A)],
                            acc_sh.at[pl.ds(rbase, ROWS_A)])

        @pl.when(sid == NS - 1)
        def _():
            pltpu.sync_copy(h2_hbm.at[pl.ds(15 * ROWS_A, ROWS_B)],
                            acc_sh.at[pl.ds(15 * ROWS_A, ROWS_B)])

    @pl.when(cid == 1)
    def _():
        def _zrow(r, carry):
            for j in range(U // LANES):
                g_v[0, r, pl.ds(j * LANES, LANES)] = jnp.zeros(
                    (LANES,), jnp.float32)
            return carry

        lax.fori_loop(0, PWIN, _zrow, 0)
        nfull = ROWS_A // PWIN
        for k in range(nfull):
            pltpu.sync_copy(g_v.at[0],
                            acc_sh.at[pl.ds(rbase + k * PWIN, PWIN)])

        @pl.when(sid < NS - 1)
        def _():
            pltpu.sync_copy(g_v.at[0, pl.ds(0, ROWS_A - nfull * PWIN)],
                            acc_sh.at[pl.ds(rbase + nfull * PWIN,
                                            ROWS_A - nfull * PWIN)])

        @pl.when(sid == NS - 1)
        def _():
            pltpu.sync_copy(g_v.at[0],
                            acc_sh.at[pl.ds(rbase + nfull * PWIN, PWIN)])

    pltpu.sync_copy(row_hbm.at[pl.ds(tid * E_PER_TILE, E_PER_TILE)], idxr_v)
    plsc.subcore_barrier()

    cbase = tid * E_PER_TILE
    for b in range(GRP):
        pltpu.async_copy(col_hbm.at[pl.ds(cbase + b * PWIN, PWIN)],
                         idxc_v.at[b], sem_c)
        pltpu.async_copy(h2_hbm.at[idxr_v.at[pl.ds(b * PWIN, PWIN)]],
                         g_v.at[b], sem)

    def _step(w, b):
        pltpu.make_async_copy(col_hbm.at[pl.ds(cbase, PWIN)], idxc_v.at[b],
                              sem_c).wait()
        pltpu.make_async_copy(h2_hbm.at[idxr_v.at[pl.ds(0, PWIN)]],
                              g_v.at[b], sem).wait()
        pltpu.sync_copy(g_v.at[b], acc_sh.at[idxc_v.at[b]], add=True)

        @pl.when(w + GRP < PNWIN)
        def _():
            pltpu.async_copy(
                col_hbm.at[pl.ds(cbase + (w + GRP) * PWIN, PWIN)],
                idxc_v.at[b], sem_c)
            pltpu.async_copy(
                h2_hbm.at[idxr_v.at[pl.ds((w + GRP) * PWIN, PWIN)]],
                g_v.at[b], sem)

    def _grp(o, carry):
        for b in range(GRP):
            _step(o * GRP + b, b)
        return carry

    lax.fori_loop(0, NGRP, _grp, 0)
    plsc.subcore_barrier()

    @pl.when(sid < NS - 1)
    def _():
        pltpu.sync_copy(acc_sh.at[pl.ds(rbase, ROWS_A)],
                        out_hbm.at[cid, pl.ds(rbase, ROWS_A)])

    @pl.when(sid == NS - 1)
    def _():
        pltpu.sync_copy(acc_sh.at[pl.ds(15 * ROWS_A, ROWS_B)],
                        out_hbm.at[cid, pl.ds(15 * ROWS_A, ROWS_B)])


def _h2_body(x_ref, w_ref, d_ref, h2_ref):
    dinv = lax.rsqrt(d_ref[...])
    h = jnp.dot(x_ref[...], w_ref[...], preferred_element_type=jnp.float32)
    h2_ref[...] = h * dinv


def _combine_body(p0_ref, p1_ref, d_ref, b_ref, o_ref):
    dinv = lax.rsqrt(d_ref[...])
    o_ref[...] = (p0_ref[0] + p1_ref[0]) * dinv + b_ref[...]


_BLK = 2000


def kernel(x, edge_index, kernel, bias):
    row = edge_index[0]
    col = lax.optimization_barrier(edge_index)[1]

    deg_part = _deg_kernel(row)
    d = (deg_part[:N] + deg_part[NPAD:NPAD + N] + 1.0).reshape(N, 1)

    grid = N // _BLK
    h2 = pl.pallas_call(
        _h2_body,
        grid=(grid,),
        in_specs=[
            pl.BlockSpec((_BLK, F), lambda i: (i, 0)),
            pl.BlockSpec((F, U), lambda i: (0, 0)),
            pl.BlockSpec((_BLK, 1), lambda i: (i, 0)),
        ],
        out_specs=pl.BlockSpec((_BLK, U), lambda i: (i, 0)),
        out_shape=jax.ShapeDtypeStruct((N, U), jnp.float32),
    )(x, kernel, d)

    p = _prop_kernel(h2, row, col)

    out = pl.pallas_call(
        _combine_body,
        grid=(grid,),
        in_specs=[
            pl.BlockSpec((1, _BLK, U), lambda i: (0, i, 0)),
            pl.BlockSpec((1, _BLK, U), lambda i: (1, i, 0)),
            pl.BlockSpec((_BLK, 1), lambda i: (i, 0)),
            pl.BlockSpec((1, U), lambda i: (0, 0)),
        ],
        out_specs=pl.BlockSpec((_BLK, U), lambda i: (i, 0)),
        out_shape=jax.ShapeDtypeStruct((N, U), jnp.float32),
    )(p, p, d, bias.reshape(1, U))
    return out

# --- scband reference (transcript-rebuilt; emitter-appended) ---
"""Pipeline reference for scband-gcn-39256001086159 (READ-ONLY COPY).

The authoritative reference and input builder live on the scoring server;
editing this copy changes nothing except your own understanding.
"""

import jax, jax.numpy as jnp
import numpy as np

N = 10000
E = 320000
F = 128
U = 128

def setup_inputs(seed: int = 0) -> dict:
    key = jax.random.key(seed)
    k1, k2, k3 = jax.random.split(key, 3)
    x = jax.random.normal(k1, (N, F), dtype=jnp.float32)
    edge_index = jax.random.randint(k2, (2, E), 0, N, dtype=jnp.int32)
    # glorot_uniform kernel
    limit = np.sqrt(6.0 / (F + U)).astype(np.float32)
    kernel = jax.random.uniform(k3, (F, U), dtype=jnp.float32, minval=-limit, maxval=limit)
    bias = jnp.zeros((U,), dtype=jnp.float32)
    return {"x": x, "edge_index": edge_index, "kernel": kernel, "bias": bias}

def reference(x, edge_index, kernel, bias):
    num_nodes = x.shape[0]
    row = edge_index[0]
    col = edge_index[1]
    # default edge weights = 1
    edge_weight = jnp.ones((edge_index.shape[1],), dtype=x.dtype)
    # renorm trick: add self-loops with fill_weight = 1.0 (improved=False)
    self_idx = jnp.arange(num_nodes, dtype=row.dtype)
    row = jnp.concatenate([row, self_idx], axis=0)
    col = jnp.concatenate([col, self_idx], axis=0)
    edge_weight = jnp.concatenate([edge_weight, jnp.ones((num_nodes,), dtype=x.dtype)], axis=0)
    # symmetric normalization: D^{-1/2} A D^{-1/2}
    deg = jax.ops.segment_sum(edge_weight, row, num_segments=num_nodes)
    deg_inv_sqrt = jnp.where(deg > 0, jax.lax.rsqrt(jnp.maximum(deg, 1e-12)), 0.0)
    normed_edge_weight = deg_inv_sqrt[row] * edge_weight * deg_inv_sqrt[col]
    # linear transform then propagate
    h = x @ kernel
    msg = jnp.take(h, row, axis=0) * normed_edge_weight[:, None]
    out = jax.ops.segment_sum(msg, col, num_segments=num_nodes)
    out = out + bias
    # activation is None
    return out

if __name__ == "__main__":
    import jax
    _d = setup_inputs()
    print(jax.jit(kernel)(*tuple(_d.values())))

</pallas_src>

<mosaic_0001>
#map = affine_map<(d0, d1) -> (0, 0)>
#map1 = affine_map<(d0, d1) -> (0)>
#map2 = affine_map<(d0, d1) -> (0, 0, 0)>
module attributes {stable_mosaic.version = 14 : i64} {
  func.func @_prop_kernel(%arg0: i32, %arg1: i32, %arg2: memref<10000x128xf32, #tpu.memory_space<hbm>>, %arg3: memref<320000xi32, #tpu.memory_space<hbm>>, %arg4: memref<320000xi32, #tpu.memory_space<hbm>>, %arg5: memref<2x10000x128xf32, #tpu.memory_space<hbm>>, %arg6: memref<10000xi32, #tpu.memory_space<vmem>>, %arg7: memref<5x40xi32, #tpu.memory_space<vmem>>, %arg8: memref<5x40x128xf32, #tpu.memory_space<vmem>>, %arg9: memref<10000x128xf32, #tpu.memory_space<vmem_shared>>, %arg10: memref<!tpu.dma_semaphore, #tpu.memory_space<semaphore_mem>>, %arg11: memref<!tpu.dma_semaphore, #tpu.memory_space<semaphore_mem>>) attributes {dimension_semantics = [#tpu.dimension_semantics<core_parallel>, #tpu.dimension_semantics<subcore_parallel>], iteration_bounds = array<i64: 2, 16>, scalar_prefetch = 0 : i64, scratch_operands = 6 : i64, tpu.core_type = #tpu.core_type<sc_vector_subcore>, window_params = [{transform_indices = #map}, {transform_indices = #map1}, {transform_indices = #map1}, {transform_indices = #map2}]} {
    %mul3A = arith.constant 16 : i32
    %mul3A_0 = arith.muli %arg0, %mul3A : i32
    %add3A = arith.addi %mul3A_0, %arg1 : i32
    %mul3A_1 = arith.constant 624 : i32
    %mul3A_2 = arith.muli %arg1, %mul3A_1 : i32
    %eq3A = arith.constant 0 : i32
    %eq3A_3 = arith.cmpi eq, %arg0, %eq3A : i32
    %convert_element_type3A = arith.extui %eq3A_3 : i1 to i32
    %cond3A = arith.constant 0 : i32
    %cond3A_4 = arith.cmpi ne, %convert_element_type3A, %cond3A : i32
    scf.if %cond3A_4 {
      %lt3A_133 = arith.constant 15 : i32
      %lt3A_134 = arith.cmpi slt, %arg1, %lt3A_133 : i32
      %convert_element_type3A_135 = arith.extui %lt3A_134 : i1 to i32
      %cond3A_136 = arith.constant 0 : i32
      %cond3A_137 = arith.cmpi ne, %convert_element_type3A_135, %cond3A_136 : i32
      scf.if %cond3A_137 {
        "tpu.region"() ({
          %run_scoped3A = tpu.sem_alloc : memref<!tpu.dma_semaphore, #tpu.memory_space<semaphore_mem>>
          %dma_start3A_143 = arith.constant 0 : i32
          %dma_start3A_144 = tpu.memref_slice %arg9[%mul3A_2, %dma_start3A_143] : memref<10000x128xf32, #tpu.memory_space<vmem_shared>> -> memref<624x128xf32, #tpu.memory_space<vmem_shared>>
          %dma_start3A_145 = arith.constant 0 : i32
          %dma_start3A_146 = tpu.memref_slice %arg2[%mul3A_2, %dma_start3A_145] : memref<10000x128xf32, #tpu.memory_space<hbm>> -> memref<624x128xf32, #tpu.memory_space<hbm>>
          tpu.enqueue_dma source(%dma_start3A_146 : memref<624x128xf32, #tpu.memory_space<hbm>>) target(%dma_start3A_144 : memref<624x128xf32, #tpu.memory_space<vmem_shared>>) target_semaphore(%run_scoped3A : memref<!tpu.dma_semaphore, #tpu.memory_space<semaphore_mem>>)
          %dma_wait3A = arith.constant 0 : i32
          %dma_wait3A_147 = tpu.memref_slice %arg9[%mul3A_2, %dma_wait3A] : memref<10000x128xf32, #tpu.memory_space<vmem_shared>> -> memref<624x128xf32, #tpu.memory_space<vmem_shared>>
          %dma_wait3A_148 = arith.constant 0 : i32
          %dma_wait3A_149 = tpu.memref_slice %arg2[%mul3A_2, %dma_wait3A_148] : memref<10000x128xf32, #tpu.memory_space<hbm>> -> memref<624x128xf32, #tpu.memory_space<hbm>>
          tpu.wait_dma2 semaphore(%run_scoped3A : memref<!tpu.dma_semaphore, #tpu.memory_space<semaphore_mem>>) src(%dma_wait3A_149 : memref<624x128xf32, #tpu.memory_space<hbm>>) dst(%dma_wait3A_147 : memref<624x128xf32, #tpu.memory_space<vmem_shared>>)
          tpu.yield
        }) : () -> ()
      } else {
      }
      %eq3A_138 = arith.constant 15 : i32
      %eq3A_139 = arith.cmpi eq, %arg1, %eq3A_138 : i32
      %convert_element_type3A_140 = arith.extui %eq3A_139 : i1 to i32
      %cond3A_141 = arith.constant 0 : i32
      %cond3A_142 = arith.cmpi ne, %convert_element_type3A_140, %cond3A_141 : i32
      scf.if %cond3A_142 {
        "tpu.region"() ({
          %run_scoped3A = tpu.sem_alloc : memref<!tpu.dma_semaphore, #tpu.memory_space<semaphore_mem>>
          %dma_start3A_143 = arith.constant 9360 : i32
          %dma_start3A_144 = arith.constant 0 : i32
          %dma_start3A_145 = tpu.memref_slice %arg9[%dma_start3A_143, %dma_start3A_144] : memref<10000x128xf32, #tpu.memory_space<vmem_shared>> -> memref<640x128xf32, #tpu.memory_space<vmem_shared>>
          %dma_start3A_146 = arith.constant 9360 : i32
          %dma_start3A_147 = arith.constant 0 : i32
          %dma_start3A_148 = tpu.memref_slice %arg2[%dma_start3A_146, %dma_start3A_147] : memref<10000x128xf32, #tpu.memory_space<hbm>> -> memref<640x128xf32, #tpu.memory_space<hbm>>
          tpu.enqueue_dma source(%dma_start3A_148 : memref<640x128xf32, #tpu.memory_space<hbm>>) target(%dma_start3A_145 : memref<640x128xf32, #tpu.memory_space<vmem_shared>>) target_semaphore(%run_scoped3A : memref<!tpu.dma_semaphore, #tpu.memory_space<semaphore_mem>>)
          %dma_wait3A = arith.constant 9360 : i32
          %dma_wait3A_149 = arith.constant 0 : i32
          %dma_wait3A_150 = tpu.memref_slice %arg9[%dma_wait3A, %dma_wait3A_149] : memref<10000x128xf32, #tpu.memory_space<vmem_shared>> -> memref<640x128xf32, #tpu.memory_space<vmem_shared>>
          %dma_wait3A_151 = arith.constant 9360 : i32
          %dma_wait3A_152 = arith.constant 0 : i32
          %dma_wait3A_153 = tpu.memref_slice %arg2[%dma_wait3A_151, %dma_wait3A_152] : memref<10000x128xf32, #tpu.memory_space<hbm>> -> memref<640x128xf32, #tpu.memory_space<hbm>>
          tpu.wait_dma2 semaphore(%run_scoped3A : memref<!tpu.dma_semaphore, #tpu.memory_space<semaphore_mem>>) src(%dma_wait3A_153 : memref<640x128xf32, #tpu.memory_space<hbm>>) dst(%dma_wait3A_150 : memref<640x128xf32, #tpu.memory_space<vmem_shared>>)
          tpu.yield
        }) : () -> ()
      } else {
      }
    } else {
    }
    %eq3A_5 = arith.constant 1 : i32
    %eq3A_6 = arith.cmpi eq, %arg0, %eq3A_5 : i32
    %convert_element_type3A_7 = arith.extui %eq3A_6 : i1 to i32
    %cond3A_8 = arith.constant 0 : i32
    %cond3A_9 = arith.cmpi ne, %convert_element_type3A_7, %cond3A_8 : i32
    scf.if %cond3A_9 {
      %scan3A_133 = arith.constant 0 : i32
      %scan3A_134 = arith.constant 0 : i32
      %scan3A_135 = arith.constant 40 : i32
      %scan3A_136 = arith.addi %scan3A_134, %scan3A_135 : i32
      %scan3A_137 = arith.constant 1 : i32
      scf.for %scan3A_193 = %scan3A_134 to %scan3A_136 step %scan3A_137  : i32 {
        %broadcast_in_dim3A = arith.constant 0.000000e+00 : f32
        %broadcast_in_dim3A_194 = vector.broadcast %broadcast_in_dim3A : f32 to vector<16xf32>
        %swap3A = arith.constant 0 : i32
        %swap3A_195 = arith.index_cast %swap3A : i32 to index
        %swap3A_196 = arith.index_cast %scan3A_193 : i32 to index
        %swap3A_197 = arith.constant 0 : index
        %swap3A_198 = tpu.vector_load %arg8[%swap3A_195, %swap3A_196, %swap3A_197] {strides = array<i32>} : memref<5x40x128xf32, #tpu.memory_space<vmem>>, vector<1x1x16xf32>,
        %swap3A_199 = vector.shape_cast %swap3A_198 : vector<1x1x16xf32> to vector<16xf32>
        %swap3A_200 = vector.shape_cast %broadcast_in_dim3A_194 : vector<16xf32> to vector<1x1x16xf32>
        tpu.vector_store %arg8[%swap3A_195, %swap3A_196, %swap3A_197], %swap3A_200 {strides = array<i32>} : memref<5x40x128xf32, #tpu.memory_space<vmem>>, vector<1x1x16xf32>,
        %broadcast_in_dim3A_201 = arith.constant 0.000000e+00 : f32
        %broadcast_in_dim3A_202 = vector.broadcast %broadcast_in_dim3A_201 : f32 to vector<16xf32>
        %swap3A_203 = arith.constant 0 : i32
        %swap3A_204 = arith.index_cast %swap3A_203 : i32 to index
        %swap3A_205 = arith.index_cast %scan3A_193 : i32 to index
        %swap3A_206 = arith.constant 16 : index
        %swap3A_207 = tpu.vector_load %arg8[%swap3A_204, %swap3A_205, %swap3A_206] {strides = array<i32>} : memref<5x40x128xf32, #tpu.memory_space<vmem>>, vector<1x1x16xf32>,
        %swap3A_208 = vector.shape_cast %swap3A_207 : vector<1x1x16xf32> to vector<16xf32>
        %swap3A_209 = vector.shape_cast %broadcast_in_dim3A_202 : vector<16xf32> to vector<1x1x16xf32>
        tpu.vector_store %arg8[%swap3A_204, %swap3A_205, %swap3A_206], %swap3A_209 {strides = array<i32>} : memref<5x40x128xf32, #tpu.memory_space<vmem>>, vector<1x1x16xf32>,
        %broadcast_in_dim3A_210 = arith.constant 0.000000e+00 : f32
        %broadcast_in_dim3A_211 = vector.broadcast %broadcast_in_dim3A_210 : f32 to vector<16xf32>
        %swap3A_212 = arith.constant 0 : i32
        %swap3A_213 = arith.index_cast %swap3A_212 : i32 to index
        %swap3A_214 = arith.index_cast %scan3A_193 : i32 to index
        %swap3A_215 = arith.constant 32 : index
        %swap3A_216 = tpu.vector_load %arg8[%swap3A_213, %swap3A_214, %swap3A_215] {strides = array<i32>} : memref<5x40x128xf32, #tpu.memory_space<vmem>>, vector<1x1x16xf32>,
        %swap3A_217 = vector.shape_cast %swap3A_216 : vector<1x1x16xf32> to vector<16xf32>
        %swap3A_218 = vector.shape_cast %broadcast_in_dim3A_211 : vector<16xf32> to vector<1x1x16xf32>
        tpu.vector_store %arg8[%swap3A_213, %swap3A_214, %swap3A_215], %swap3A_218 {strides = array<i32>} : memref<5x40x128xf32, #tpu.memory_space<vmem>>, vector<1x1x16xf32>,
        %broadcast_in_dim3A_219 = arith.constant 0.000000e+00 : f32
        %broadcast_in_dim3A_220 = vector.broadcast %broadcast_in_dim3A_219 : f32 to vector<16xf32>
        %swap3A_221 = arith.constant 0 : i32
        %swap3A_222 = arith.index_cast %swap3A_221 : i32 to index
        %swap3A_223 = arith.index_cast %scan3A_193 : i32 to index
        %swap3A_224 = arith.constant 48 : index
        %swap3A_225 = tpu.vector_load %arg8[%swap3A_222, %swap3A_223, %swap3A_224] {strides = array<i32>} : memref<5x40x128xf32, #tpu.memory_space<vmem>>, vector<1x1x16xf32>,
        %swap3A_226 = vector.shape_cast %swap3A_225 : vector<1x1x16xf32> to vector<16xf32>
        %swap3A_227 = vector.shape_cast %broadcast_in_dim3A_220 : vector<16xf32> to vector<1x1x16xf32>
        tpu.vector_store %arg8[%swap3A_222, %swap3A_223, %swap3A_224], %swap3A_227 {strides = array<i32>} : memref<5x40x128xf32, #tpu.memory_space<vmem>>, vector<1x1x16xf32>,
        %broadcast_in_dim3A_228 = arith.constant 0.000000e+00 : f32
        %broadcast_in_dim3A_229 = vector.broadcast %broadcast_in_dim3A_228 : f32 to vector<16xf32>
        %swap3A_230 = arith.constant 0 : i32
        %swap3A_231 = arith.index_cast %swap3A_230 : i32 to index
        %swap3A_232 = arith.index_cast %scan3A_193 : i32 to index
        %swap3A_233 = arith.constant 64 : index
        %swap3A_234 = tpu.vector_load %arg8[%swap3A_231, %swap3A_232, %swap3A_233] {strides = array<i32>} : memref<5x40x128xf32, #tpu.memory_space<vmem>>, vector<1x1x16xf32>,
        %swap3A_235 = vector.shape_cast %swap3A_234 : vector<1x1x16xf32> to vector<16xf32>
        %swap3A_236 = vector.shape_cast %broadcast_in_dim3A_229 : vector<16xf32> to vector<1x1x16xf32>
        tpu.vector_store %arg8[%swap3A_231, %swap3A_232, %swap3A_233], %swap3A_236 {strides = array<i32>} : memref<5x40x128xf32, #tpu.memory_space<vmem>>, vector<1x1x16xf32>,
        %broadcast_in_dim3A_237 = arith.constant 0.000000e+00 : f32
        %broadcast_in_dim3A_238 = vector.broadcast %broadcast_in_dim3A_237 : f32 to vector<16xf32>
        %swap3A_239 = arith.constant 0 : i32
        %swap3A_240 = arith.index_cast %swap3A_239 : i32 to index
        %swap3A_241 = arith.index_cast %scan3A_193 : i32 to index
        %swap3A_242 = arith.constant 80 : index
        %swap3A_243 = tpu.vector_load %arg8[%swap3A_240, %swap3A_241, %swap3A_242] {strides = array<i32>} : memref<5x40x128xf32, #tpu.memory_space<vmem>>, vector<1x1x16xf32>,
        %swap3A_244 = vector.shape_cast %swap3A_243 : vector<1x1x16xf32> to vector<16xf32>
        %swap3A_245 = vector.shape_cast %broadcast_in_dim3A_238 : vector<16xf32> to vector<1x1x16xf32>
        tpu.vector_store %arg8[%swap3A_240, %swap3A_241, %swap3A_242], %swap3A_245 {strides = array<i32>} : memref<5x40x128xf32, #tpu.memory_space<vmem>>, vector<1x1x16xf32>,
        %broadcast_in_dim3A_246 = arith.constant 0.000000e+00 : f32
        %broadcast_in_dim3A_247 = vector.broadcast %broadcast_in_dim3A_246 : f32 to vector<16xf32>
        %swap3A_248 = arith.constant 0 : i32
        %swap3A_249 = arith.index_cast %swap3A_248 : i32 to index
        %swap3A_250 = arith.index_cast %scan3A_193 : i32 to index
        %swap3A_251 = arith.constant 96 : index
        %swap3A_252 = tpu.vector_load %arg8[%swap3A_249, %swap3A_250, %swap3A_251] {strides = array<i32>} : memref<5x40x128xf32, #tpu.memory_space<vmem>>, vector<1x1x16xf32>,
        %swap3A_253 = vector.shape_cast %swap3A_252 : vector<1x1x16xf32> to vector<16xf32>
        %swap3A_254 = vector.shape_cast %broadcast_in_dim3A_247 : vector<16xf32> to vector<1x1x16xf32>
        tpu.vector_store %arg8[%swap3A_249, %swap3A_250, %swap3A_251], %swap3A_254 {strides = array<i32>} : memref<5x40x128xf32, #tpu.memory_space<vmem>>, vector<1x1x16xf32>,
        %broadcast_in_dim3A_255 = arith.constant 0.000000e+00 : f32
        %broadcast_in_dim3A_256 = vector.broadcast %broadcast_in_dim3A_255 : f32 to vector<16xf32>
        %swap3A_257 = arith.constant 0 : i32
        %swap3A_258 = arith.index_cast %swap3A_257 : i32 to index
        %swap3A_259 = arith.index_cast %scan3A_193 : i32 to index
        %swap3A_260 = arith.constant 112 : index
        %swap3A_261 = tpu.vector_load %arg8[%swap3A_258, %swap3A_259, %swap3A_260] {strides = array<i32>} : memref<5x40x128xf32, #tpu.memory_space<vmem>>, vector<1x1x16xf32>,
        %swap3A_262 = vector.shape_cast %swap3A_261 : vector<1x1x16xf32> to vector<16xf32>
        %swap3A_263 = vector.shape_cast %broadcast_in_dim3A_256 : vector<16xf32> to vector<1x1x16xf32>
        tpu.vector_store %arg8[%swap3A_258, %swap3A_259, %swap3A_260], %swap3A_263 {strides = array<i32>} : memref<5x40x128xf32, #tpu.memory_space<vmem>>, vector<1x1x16xf32>,
      }
      %scan3A_138 = arith.constant 40 : i32
      %add3A_139 = arith.constant 0 : i32
      %add3A_140 = arith.addi %mul3A_2, %add3A_139 : i32
      %run_scoped3A = arith.constant 0 : i32
      "tpu.region"() ({
        %run_scoped3A_193 = tpu.sem_alloc : memref<!tpu.dma_semaphore, #tpu.memory_space<semaphore_mem>>
        %dma_start3A_194 = arith.constant 0 : i32
        %dma_start3A_195 = arith.constant 0 : i32
        %dma_start3A_196 = tpu.memref_slice %arg8[%run_scoped3A, %dma_start3A_194, %dma_start3A_195] : memref<5x40x128xf32, #tpu.memory_space<vmem>> -> memref<1x40x128xf32, #tpu.memory_space<vmem>>
        %dma_start3A_197 = tpu.memref_squeeze %dma_start3A_196 : memref<1x40x128xf32, #tpu.memory_space<vmem>> -> memref<40x128xf32, #tpu.memory_space<vmem>>
        %dma_start3A_198 = arith.constant 0 : i32
        %dma_start3A_199 = tpu.memref_slice %arg9[%add3A_140, %dma_start3A_198] : memref<10000x128xf32, #tpu.memory_space<vmem_shared>> -> memref<40x128xf32, #tpu.memory_space<vmem_shared>>
        %dma_start3A_200 = arith.constant 0 : i32
        %dma_start3A_201 = tpu.memref_slice %arg9[%add3A_140, %dma_start3A_200] : memref<10000x128xf32, #tpu.memory_space<vmem_shared>> -> memref<40x128xf32, #tpu.memory_space<vmem_shared>>
        %dma_start3A_202 = arith.constant 0 : i32
        %dma_start3A_203 = arith.constant 0 : i32
        %dma_start3A_204 = tpu.memref_slice %arg8[%run_scoped3A, %dma_start3A_202, %dma_start3A_203] : memref<5x40x128xf32, #tpu.memory_space<vmem>> -> memref<1x40x128xf32, #tpu.memory_space<vmem>>
        %dma_start3A_205 = tpu.memref_squeeze %dma_start3A_204 : memref<1x40x128xf32, #tpu.memory_space<vmem>> -> memref<40x128xf32, #tpu.memory_space<vmem>>
        tpu.enqueue_dma source(%dma_start3A_205 : memref<40x128xf32, #tpu.memory_space<vmem>>) target(%dma_start3A_201 : memref<40x128xf32, #tpu.memory_space<vmem_shared>>) target_semaphore(%run_scoped3A_193 : memref<!tpu.dma_semaphore, #tpu.memory_space<semaphore_mem>>)
        %dma_wait3A = arith.constant 0 : i32
        %dma_wait3A_206 = arith.constant 0 : i32
        %dma_wait3A_207 = tpu.memref_slice %arg8[%run_scoped3A, %dma_wait3A, %dma_wait3A_206] : memref<5x40x128xf32, #tpu.memory_space<vmem>> -> memref<1x40x128xf32, #tpu.memory_space<vmem>>
        %dma_wait3A_208 = tpu.memref_squeeze %dma_wait3A_207 : memref<1x40x128xf32, #tpu.memory_space<vmem>> -> memref<40x128xf32, #tpu.memory_space<vmem>>
        %dma_wait3A_209 = arith.constant 0 : i32
        %dma_wait3A_210 = tpu.memref_slice %arg9[%add3A_140, %dma_wait3A_209] : memref<10000x128xf32, #tpu.memory_space<vmem_shared>> -> memref<40x128xf32, #tpu.memory_space<vmem_shared>>
        %dma_wait3A_211 = arith.constant 0 : i32
        %dma_wait3A_212 = tpu.memref_slice %arg9[%add3A_140, %dma_wait3A_211] : memref<10000x128xf32, #tpu.memory_space<vmem_shared>> -> memref<40x128xf32, #tpu.memory_space<vmem_shared>>
        %dma_wait3A_213 = arith.constant 0 : i32
        %dma_wait3A_214 = arith.constant 0 : i32
        %dma_wait3A_215 = tpu.memref_slice %arg8[%run_scoped3A, %dma_wait3A_213, %dma_wait3A_214] : memref<5x40x128xf32, #tpu.memory_space<vmem>> -> memref<1x40x128xf32, #tpu.memory_space<vmem>>
        %dma_wait3A_216 = tpu.memref_squeeze %dma_wait3A_215 : memref<1x40x128xf32, #tpu.memory_space<vmem>> -> memref<40x128xf32, #tpu.memory_space<vmem>>
        tpu.wait_dma2 semaphore(%run_scoped3A_193 : memref<!tpu.dma_semaphore, #tpu.memory_space<semaphore_mem>>) src(%dma_wait3A_216 : memref<40x128xf32, #tpu.memory_space<vmem>>) dst(%dma_wait3A_212 : memref<40x128xf32, #tpu.memory_space<vmem_shared>>)
        tpu.yield
      }) : () -> ()
      %add3A_141 = arith.constant 40 : i32
      %add3A_142 = arith.addi %mul3A_2, %add3A_141 : i32
      %run_scoped3A_143 = arith.constant 0 : i32
      "tpu.region"() ({
        %run_scoped3A_193 = tpu.sem_alloc : memref<!tpu.dma_semaphore, #tpu.memory_space<semaphore_mem>>
        %dma_start3A_194 = arith.constant 0 : i32
        %dma_start3A_195 = arith.constant 0 : i32
        %dma_start3A_196 = tpu.memref_slice %arg8[%run_scoped3A_143, %dma_start3A_194, %dma_start3A_195] : memref<5x40x128xf32, #tpu.memory_space<vmem>> -> memref<1x40x128xf32, #tpu.memory_space<vmem>>
        %dma_start3A_197 = tpu.memref_squeeze %dma_start3A_196 : memref<1x40x128xf32, #tpu.memory_space<vmem>> -> memref<40x128xf32, #tpu.memory_space<vmem>>
        %dma_start3A_198 = arith.constant 0 : i32
        %dma_start3A_199 = tpu.memref_slice %arg9[%add3A_142, %dma_start3A_198] : memref<10000x128xf32, #tpu.memory_space<vmem_shared>> -> memref<40x128xf32, #tpu.memory_space<vmem_shared>>
        %dma_start3A_200 = arith.constant 0 : i32
        %dma_start3A_201 = tpu.memref_slice %arg9[%add3A_142, %dma_start3A_200] : memref<10000x128xf32, #tpu.memory_space<vmem_shared>> -> memref<40x128xf32, #tpu.memory_space<vmem_shared>>
        %dma_start3A_202 = arith.constant 0 : i32
        %dma_start3A_203 = arith.constant 0 : i32
        %dma_start3A_204 = tpu.memref_slice %arg8[%run_scoped3A_143, %dma_start3A_202, %dma_start3A_203] : memref<5x40x128xf32, #tpu.memory_space<vmem>> -> memref<1x40x128xf32, #tpu.memory_space<vmem>>
        %dma_start3A_205 = tpu.memref_squeeze %dma_start3A_204 : memref<1x40x128xf32, #tpu.memory_space<vmem>> -> memref<40x128xf32, #tpu.memory_space<vmem>>
        tpu.enqueue_dma source(%dma_start3A_205 : memref<40x128xf32, #tpu.memory_space<vmem>>) target(%dma_start3A_201 : memref<40x128xf32, #tpu.memory_space<vmem_shared>>) target_semaphore(%run_scoped3A_193 : memref<!tpu.dma_semaphore, #tpu.memory_space<semaphore_mem>>)
        %dma_wait3A = arith.constant 0 : i32
        %dma_wait3A_206 = arith.constant 0 : i32
        %dma_wait3A_207 = tpu.memref_slice %arg8[%run_scoped3A_143, %dma_wait3A, %dma_wait3A_206] : memref<5x40x128xf32, #tpu.memory_space<vmem>> -> memref<1x40x128xf32, #tpu.memory_space<vmem>>
        %dma_wait3A_208 = tpu.memref_squeeze %dma_wait3A_207 : memref<1x40x128xf32, #tpu.memory_space<vmem>> -> memref<40x128xf32, #tpu.memory_space<vmem>>
        %dma_wait3A_209 = arith.constant 0 : i32
        %dma_wait3A_210 = tpu.memref_slice %arg9[%add3A_142, %dma_wait3A_209] : memref<10000x128xf32, #tpu.memory_space<vmem_shared>> -> memref<40x128xf32, #tpu.memory_space<vmem_shared>>
        %dma_wait3A_211 = arith.constant 0 : i32
        %dma_wait3A_212 = tpu.memref_slice %arg9[%add3A_142, %dma_wait3A_211] : memref<10000x128xf32, #tpu.memory_space<vmem_shared>> -> memref<40x128xf32, #tpu.memory_space<vmem_shared>>
        %dma_wait3A_213 = arith.constant 0 : i32
        %dma_wait3A_214 = arith.constant 0 : i32
        %dma_wait3A_215 = tpu.memref_slice %arg8[%run_scoped3A_143, %dma_wait3A_213, %dma_wait3A_214] : memref<5x40x128xf32, #tpu.memory_space<vmem>> -> memref<1x40x128xf32, #tpu.memory_space<vmem>>
        %dma_wait3A_216 = tpu.memref_squeeze %dma_wait3A_215 : memref<1x40x128xf32, #tpu.memory_space<vmem>> -> memref<40x128xf32, #tpu.memory_space<vmem>>
        tpu.wait_dma2 semaphore(%run_scoped3A_193 : memref<!tpu.dma_semaphore, #tpu.memory_space<semaphore_mem>>) src(%dma_wait3A_216 : memref<40x128xf32, #tpu.memory_space<vmem>>) dst(%dma_wait3A_212 : memref<40x128xf32, #tpu.memory_space<vmem_shared>>)
        tpu.yield
      }) : () -> ()
      %add3A_144 = arith.constant 80 : i32
      %add3A_145 = arith.addi %mul3A_2, %add3A_144 : i32
      %run_scoped3A_146 = arith.constant 0 : i32
      "tpu.region"() ({
        %run_scoped3A_193 = tpu.sem_alloc : memref<!tpu.dma_semaphore, #tpu.memory_space<semaphore_mem>>
        %dma_start3A_194 = arith.constant 0 : i32
        %dma_start3A_195 = arith.constant 0 : i32
        %dma_start3A_196 = tpu.memref_slice %arg8[%run_scoped3A_146, %dma_start3A_194, %dma_start3A_195] : memref<5x40x128xf32, #tpu.memory_space<vmem>> -> memref<1x40x128xf32, #tpu.memory_space<vmem>>
        %dma_start3A_197 = tpu.memref_squeeze %dma_start3A_196 : memref<1x40x128xf32, #tpu.memory_space<vmem>> -> memref<40x128xf32, #tpu.memory_space<vmem>>
        %dma_start3A_198 = arith.constant 0 : i32
        %dma_start3A_199 = tpu.memref_slice %arg9[%add3A_145, %dma_start3A_198] : memref<10000x128xf32, #tpu.memory_space<vmem_shared>> -> memref<40x128xf32, #tpu.memory_space<vmem_shared>>
        %dma_start3A_200 = arith.constant 0 : i32
        %dma_start3A_201 = tpu.memref_slice %arg9[%add3A_145, %dma_start3A_200] : memref<10000x128xf32, #tpu.memory_space<vmem_shared>> -> memref<40x128xf32, #tpu.memory_space<vmem_shared>>
        %dma_start3A_202 = arith.constant 0 : i32
        %dma_start3A_203 = arith.constant 0 : i32
        %dma_start3A_204 = tpu.memref_slice %arg8[%run_scoped3A_146, %dma_start3A_202, %dma_start3A_203] : memref<5x40x128xf32, #tpu.memory_space<vmem>> -> memref<1x40x128xf32, #tpu.memory_space<vmem>>
        %dma_start3A_205 = tpu.memref_squeeze %dma_start3A_204 : memref<1x40x128xf32, #tpu.memory_space<vmem>> -> memref<40x128xf32, #tpu.memory_space<vmem>>
        tpu.enqueue_dma source(%dma_start3A_205 : memref<40x128xf32, #tpu.memory_space<vmem>>) target(%dma_start3A_201 : memref<40x128xf32, #tpu.memory_space<vmem_shared>>) target_semaphore(%run_scoped3A_193 : memref<!tpu.dma_semaphore, #tpu.memory_space<semaphore_mem>>)
        %dma_wait3A = arith.constant 0 : i32
        %dma_wait3A_206 = arith.constant 0 : i32
        %dma_wait3A_207 = tpu.memref_slice %arg8[%run_scoped3A_146, %dma_wait3A, %dma_wait3A_206] : memref<5x40x128xf32, #tpu.memory_space<vmem>> -> memref<1x40x128xf32, #tpu.memory_space<vmem>>
        %dma_wait3A_208 = tpu.memref_squeeze %dma_wait3A_207 : memref<1x40x128xf32, #tpu.memory_space<vmem>> -> memref<40x128xf32, #tpu.memory_space<vmem>>
        %dma_wait3A_209 = arith.constant 0 : i32
        %dma_wait3A_210 = tpu.memref_slice %arg9[%add3A_145, %dma_wait3A_209] : memref<10000x128xf32, #tpu.memory_space<vmem_shared>> -> memref<40x128xf32, #tpu.memory_space<vmem_shared>>
        %dma_wait3A_211 = arith.constant 0 : i32
        %dma_wait3A_212 = tpu.memref_slice %arg9[%add3A_145, %dma_wait3A_211] : memref<10000x128xf32, #tpu.memory_space<vmem_shared>> -> memref<40x128xf32, #tpu.memory_space<vmem_shared>>
        %dma_wait3A_213 = arith.constant 0 : i32
        %dma_wait3A_214 = arith.constant 0 : i32
        %dma_wait3A_215 = tpu.memref_slice %arg8[%run_scoped3A_146, %dma_wait3A_213, %dma_wait3A_214] : memref<5x40x128xf32, #tpu.memory_space<vmem>> -> memref<1x40x128xf32, #tpu.memory_space<vmem>>
        %dma_wait3A_216 = tpu.memref_squeeze %dma_wait3A_215 : memref<1x40x128xf32, #tpu.memory_space<vmem>> -> memref<40x128xf32, #tpu.memory_space<vmem>>
        tpu.wait_dma2 semaphore(%run_scoped3A_193 : memref<!tpu.dma_semaphore, #tpu.memory_space<semaphore_mem>>) src(%dma_wait3A_216 : memref<40x128xf32, #tpu.memory_space<vmem>>) dst(%dma_wait3A_212 : memref<40x128xf32, #tpu.memory_space<vmem_shared>>)
        tpu.yield
      }) : () -> ()
      %add3A_147 = arith.constant 120 : i32
      %add3A_148 = arith.addi %mul3A_2, %add3A_147 : i32
      %run_scoped3A_149 = arith.constant 0 : i32
      "tpu.region"() ({
        %run_scoped3A_193 = tpu.sem_alloc : memref<!tpu.dma_semaphore, #tpu.memory_space<semaphore_mem>>
        %dma_start3A_194 = arith.constant 0 : i32
        %dma_start3A_195 = arith.constant 0 : i32
        %dma_start3A_196 = tpu.memref_slice %arg8[%run_scoped3A_149, %dma_start3A_194, %dma_start3A_195] : memref<5x40x128xf32, #tpu.memory_space<vmem>> -> memref<1x40x128xf32, #tpu.memory_space<vmem>>
        %dma_start3A_197 = tpu.memref_squeeze %dma_start3A_196 : memref<1x40x128xf32, #tpu.memory_space<vmem>> -> memref<40x128xf32, #tpu.memory_space<vmem>>
        %dma_start3A_198 = arith.constant 0 : i32
        %dma_start3A_199 = tpu.memref_slice %arg9[%add3A_148, %dma_start3A_198] : memref<10000x128xf32, #tpu.memory_space<vmem_shared>> -> memref<40x128xf32, #tpu.memory_space<vmem_shared>>
        %dma_start3A_200 = arith.constant 0 : i32
        %dma_start3A_201 = tpu.memref_slice %arg9[%add3A_148, %dma_start3A_200] : memref<10000x128xf32, #tpu.memory_space<vmem_shared>> -> memref<40x128xf32, #tpu.memory_space<vmem_shared>>
        %dma_start3A_202 = arith.constant 0 : i32
        %dma_start3A_203 = arith.constant 0 : i32
        %dma_start3A_204 = tpu.memref_slice %arg8[%run_scoped3A_149, %dma_start3A_202, %dma_start3A_203] : memref<5x40x128xf32, #tpu.memory_space<vmem>> -> memref<1x40x128xf32, #tpu.memory_space<vmem>>
        %dma_start3A_205 = tpu.memref_squeeze %dma_start3A_204 : memref<1x40x128xf32, #tpu.memory_space<vmem>> -> memref<40x128xf32, #tpu.memory_space<vmem>>
        tpu.enqueue_dma source(%dma_start3A_205 : memref<40x128xf32, #tpu.memory_space<vmem>>) target(%dma_start3A_201 : memref<40x128xf32, #tpu.memory_space<vmem_shared>>) target_semaphore(%run_scoped3A_193 : memref<!tpu.dma_semaphore, #tpu.memory_space<semaphore_mem>>)
        %dma_wait3A = arith.constant 0 : i32
        %dma_wait3A_206 = arith.constant 0 : i32
        %dma_wait3A_207 = tpu.memref_slice %arg8[%run_scoped3A_149, %dma_wait3A, %dma_wait3A_206] : memref<5x40x128xf32, #tpu.memory_space<vmem>> -> memref<1x40x128xf32, #tpu.memory_space<vmem>>
        %dma_wait3A_208 = tpu.memref_squeeze %dma_wait3A_207 : memref<1x40x128xf32, #tpu.memory_space<vmem>> -> memref<40x128xf32, #tpu.memory_space<vmem>>
        %dma_wait3A_209 = arith.constant 0 : i32
        %dma_wait3A_210 = tpu.memref_slice %arg9[%add3A_148, %dma_wait3A_209] : memref<10000x128xf32, #tpu.memory_space<vmem_shared>> -> memref<40x128xf32, #tpu.memory_space<vmem_shared>>
        %dma_wait3A_211 = arith.constant 0 : i32
        %dma_wait3A_212 = tpu.memref_slice %arg9[%add3A_148, %dma_wait3A_211] : memref<10000x128xf32, #tpu.memory_space<vmem_shared>> -> memref<40x128xf32, #tpu.memory_space<vmem_shared>>
        %dma_wait3A_213 = arith.constant 0 : i32
        %dma_wait3A_214 = arith.constant 0 : i32
        %dma_wait3A_215 = tpu.memref_slice %arg8[%run_scoped3A_149, %dma_wait3A_213, %dma_wait3A_214] : memref<5x40x128xf32, #tpu.memory_space<vmem>> -> memref<1x40x128xf32, #tpu.memory_space<vmem>>
        %dma_wait3A_216 = tpu.memref_squeeze %dma_wait3A_215 : memref<1x40x128xf32, #tpu.memory_space<vmem>> -> memref<40x128xf32, #tpu.memory_space<vmem>>
        tpu.wait_dma2 semaphore(%run_scoped3A_193 : memref<!tpu.dma_semaphore, #tpu.memory_space<semaphore_mem>>) src(%dma_wait3A_216 : memref<40x128xf32, #tpu.memory_space<vmem>>) dst(%dma_wait3A_212 : memref<40x128xf32, #tpu.memory_space<vmem_shared>>)
        tpu.yield
      }) : () -> ()
      %add3A_150 = arith.constant 160 : i32
      %add3A_151 = arith.addi %mul3A_2, %add3A_150 : i32
      %run_scoped3A_152 = arith.constant 0 : i32
      "tpu.region"() ({
        %run_scoped3A_193 = tpu.sem_alloc : memref<!tpu.dma_semaphore, #tpu.memory_space<semaphore_mem>>
        %dma_start3A_194 = arith.constant 0 : i32
        %dma_start3A_195 = arith.constant 0 : i32
        %dma_start3A_196 = tpu.memref_slice %arg8[%run_scoped3A_152, %dma_start3A_194, %dma_start3A_195] : memref<5x40x128xf32, #tpu.memory_space<vmem>> -> memref<1x40x128xf32, #tpu.memory_space<vmem>>
        %dma_start3A_197 = tpu.memref_squeeze %dma_start3A_196 : memref<1x40x128xf32, #tpu.memory_space<vmem>> -> memref<40x128xf32, #tpu.memory_space<vmem>>
        %dma_start3A_198 = arith.constant 0 : i32
        %dma_start3A_199 = tpu.memref_slice %arg9[%add3A_151, %dma_start3A_198] : memref<10000x128xf32, #tpu.memory_space<vmem_shared>> -> memref<40x128xf32, #tpu.memory_space<vmem_shared>>
        %dma_start3A_200 = arith.constant 0 : i32
        %dma_start3A_201 = tpu.memref_slice %arg9[%add3A_151, %dma_start3A_200] : memref<10000x128xf32, #tpu.memory_space<vmem_shared>> -> memref<40x128xf32, #tpu.memory_space<vmem_shared>>
        %dma_start3A_202 = arith.constant 0 : i32
        %dma_start3A_203 = arith.constant 0 : i32
        %dma_start3A_204 = tpu.memref_slice %arg8[%run_scoped3A_152, %dma_start3A_202, %dma_start3A_203] : memref<5x40x128xf32, #tpu.memory_space<vmem>> -> memref<1x40x128xf32, #tpu.memory_space<vmem>>
        %dma_start3A_205 = tpu.memref_squeeze %dma_start3A_204 : memref<1x40x128xf32, #tpu.memory_space<vmem>> -> memref<40x128xf32, #tpu.memory_space<vmem>>
        tpu.enqueue_dma source(%dma_start3A_205 : memref<40x128xf32, #tpu.memory_space<vmem>>) target(%dma_start3A_201 : memref<40x128xf32, #tpu.memory_space<vmem_shared>>) target_semaphore(%run_scoped3A_193 : memref<!tpu.dma_semaphore, #tpu.memory_space<semaphore_mem>>)
        %dma_wait3A = arith.constant 0 : i32
        %dma_wait3A_206 = arith.constant 0 : i32
        %dma_wait3A_207 = tpu.memref_slice %arg8[%run_scoped3A_152, %dma_wait3A, %dma_wait3A_206] : memref<5x40x128xf32, #tpu.memory_space<vmem>> -> memref<1x40x128xf32, #tpu.memory_space<vmem>>
        %dma_wait3A_208 = tpu.memref_squeeze %dma_wait3A_207 : memref<1x40x128xf32, #tpu.memory_space<vmem>> -> memref<40x128xf32, #tpu.memory_space<vmem>>
        %dma_wait3A_209 = arith.constant 0 : i32
        %dma_wait3A_210 = tpu.memref_slice %arg9[%add3A_151, %dma_wait3A_209] : memref<10000x128xf32, #tpu.memory_space<vmem_shared>> -> memref<40x128xf32, #tpu.memory_space<vmem_shared>>
        %dma_wait3A_211 = arith.constant 0 : i32
        %dma_wait3A_212 = tpu.memref_slice %arg9[%add3A_151, %dma_wait3A_211] : memref<10000x128xf32, #tpu.memory_space<vmem_shared>> -> memref<40x128xf32, #tpu.memory_space<vmem_shared>>
        %dma_wait3A_213 = arith.constant 0 : i32
        %dma_wait3A_214 = arith.constant 0 : i32
        %dma_wait3A_215 = tpu.memref_slice %arg8[%run_scoped3A_152, %dma_wait3A_213, %dma_wait3A_214] : memref<5x40x128xf32, #tpu.memory_space<vmem>> -> memref<1x40x128xf32, #tpu.memory_space<vmem>>
        %dma_wait3A_216 = tpu.memref_squeeze %dma_wait3A_215 : memref<1x40x128xf32, #tpu.memory_space<vmem>> -> memref<40x128xf32, #tpu.memory_space<vmem>>
        tpu.wait_dma2 semaphore(%run_scoped3A_193 : memref<!tpu.dma_semaphore, #tpu.memory_space<semaphore_mem>>) src(%dma_wait3A_216 : memref<40x128xf32, #tpu.memory_space<vmem>>) dst(%dma_wait3A_212 : memref<40x128xf32, #tpu.memory_space<vmem_shared>>)
        tpu.yield
      }) : () -> ()
      %add3A_153 = arith.constant 200 : i32
      %add3A_154 = arith.addi %mul3A_2, %add3A_153 : i32
      %run_scoped3A_155 = arith.constant 0 : i32
      "tpu.region"() ({
        %run_scoped3A_193 = tpu.sem_alloc : memref<!tpu.dma_semaphore, #tpu.memory_space<semaphore_mem>>
        %dma_start3A_194 = arith.constant 0 : i32
        %dma_start3A_195 = arith.constant 0 : i32
        %dma_start3A_196 = tpu.memref_slice %arg8[%run_scoped3A_155, %dma_start3A_194, %dma_start3A_195] : memref<5x40x128xf32, #tpu.memory_space<vmem>> -> memref<1x40x128xf32, #tpu.memory_space<vmem>>
        %dma_start3A_197 = tpu.memref_squeeze %dma_start3A_196 : memref<1x40x128xf32, #tpu.memory_space<vmem>> -> memref<40x128xf32, #tpu.memory_space<vmem>>
        %dma_start3A_198 = arith.constant 0 : i32
        %dma_start3A_199 = tpu.memref_slice %arg9[%add3A_154, %dma_start3A_198] : memref<10000x128xf32, #tpu.memory_space<vmem_shared>> -> memref<40x128xf32, #tpu.memory_space<vmem_shared>>
        %dma_start3A_200 = arith.constant 0 : i32
        %dma_start3A_201 = tpu.memref_slice %arg9[%add3A_154, %dma_start3A_200] : memref<10000x128xf32, #tpu.memory_space<vmem_shared>> -> memref<40x128xf32, #tpu.memory_space<vmem_shared>>
        %dma_start3A_202 = arith.constant 0 : i32
        %dma_start3A_203 = arith.constant 0 : i32
        %dma_start3A_204 = tpu.memref_slice %arg8[%run_scoped3A_155, %dma_start3A_202, %dma_start3A_203] : memref<5x40x128xf32, #tpu.memory_space<vmem>> -> memref<1x40x128xf32, #tpu.memory_space<vmem>>
        %dma_start3A_205 = tpu.memref_squeeze %dma_start3A_204 : memref<1x40x128xf32, #tpu.memory_space<vmem>> -> memref<40x128xf32, #tpu.memory_space<vmem>>
        tpu.enqueue_dma source(%dma_start3A_205 : memref<40x128xf32, #tpu.memory_space<vmem>>) target(%dma_start3A_201 : memref<40x128xf32, #tpu.memory_space<vmem_shared>>) target_semaphore(%run_scoped3A_193 : memref<!tpu.dma_semaphore, #tpu.memory_space<semaphore_mem>>)
        %dma_wait3A = arith.constant 0 : i32
        %dma_wait3A_206 = arith.constant 0 : i32
        %dma_wait3A_207 = tpu.memref_slice %arg8[%run_scoped3A_155, %dma_wait3A, %dma_wait3A_206] : memref<5x40x128xf32, #tpu.memory_space<vmem>> -> memref<1x40x128xf32, #tpu.memory_space<vmem>>
        %dma_wait3A_208 = tpu.memref_squeeze %dma_wait3A_207 : memref<1x40x128xf32, #tpu.memory_space<vmem>> -> memref<40x128xf32, #tpu.memory_space<vmem>>
        %dma_wait3A_209 = arith.constant 0 : i32
        %dma_wait3A_210 = tpu.memref_slice %arg9[%add3A_154, %dma_wait3A_209] : memref<10000x128xf32, #tpu.memory_space<vmem_shared>> -> memref<40x128xf32, #tpu.memory_space<vmem_shared>>
        %dma_wait3A_211 = arith.constant 0 : i32
        %dma_wait3A_212 = tpu.memref_slice %arg9[%add3A_154, %dma_wait3A_211] : memref<10000x128xf32, #tpu.memory_space<vmem_shared>> -> memref<40x128xf32, #tpu.memory_space<vmem_shared>>
        %dma_wait3A_213 = arith.constant 0 : i32
        %dma_wait3A_214 = arith.constant 0 : i32
        %dma_wait3A_215 = tpu.memref_slice %arg8[%run_scoped3A_155, %dma_wait3A_213, %dma_wait3A_214] : memref<5x40x128xf32, #tpu.memory_space<vmem>> -> memref<1x40x128xf32, #tpu.memory_space<vmem>>
        %dma_wait3A_216 = tpu.memref_squeeze %dma_wait3A_215 : memref<1x40x128xf32, #tpu.memory_space<vmem>> -> memref<40x128xf32, #tpu.memory_space<vmem>>
        tpu.wait_dma2 semaphore(%run_scoped3A_193 : memref<!tpu.dma_semaphore, #tpu.memory_space<semaphore_mem>>) src(%dma_wait3A_216 : memref<40x128xf32, #tpu.memory_space<vmem>>) dst(%dma_wait3A_212 : memref<40x128xf32, #tpu.memory_space<vmem_shared>>)
        tpu.yield
      }) : () -> ()
      %add3A_156 = arith.constant 240 : i32
      %add3A_157 = arith.addi %mul3A_2, %add3A_156 : i32
      %run_scoped3A_158 = arith.constant 0 : i32
      "tpu.region"() ({
        %run_scoped3A_193 = tpu.sem_alloc : memref<!tpu.dma_semaphore, #tpu.memory_space<semaphore_mem>>
        %dma_start3A_194 = arith.constant 0 : i32
        %dma_start3A_195 = arith.constant 0 : i32
        %dma_start3A_196 = tpu.memref_slice %arg8[%run_scoped3A_158, %dma_start3A_194, %dma_start3A_195] : memref<5x40x128xf32, #tpu.memory_space<vmem>> -> memref<1x40x128xf32, #tpu.memory_space<vmem>>
        %dma_start3A_197 = tpu.memref_squeeze %dma_start3A_196 : memref<1x40x128xf32, #tpu.memory_space<vmem>> -> memref<40x128xf32, #tpu.memory_space<vmem>>
        %dma_start3A_198 = arith.constant 0 : i32
        %dma_start3A_199 = tpu.memref_slice %arg9[%add3A_157, %dma_start3A_198] : memref<10000x128xf32, #tpu.memory_space<vmem_shared>> -> memref<40x128xf32, #tpu.memory_space<vmem_shared>>
        %dma_start3A_200 = arith.constant 0 : i32
        %dma_start3A_201 = tpu.memref_slice %arg9[%add3A_157, %dma_start3A_200] : memref<10000x128xf32, #tpu.memory_space<vmem_shared>> -> memref<40x128xf32, #tpu.memory_space<vmem_shared>>
        %dma_start3A_202 = arith.constant 0 : i32
        %dma_start3A_203 = arith.constant 0 : i32
        %dma_start3A_204 = tpu.memref_slice %arg8[%run_scoped3A_158, %dma_start3A_202, %dma_start3A_203] : memref<5x40x128xf32, #tpu.memory_space<vmem>> -> memref<1x40x128xf32, #tpu.memory_space<vmem>>
        %dma_start3A_205 = tpu.memref_squeeze %dma_start3A_204 : memref<1x40x128xf32, #tpu.memory_space<vmem>> -> memref<40x128xf32, #tpu.memory_space<vmem>>
        tpu.enqueue_dma source(%dma_start3A_205 : memref<40x128xf32, #tpu.memory_space<vmem>>) target(%dma_start3A_201 : memref<40x128xf32, #tpu.memory_space<vmem_shared>>) target_semaphore(%run_scoped3A_193 : memref<!tpu.dma_semaphore, #tpu.memory_space<semaphore_mem>>)
        %dma_wait3A = arith.constant 0 : i32
        %dma_wait3A_206 = arith.constant 0 : i32
        %dma_wait3A_207 = tpu.memref_slice %arg8[%run_scoped3A_158, %dma_wait3A, %dma_wait3A_206] : memref<5x40x128xf32, #tpu.memory_space<vmem>> -> memref<1x40x128xf32, #tpu.memory_space<vmem>>
        %dma_wait3A_208 = tpu.memref_squeeze %dma_wait3A_207 : memref<1x40x128xf32, #tpu.memory_space<vmem>> -> memref<40x128xf32, #tpu.memory_space<vmem>>
        %dma_wait3A_209 = arith.constant 0 : i32
        %dma_wait3A_210 = tpu.memref_slice %arg9[%add3A_157, %dma_wait3A_209] : memref<10000x128xf32, #tpu.memory_space<vmem_shared>> -> memref<40x128xf32, #tpu.memory_space<vmem_shared>>
        %dma_wait3A_211 = arith.constant 0 : i32
        %dma_wait3A_212 = tpu.memref_slice %arg9[%add3A_157, %dma_wait3A_211] : memref<10000x128xf32, #tpu.memory_space<vmem_shared>> -> memref<40x128xf32, #tpu.memory_space<vmem_shared>>
        %dma_wait3A_213 = arith.constant 0 : i32
        %dma_wait3A_214 = arith.constant 0 : i32
        %dma_wait3A_215 = tpu.memref_slice %arg8[%run_scoped3A_158, %dma_wait3A_213, %dma_wait3A_214] : memref<5x40x128xf32, #tpu.memory_space<vmem>> -> memref<1x40x128xf32, #tpu.memory_space<vmem>>
        %dma_wait3A_216 = tpu.memref_squeeze %dma_wait3A_215 : memref<1x40x128xf32, #tpu.memory_space<vmem>> -> memref<40x128xf32, #tpu.memory_space<vmem>>
        tpu.wait_dma2 semaphore(%run_scoped3A_193 : memref<!tpu.dma_semaphore, #tpu.memory_space<semaphore_mem>>) src(%dma_wait3A_216 : memref<40x128xf32, #tpu.memory_space<vmem>>) dst(%dma_wait3A_212 : memref<40x128xf32, #tpu.memory_space<vmem_shared>>)
        tpu.yield
      }) : () -> ()
      %add3A_159 = arith.constant 280 : i32
      %add3A_160 = arith.addi %mul3A_2, %add3A_159 : i32
      %run_scoped3A_161 = arith.constant 0 : i32
      "tpu.region"() ({
        %run_scoped3A_193 = tpu.sem_alloc : memref<!tpu.dma_semaphore, #tpu.memory_space<semaphore_mem>>
        %dma_start3A_194 = arith.constant 0 : i32
        %dma_start3A_195 = arith.constant 0 : i32
        %dma_start3A_196 = tpu.memref_slice %arg8[%run_scoped3A_161, %dma_start3A_194, %dma_start3A_195] : memref<5x40x128xf32, #tpu.memory_space<vmem>> -> memref<1x40x128xf32, #tpu.memory_space<vmem>>
        %dma_start3A_197 = tpu.memref_squeeze %dma_start3A_196 : memref<1x40x128xf32, #tpu.memory_space<vmem>> -> memref<40x128xf32, #tpu.memory_space<vmem>>
        %dma_start3A_198 = arith.constant 0 : i32
        %dma_start3A_199 = tpu.memref_slice %arg9[%add3A_160, %dma_start3A_198] : memref<10000x128xf32, #tpu.memory_space<vmem_shared>> -> memref<40x128xf32, #tpu.memory_space<vmem_shared>>
        %dma_start3A_200 = arith.constant 0 : i32
        %dma_start3A_201 = tpu.memref_slice %arg9[%add3A_160, %dma_start3A_200] : memref<10000x128xf32, #tpu.memory_space<vmem_shared>> -> memref<40x128xf32, #tpu.memory_space<vmem_shared>>
        %dma_start3A_202 = arith.constant 0 : i32
        %dma_start3A_203 = arith.constant 0 : i32
        %dma_start3A_204 = tpu.memref_slice %arg8[%run_scoped3A_161, %dma_start3A_202, %dma_start3A_203] : memref<5x40x128xf32, #tpu.memory_space<vmem>> -> memref<1x40x128xf32, #tpu.memory_space<vmem>>
        %dma_start3A_205 = tpu.memref_squeeze %dma_start3A_204 : memref<1x40x128xf32, #tpu.memory_space<vmem>> -> memref<40x128xf32, #tpu.memory_space<vmem>>
        tpu.enqueue_dma source(%dma_start3A_205 : memref<40x128xf32, #tpu.memory_space<vmem>>) target(%dma_start3A_201 : memref<40x128xf32, #tpu.memory_space<vmem_shared>>) target_semaphore(%run_scoped3A_193 : memref<!tpu.dma_semaphore, #tpu.memory_space<semaphore_mem>>)
        %dma_wait3A = arith.constant 0 : i32
        %dma_wait3A_206 = arith.constant 0 : i32
        %dma_wait3A_207 = tpu.memref_slice %arg8[%run_scoped3A_161, %dma_wait3A, %dma_wait3A_206] : memref<5x40x128xf32, #tpu.memory_space<vmem>> -> memref<1x40x128xf32, #tpu.memory_space<vmem>>
        %dma_wait3A_208 = tpu.memref_squeeze %dma_wait3A_207 : memref<1x40x128xf32, #tpu.memory_space<vmem>> -> memref<40x128xf32, #tpu.memory_space<vmem>>
        %dma_wait3A_209 = arith.constant 0 : i32
        %dma_wait3A_210 = tpu.memref_slice %arg9[%add3A_160, %dma_wait3A_209] : memref<10000x128xf32, #tpu.memory_space<vmem_shared>> -> memref<40x128xf32, #tpu.memory_space<vmem_shared>>
        %dma_wait3A_211 = arith.constant 0 : i32
        %dma_wait3A_212 = tpu.memref_slice %arg9[%add3A_160, %dma_wait3A_211] : memref<10000x128xf32, #tpu.memory_space<vmem_shared>> -> memref<40x128xf32, #tpu.memory_space<vmem_shared>>
        %dma_wait3A_213 = arith.constant 0 : i32
        %dma_wait3A_214 = arith.constant 0 : i32
        %dma_wait3A_215 = tpu.memref_slice %arg8[%run_scoped3A_161, %dma_wait3A_213, %dma_wait3A_214] : memref<5x40x128xf32, #tpu.memory_space<vmem>> -> memref<1x40x128xf32, #tpu.memory_space<vmem>>
        %dma_wait3A_216 = tpu.memref_squeeze %dma_wait3A_215 : memref<1x40x128xf32, #tpu.memory_space<vmem>> -> memref<40x128xf32, #tpu.memory_space<vmem>>
        tpu.wait_dma2 semaphore(%run_scoped3A_193 : memref<!tpu.dma_semaphore, #tpu.memory_space<semaphore_mem>>) src(%dma_wait3A_216 : memref<40x128xf32, #tpu.memory_space<vmem>>) dst(%dma_wait3A_212 : memref<40x128xf32, #tpu.memory_space<vmem_shared>>)
        tpu.yield
      }) : () -> ()
      %add3A_162 = arith.constant 320 : i32
      %add3A_163 = arith.addi %mul3A_2, %add3A_162 : i32
      %run_scoped3A_164 = arith.constant 0 : i32
      "tpu.region"() ({
        %run_scoped3A_193 = tpu.sem_alloc : memref<!tpu.dma_semaphore, #tpu.memory_space<semaphore_mem>>
        %dma_start3A_194 = arith.constant 0 : i32
        %dma_start3A_195 = arith.constant 0 : i32
        %dma_start3A_196 = tpu.memref_slice %arg8[%run_scoped3A_164, %dma_start3A_194, %dma_start3A_195] : memref<5x40x128xf32, #tpu.memory_space<vmem>> -> memref<1x40x128xf32, #tpu.memory_space<vmem>>
        %dma_start3A_197 = tpu.memref_squeeze %dma_start3A_196 : memref<1x40x128xf32, #tpu.memory_space<vmem>> -> memref<40x128xf32, #tpu.memory_space<vmem>>
        %dma_start3A_198 = arith.constant 0 : i32
        %dma_start3A_199 = tpu.memref_slice %arg9[%add3A_163, %dma_start3A_198] : memref<10000x128xf32, #tpu.memory_space<vmem_shared>> -> memref<40x128xf32, #tpu.memory_space<vmem_shared>>
        %dma_start3A_200 = arith.constant 0 : i32
        %dma_start3A_201 = tpu.memref_slice %arg9[%add3A_163, %dma_start3A_200] : memref<10000x128xf32, #tpu.memory_space<vmem_shared>> -> memref<40x128xf32, #tpu.memory_space<vmem_shared>>
        %dma_start3A_202 = arith.constant 0 : i32
        %dma_start3A_203 = arith.constant 0 : i32
        %dma_start3A_204 = tpu.memref_slice %arg8[%run_scoped3A_164, %dma_start3A_202, %dma_start3A_203] : memref<5x40x128xf32, #tpu.memory_space<vmem>> -> memref<1x40x128xf32, #tpu.memory_space<vmem>>
        %dma_start3A_205 = tpu.memref_squeeze %dma_start3A_204 : memref<1x40x128xf32, #tpu.memory_space<vmem>> -> memref<40x128xf32, #tpu.memory_space<vmem>>
        tpu.enqueue_dma source(%dma_start3A_205 : memref<40x128xf32, #tpu.memory_space<vmem>>) target(%dma_start3A_201 : memref<40x128xf32, #tpu.memory_space<vmem_shared>>) target_semaphore(%run_scoped3A_193 : memref<!tpu.dma_semaphore, #tpu.memory_space<semaphore_mem>>)
        %dma_wait3A = arith.constant 0 : i32
        %dma_wait3A_206 = arith.constant 0 : i32
        %dma_wait3A_207 = tpu.memref_slice %arg8[%run_scoped3A_164, %dma_wait3A, %dma_wait3A_206] : memref<5x40x128xf32, #tpu.memory_space<vmem>> -> memref<1x40x128xf32, #tpu.memory_space<vmem>>
        %dma_wait3A_208 = tpu.memref_squeeze %dma_wait3A_207 : memref<1x40x128xf32, #tpu.memory_space<vmem>> -> memref<40x128xf32, #tpu.memory_space<vmem>>
        %dma_wait3A_209 = arith.constant 0 : i32
        %dma_wait3A_210 = tpu.memref_slice %arg9[%add3A_163, %dma_wait3A_209] : memref<10000x128xf32, #tpu.memory_space<vmem_shared>> -> memref<40x128xf32, #tpu.memory_space<vmem_shared>>
        %dma_wait3A_211 = arith.constant 0 : i32
        %dma_wait3A_212 = tpu.memref_slice %arg9[%add3A_163, %dma_wait3A_211] : memref<10000x128xf32, #tpu.memory_space<vmem_shared>> -> memref<40x128xf32, #tpu.memory_space<vmem_shared>>
        %dma_wait3A_213 = arith.constant 0 : i32
        %dma_wait3A_214 = arith.constant 0 : i32
        %dma_wait3A_215 = tpu.memref_slice %arg8[%run_scoped3A_164, %dma_wait3A_213, %dma_wait3A_214] : memref<5x40x128xf32, #tpu.memory_space<vmem>> -> memref<1x40x128xf32, #tpu.memory_space<vmem>>
        %dma_wait3A_216 = tpu.memref_squeeze %dma_wait3A_215 : memref<1x40x128xf32, #tpu.memory_space<vmem>> -> memref<40x128xf32, #tpu.memory_space<vmem>>
        tpu.wait_dma2 semaphore(%run_scoped3A_193 : memref<!tpu.dma_semaphore, #tpu.memory_space<semaphore_mem>>) src(%dma_wait3A_216 : memref<40x128xf32, #tpu.memory_space<vmem>>) dst(%dma_wait3A_212 : memref<40x128xf32, #tpu.memory_space<vmem_shared>>)
        tpu.yield
      }) : () -> ()
      %add3A_165 = arith.constant 360 : i32
      %add3A_166 = arith.addi %mul3A_2, %add3A_165 : i32
      %run_scoped3A_167 = arith.constant 0 : i32
      "tpu.region"() ({
        %run_scoped3A_193 = tpu.sem_alloc : memref<!tpu.dma_semaphore, #tpu.memory_space<semaphore_mem>>
        %dma_start3A_194 = arith.constant 0 : i32
        %dma_start3A_195 = arith.constant 0 : i32
        %dma_start3A_196 = tpu.memref_slice %arg8[%run_scoped3A_167, %dma_start3A_194, %dma_start3A_195] : memref<5x40x128xf32, #tpu.memory_space<vmem>> -> memref<1x40x128xf32, #tpu.memory_space<vmem>>
        %dma_start3A_197 = tpu.memref_squeeze %dma_start3A_196 : memref<1x40x128xf32, #tpu.memory_space<vmem>> -> memref<40x128xf32, #tpu.memory_space<vmem>>
        %dma_start3A_198 = arith.constant 0 : i32
        %dma_start3A_199 = tpu.memref_slice %arg9[%add3A_166, %dma_start3A_198] : memref<10000x128xf32, #tpu.memory_space<vmem_shared>> -> memref<40x128xf32, #tpu.memory_space<vmem_shared>>
        %dma_start3A_200 = arith.constant 0 : i32
        %dma_start3A_201 = tpu.memref_slice %arg9[%add3A_166, %dma_start3A_200] : memref<10000x128xf32, #tpu.memory_space<vmem_shared>> -> memref<40x128xf32, #tpu.memory_space<vmem_shared>>
        %dma_start3A_202 = arith.constant 0 : i32
        %dma_start3A_203 = arith.constant 0 : i32
        %dma_start3A_204 = tpu.memref_slice %arg8[%run_scoped3A_167, %dma_start3A_202, %dma_start3A_203] : memref<5x40x128xf32, #tpu.memory_space<vmem>> -> memref<1x40x128xf32, #tpu.memory_space<vmem>>
        %dma_start3A_205 = tpu.memref_squeeze %dma_start3A_204 : memref<1x40x128xf32, #tpu.memory_space<vmem>> -> memref<40x128xf32, #tpu.memory_space<vmem>>
        tpu.enqueue_dma source(%dma_start3A_205 : memref<40x128xf32, #tpu.memory_space<vmem>>) target(%dma_start3A_201 : memref<40x128xf32, #tpu.memory_space<vmem_shared>>) target_semaphore(%run_scoped3A_193 : memref<!tpu.dma_semaphore, #tpu.memory_space<semaphore_mem>>)
        %dma_wait3A = arith.constant 0 : i32
        %dma_wait3A_206 = arith.constant 0 : i32
        %dma_wait3A_207 = tpu.memref_slice %arg8[%run_scoped3A_167, %dma_wait3A, %dma_wait3A_206] : memref<5x40x128xf32, #tpu.memory_space<vmem>> -> memref<1x40x128xf32, #tpu.memory_space<vmem>>
        %dma_wait3A_208 = tpu.memref_squeeze %dma_wait3A_207 : memref<1x40x128xf32, #tpu.memory_space<vmem>> -> memref<40x128xf32, #tpu.memory_space<vmem>>
        %dma_wait3A_209 = arith.constant 0 : i32
        %dma_wait3A_210 = tpu.memref_slice %arg9[%add3A_166, %dma_wait3A_209] : memref<10000x128xf32, #tpu.memory_space<vmem_shared>> -> memref<40x128xf32, #tpu.memory_space<vmem_shared>>
        %dma_wait3A_211 = arith.constant 0 : i32
        %dma_wait3A_212 = tpu.memref_slice %arg9[%add3A_166, %dma_wait3A_211] : memref<10000x128xf32, #tpu.memory_space<vmem_shared>> -> memref<40x128xf32, #tpu.memory_space<vmem_shared>>
        %dma_wait3A_213 = arith.constant 0 : i32
        %dma_wait3A_214 = arith.constant 0 : i32
        %dma_wait3A_215 = tpu.memref_slice %arg8[%run_scoped3A_167, %dma_wait3A_213, %dma_wait3A_214] : memref<5x40x128xf32, #tpu.memory_space<vmem>> -> memref<1x40x128xf32, #tpu.memory_space<vmem>>
        %dma_wait3A_216 = tpu.memref_squeeze %dma_wait3A_215 : memref<1x40x128xf32, #tpu.memory_space<vmem>> -> memref<40x128xf32, #tpu.memory_space<vmem>>
        tpu.wait_dma2 semaphore(%run_scoped3A_193 : memref<!tpu.dma_semaphore, #tpu.memory_space<semaphore_mem>>) src(%dma_wait3A_216 : memref<40x128xf32, #tpu.memory_space<vmem>>) dst(%dma_wait3A_212 : memref<40x128xf32, #tpu.memory_space<vmem_shared>>)
        tpu.yield
      }) : () -> ()
      %add3A_168 = arith.constant 400 : i32
      %add3A_169 = arith.addi %mul3A_2, %add3A_168 : i32
      %run_scoped3A_170 = arith.constant 0 : i32
      "tpu.region"() ({
        %run_scoped3A_193 = tpu.sem_alloc : memref<!tpu.dma_semaphore, #tpu.memory_space<semaphore_mem>>
        %dma_start3A_194 = arith.constant 0 : i32
        %dma_start3A_195 = arith.constant 0 : i32
        %dma_start3A_196 = tpu.memref_slice %arg8[%run_scoped3A_170, %dma_start3A_194, %dma_start3A_195] : memref<5x40x128xf32, #tpu.memory_space<vmem>> -> memref<1x40x128xf32, #tpu.memory_space<vmem>>
        %dma_start3A_197 = tpu.memref_squeeze %dma_start3A_196 : memref<1x40x128xf32, #tpu.memory_space<vmem>> -> memref<40x128xf32, #tpu.memory_space<vmem>>
        %dma_start3A_198 = arith.constant 0 : i32
        %dma_start3A_199 = tpu.memref_slice %arg9[%add3A_169, %dma_start3A_198] : memref<10000x128xf32, #tpu.memory_space<vmem_shared>> -> memref<40x128xf32, #tpu.memory_space<vmem_shared>>
        %dma_start3A_200 = arith.constant 0 : i32
        %dma_start3A_201 = tpu.memref_slice %arg9[%add3A_169, %dma_start3A_200] : memref<10000x128xf32, #tpu.memory_space<vmem_shared>> -> memref<40x128xf32, #tpu.memory_space<vmem_shared>>
        %dma_start3A_202 = arith.constant 0 : i32
        %dma_start3A_203 = arith.constant 0 : i32
        %dma_start3A_204 = tpu.memref_slice %arg8[%run_scoped3A_170, %dma_start3A_202, %dma_start3A_203] : memref<5x40x128xf32, #tpu.memory_space<vmem>> -> memref<1x40x128xf32, #tpu.memory_space<vmem>>
        %dma_start3A_205 = tpu.memref_squeeze %dma_start3A_204 : memref<1x40x128xf32, #tpu.memory_space<vmem>> -> memref<40x128xf32, #tpu.memory_space<vmem>>
        tpu.enqueue_dma source(%dma_start3A_205 : memref<40x128xf32, #tpu.memory_space<vmem>>) target(%dma_start3A_201 : memref<40x128xf32, #tpu.memory_space<vmem_shared>>) target_semaphore(%run_scoped3A_193 : memref<!tpu.dma_semaphore, #tpu.memory_space<semaphore_mem>>)
        %dma_wait3A = arith.constant 0 : i32
        %dma_wait3A_206 = arith.constant 0 : i32
        %dma_wait3A_207 = tpu.memref_slice %arg8[%run_scoped3A_170, %dma_wait3A, %dma_wait3A_206] : memref<5x40x128xf32, #tpu.memory_space<vmem>> -> memref<1x40x128xf32, #tpu.memory_space<vmem>>
        %dma_wait3A_208 = tpu.memref_squeeze %dma_wait3A_207 : memref<1x40x128xf32, #tpu.memory_space<vmem>> -> memref<40x128xf32, #tpu.memory_space<vmem>>
        %dma_wait3A_209 = arith.constant 0 : i32
        %dma_wait3A_210 = tpu.memref_slice %arg9[%add3A_169, %dma_wait3A_209] : memref<10000x128xf32, #tpu.memory_space<vmem_shared>> -> memref<40x128xf32, #tpu.memory_space<vmem_shared>>
        %dma_wait3A_211 = arith.constant 0 : i32
        %dma_wait3A_212 = tpu.memref_slice %arg9[%add3A_169, %dma_wait3A_211] : memref<10000x128xf32, #tpu.memory_space<vmem_shared>> -> memref<40x128xf32, #tpu.memory_space<vmem_shared>>
        %dma_wait3A_213 = arith.constant 0 : i32
        %dma_wait3A_214 = arith.constant 0 : i32
        %dma_wait3A_215 = tpu.memref_slice %arg8[%run_scoped3A_170, %dma_wait3A_213, %dma_wait3A_214] : memref<5x40x128xf32, #tpu.memory_space<vmem>> -> memref<1x40x128xf32, #tpu.memory_space<vmem>>
        %dma_wait3A_216 = tpu.memref_squeeze %dma_wait3A_215 : memref<1x40x128xf32, #tpu.memory_space<vmem>> -> memref<40x128xf32, #tpu.memory_space<vmem>>
        tpu.wait_dma2 semaphore(%run_scoped3A_193 : memref<!tpu.dma_semaphore, #tpu.memory_space<semaphore_mem>>) src(%dma_wait3A_216 : memref<40x128xf32, #tpu.memory_space<vmem>>) dst(%dma_wait3A_212 : memref<40x128xf32, #tpu.memory_space<vmem_shared>>)
        tpu.yield
      }) : () -> ()
      %add3A_171 = arith.constant 440 : i32
      %add3A_172 = arith.addi %mul3A_2, %add3A_171 : i32
      %run_scoped3A_173 = arith.constant 0 : i32
      "tpu.region"() ({
        %run_scoped3A_193 = tpu.sem_alloc : memref<!tpu.dma_semaphore, #tpu.memory_space<semaphore_mem>>
        %dma_start3A_194 = arith.constant 0 : i32
        %dma_start3A_195 = arith.constant 0 : i32
        %dma_start3A_196 = tpu.memref_slice %arg8[%run_scoped3A_173, %dma_start3A_194, %dma_start3A_195] : memref<5x40x128xf32, #tpu.memory_space<vmem>> -> memref<1x40x128xf32, #tpu.memory_space<vmem>>
        %dma_start3A_197 = tpu.memref_squeeze %dma_start3A_196 : memref<1x40x128xf32, #tpu.memory_space<vmem>> -> memref<40x128xf32, #tpu.memory_space<vmem>>
        %dma_start3A_198 = arith.constant 0 : i32
        %dma_start3A_199 = tpu.memref_slice %arg9[%add3A_172, %dma_start3A_198] : memref<10000x128xf32, #tpu.memory_space<vmem_shared>> -> memref<40x128xf32, #tpu.memory_space<vmem_shared>>
        %dma_start3A_200 = arith.constant 0 : i32
        %dma_start3A_201 = tpu.memref_slice %arg9[%add3A_172, %dma_start3A_200] : memref<10000x128xf32, #tpu.memory_space<vmem_shared>> -> memref<40x128xf32, #tpu.memory_space<vmem_shared>>
        %dma_start3A_202 = arith.constant 0 : i32
        %dma_start3A_203 = arith.constant 0 : i32
        %dma_start3A_204 = tpu.memref_slice %arg8[%run_scoped3A_173, %dma_start3A_202, %dma_start3A_203] : memref<5x40x128xf32, #tpu.memory_space<vmem>> -> memref<1x40x128xf32, #tpu.memory_space<vmem>>
        %dma_start3A_205 = tpu.memref_squeeze %dma_start3A_204 : memref<1x40x128xf32, #tpu.memory_space<vmem>> -> memref<40x128xf32, #tpu.memory_space<vmem>>
        tpu.enqueue_dma source(%dma_start3A_205 : memref<40x128xf32, #tpu.memory_space<vmem>>) target(%dma_start3A_201 : memref<40x128xf32, #tpu.memory_space<vmem_shared>>) target_semaphore(%run_scoped3A_193 : memref<!tpu.dma_semaphore, #tpu.memory_space<semaphore_mem>>)
        %dma_wait3A = arith.constant 0 : i32
        %dma_wait3A_206 = arith.constant 0 : i32
        %dma_wait3A_207 = tpu.memref_slice %arg8[%run_scoped3A_173, %dma_wait3A, %dma_wait3A_206] : memref<5x40x128xf32, #tpu.memory_space<vmem>> -> memref<1x40x128xf32, #tpu.memory_space<vmem>>
        %dma_wait3A_208 = tpu.memref_squeeze %dma_wait3A_207 : memref<1x40x128xf32, #tpu.memory_space<vmem>> -> memref<40x128xf32, #tpu.memory_space<vmem>>
        %dma_wait3A_209 = arith.constant 0 : i32
        %dma_wait3A_210 = tpu.memref_slice %arg9[%add3A_172, %dma_wait3A_209] : memref<10000x128xf32, #tpu.memory_space<vmem_shared>> -> memref<40x128xf32, #tpu.memory_space<vmem_shared>>
        %dma_wait3A_211 = arith.constant 0 : i32
        %dma_wait3A_212 = tpu.memref_slice %arg9[%add3A_172, %dma_wait3A_211] : memref<10000x128xf32, #tpu.memory_space<vmem_shared>> -> memref<40x128xf32, #tpu.memory_space<vmem_shared>>
        %dma_wait3A_213 = arith.constant 0 : i32
        %dma_wait3A_214 = arith.constant 0 : i32
        %dma_wait3A_215 = tpu.memref_slice %arg8[%run_scoped3A_173, %dma_wait3A_213, %dma_wait3A_214] : memref<5x40x128xf32, #tpu.memory_space<vmem>> -> memref<1x40x128xf32, #tpu.memory_space<vmem>>
        %dma_wait3A_216 = tpu.memref_squeeze %dma_wait3A_215 : memref<1x40x128xf32, #tpu.memory_space<vmem>> -> memref<40x128xf32, #tpu.memory_space<vmem>>
        tpu.wait_dma2 semaphore(%run_scoped3A_193 : memref<!tpu.dma_semaphore, #tpu.memory_space<semaphore_mem>>) src(%dma_wait3A_216 : memref<40x128xf32, #tpu.memory_space<vmem>>) dst(%dma_wait3A_212 : memref<40x128xf32, #tpu.memory_space<vmem_shared>>)
        tpu.yield
      }) : () -> ()
      %add3A_174 = arith.constant 480 : i32
      %add3A_175 = arith.addi %mul3A_2, %add3A_174 : i32
      %run_scoped3A_176 = arith.constant 0 : i32
      "tpu.region"() ({
        %run_scoped3A_193 = tpu.sem_alloc : memref<!tpu.dma_semaphore, #tpu.memory_space<semaphore_mem>>
        %dma_start3A_194 = arith.constant 0 : i32
        %dma_start3A_195 = arith.constant 0 : i32
        %dma_start3A_196 = tpu.memref_slice %arg8[%run_scoped3A_176, %dma_start3A_194, %dma_start3A_195] : memref<5x40x128xf32, #tpu.memory_space<vmem>> -> memref<1x40x128xf32, #tpu.memory_space<vmem>>
        %dma_start3A_197 = tpu.memref_squeeze %dma_start3A_196 : memref<1x40x128xf32, #tpu.memory_space<vmem>> -> memref<40x128xf32, #tpu.memory_space<vmem>>
        %dma_start3A_198 = arith.constant 0 : i32
        %dma_start3A_199 = tpu.memref_slice %arg9[%add3A_175, %dma_start3A_198] : memref<10000x128xf32, #tpu.memory_space<vmem_shared>> -> memref<40x128xf32, #tpu.memory_space<vmem_shared>>
        %dma_start3A_200 = arith.constant 0 : i32
        %dma_start3A_201 = tpu.memref_slice %arg9[%add3A_175, %dma_start3A_200] : memref<10000x128xf32, #tpu.memory_space<vmem_shared>> -> memref<40x128xf32, #tpu.memory_space<vmem_shared>>
        %dma_start3A_202 = arith.constant 0 : i32
        %dma_start3A_203 = arith.constant 0 : i32
        %dma_start3A_204 = tpu.memref_slice %arg8[%run_scoped3A_176, %dma_start3A_202, %dma_start3A_203] : memref<5x40x128xf32, #tpu.memory_space<vmem>> -> memref<1x40x128xf32, #tpu.memory_space<vmem>>
        %dma_start3A_205 = tpu.memref_squeeze %dma_start3A_204 : memref<1x40x128xf32, #tpu.memory_space<vmem>> -> memref<40x128xf32, #tpu.memory_space<vmem>>
        tpu.enqueue_dma source(%dma_start3A_205 : memref<40x128xf32, #tpu.memory_space<vmem>>) target(%dma_start3A_201 : memref<40x128xf32, #tpu.memory_space<vmem_shared>>) target_semaphore(%run_scoped3A_193 : memref<!tpu.dma_semaphore, #tpu.memory_space<semaphore_mem>>)
        %dma_wait3A = arith.constant 0 : i32
        %dma_wait3A_206 = arith.constant 0 : i32
        %dma_wait3A_207 = tpu.memref_slice %arg8[%run_scoped3A_176, %dma_wait3A, %dma_wait3A_206] : memref<5x40x128xf32, #tpu.memory_space<vmem>> -> memref<1x40x128xf32, #tpu.memory_space<vmem>>
        %dma_wait3A_208 = tpu.memref_squeeze %dma_wait3A_207 : memref<1x40x128xf32, #tpu.memory_space<vmem>> -> memref<40x128xf32, #tpu.memory_space<vmem>>
        %dma_wait3A_209 = arith.constant 0 : i32
        %dma_wait3A_210 = tpu.memref_slice %arg9[%add3A_175, %dma_wait3A_209] : memref<10000x128xf32, #tpu.memory_space<vmem_shared>> -> memref<40x128xf32, #tpu.memory_space<vmem_shared>>
        %dma_wait3A_211 = arith.constant 0 : i32
        %dma_wait3A_212 = tpu.memref_slice %arg9[%add3A_175, %dma_wait3A_211] : memref<10000x128xf32, #tpu.memory_space<vmem_shared>> -> memref<40x128xf32, #tpu.memory_space<vmem_shared>>
        %dma_wait3A_213 = arith.constant 0 : i32
        %dma_wait3A_214 = arith.constant 0 : i32
        %dma_wait3A_215 = tpu.memref_slice %arg8[%run_scoped3A_176, %dma_wait3A_213, %dma_wait3A_214] : memref<5x40x128xf32, #tpu.memory_space<vmem>> -> memref<1x40x128xf32, #tpu.memory_space<vmem>>
        %dma_wait3A_216 = tpu.memref_squeeze %dma_wait3A_215 : memref<1x40x128xf32, #tpu.memory_space<vmem>> -> memref<40x128xf32, #tpu.memory_space<vmem>>
        tpu.wait_dma2 semaphore(%run_scoped3A_193 : memref<!tpu.dma_semaphore, #tpu.memory_space<semaphore_mem>>) src(%dma_wait3A_216 : memref<40x128xf32, #tpu.memory_space<vmem>>) dst(%dma_wait3A_212 : memref<40x128xf32, #tpu.memory_space<vmem_shared>>)
        tpu.yield
      }) : () -> ()
      %add3A_177 = arith.constant 520 : i32
      %add3A_178 = arith.addi %mul3A_2, %add3A_177 : i32
      %run_scoped3A_179 = arith.constant 0 : i32
      "tpu.region"() ({
        %run_scoped3A_193 = tpu.sem_alloc : memref<!tpu.dma_semaphore, #tpu.memory_space<semaphore_mem>>
        %dma_start3A_194 = arith.constant 0 : i32
        %dma_start3A_195 = arith.constant 0 : i32
        %dma_start3A_196 = tpu.memref_slice %arg8[%run_scoped3A_179, %dma_start3A_194, %dma_start3A_195] : memref<5x40x128xf32, #tpu.memory_space<vmem>> -> memref<1x40x128xf32, #tpu.memory_space<vmem>>
        %dma_start3A_197 = tpu.memref_squeeze %dma_start3A_196 : memref<1x40x128xf32, #tpu.memory_space<vmem>> -> memref<40x128xf32, #tpu.memory_space<vmem>>
        %dma_start3A_198 = arith.constant 0 : i32
        %dma_start3A_199 = tpu.memref_slice %arg9[%add3A_178, %dma_start3A_198] : memref<10000x128xf32, #tpu.memory_space<vmem_shared>> -> memref<40x128xf32, #tpu.memory_space<vmem_shared>>
        %dma_start3A_200 = arith.constant 0 : i32
        %dma_start3A_201 = tpu.memref_slice %arg9[%add3A_178, %dma_start3A_200] : memref<10000x128xf32, #tpu.memory_space<vmem_shared>> -> memref<40x128xf32, #tpu.memory_space<vmem_shared>>
        %dma_start3A_202 = arith.constant 0 : i32
        %dma_start3A_203 = arith.constant 0 : i32
        %dma_start3A_204 = tpu.memref_slice %arg8[%run_scoped3A_179, %dma_start3A_202, %dma_start3A_203] : memref<5x40x128xf32, #tpu.memory_space<vmem>> -> memref<1x40x128xf32, #tpu.memory_space<vmem>>
        %dma_start3A_205 = tpu.memref_squeeze %dma_start3A_204 : memref<1x40x128xf32, #tpu.memory_space<vmem>> -> memref<40x128xf32, #tpu.memory_space<vmem>>
        tpu.enqueue_dma source(%dma_start3A_205 : memref<40x128xf32, #tpu.memory_space<vmem>>) target(%dma_start3A_201 : memref<40x128xf32, #tpu.memory_space<vmem_shared>>) target_semaphore(%run_scoped3A_193 : memref<!tpu.dma_semaphore, #tpu.memory_space<semaphore_mem>>)
        %dma_wait3A = arith.constant 0 : i32
        %dma_wait3A_206 = arith.constant 0 : i32
        %dma_wait3A_207 = tpu.memref_slice %arg8[%run_scoped3A_179, %dma_wait3A, %dma_wait3A_206] : memref<5x40x128xf32, #tpu.memory_space<vmem>> -> memref<1x40x128xf32, #tpu.memory_space<vmem>>
        %dma_wait3A_208 = tpu.memref_squeeze %dma_wait3A_207 : memref<1x40x128xf32, #tpu.memory_space<vmem>> -> memref<40x128xf32, #tpu.memory_space<vmem>>
        %dma_wait3A_209 = arith.constant 0 : i32
        %dma_wait3A_210 = tpu.memref_slice %arg9[%add3A_178, %dma_wait3A_209] : memref<10000x128xf32, #tpu.memory_space<vmem_shared>> -> memref<40x128xf32, #tpu.memory_space<vmem_shared>>
        %dma_wait3A_211 = arith.constant 0 : i32
        %dma_wait3A_212 = tpu.memref_slice %arg9[%add3A_178, %dma_wait3A_211] : memref<10000x128xf32, #tpu.memory_space<vmem_shared>> -> memref<40x128xf32, #tpu.memory_space<vmem_shared>>
        %dma_wait3A_213 = arith.constant 0 : i32
        %dma_wait3A_214 = arith.constant 0 : i32
        %dma_wait3A_215 = tpu.memref_slice %arg8[%run_scoped3A_179, %dma_wait3A_213, %dma_wait3A_214] : memref<5x40x128xf32, #tpu.memory_space<vmem>> -> memref<1x40x128xf32, #tpu.memory_space<vmem>>
        %dma_wait3A_216 = tpu.memref_squeeze %dma_wait3A_215 : memref<1x40x128xf32, #tpu.memory_space<vmem>> -> memref<40x128xf32, #tpu.memory_space<vmem>>
        tpu.wait_dma2 semaphore(%run_scoped3A_193 : memref<!tpu.dma_semaphore, #tpu.memory_space<semaphore_mem>>) src(%dma_wait3A_216 : memref<40x128xf32, #tpu.memory_space<vmem>>) dst(%dma_wait3A_212 : memref<40x128xf32, #tpu.memory_space<vmem_shared>>)
        tpu.yield
      }) : () -> ()
      %add3A_180 = arith.constant 560 : i32
      %add3A_181 = arith.addi %mul3A_2, %add3A_180 : i32
      %run_scoped3A_182 = arith.constant 0 : i32
      "tpu.region"() ({
        %run_scoped3A_193 = tpu.sem_alloc : memref<!tpu.dma_semaphore, #tpu.memory_space<semaphore_mem>>
        %dma_start3A_194 = arith.constant 0 : i32
        %dma_start3A_195 = arith.constant 0 : i32
        %dma_start3A_196 = tpu.memref_slice %arg8[%run_scoped3A_182, %dma_start3A_194, %dma_start3A_195] : memref<5x40x128xf32, #tpu.memory_space<vmem>> -> memref<1x40x128xf32, #tpu.memory_space<vmem>>
        %dma_start3A_197 = tpu.memref_squeeze %dma_start3A_196 : memref<1x40x128xf32, #tpu.memory_space<vmem>> -> memref<40x128xf32, #tpu.memory_space<vmem>>
        %dma_start3A_198 = arith.constant 0 : i32
        %dma_start3A_199 = tpu.memref_slice %arg9[%add3A_181, %dma_start3A_198] : memref<10000x128xf32, #tpu.memory_space<vmem_shared>> -> memref<40x128xf32, #tpu.memory_space<vmem_shared>>
        %dma_start3A_200 = arith.constant 0 : i32
        %dma_start3A_201 = tpu.memref_slice %arg9[%add3A_181, %dma_start3A_200] : memref<10000x128xf32, #tpu.memory_space<vmem_shared>> -> memref<40x128xf32, #tpu.memory_space<vmem_shared>>
        %dma_start3A_202 = arith.constant 0 : i32
        %dma_start3A_203 = arith.constant 0 : i32
        %dma_start3A_204 = tpu.memref_slice %arg8[%run_scoped3A_182, %dma_start3A_202, %dma_start3A_203] : memref<5x40x128xf32, #tpu.memory_space<vmem>> -> memref<1x40x128xf32, #tpu.memory_space<vmem>>
        %dma_start3A_205 = tpu.memref_squeeze %dma_start3A_204 : memref<1x40x128xf32, #tpu.memory_space<vmem>> -> memref<40x128xf32, #tpu.memory_space<vmem>>
        tpu.enqueue_dma source(%dma_start3A_205 : memref<40x128xf32, #tpu.memory_space<vmem>>) target(%dma_start3A_201 : memref<40x128xf32, #tpu.memory_space<vmem_shared>>) target_semaphore(%run_scoped3A_193 : memref<!tpu.dma_semaphore, #tpu.memory_space<semaphore_mem>>)
        %dma_wait3A = arith.constant 0 : i32
        %dma_wait3A_206 = arith.constant 0 : i32
        %dma_wait3A_207 = tpu.memref_slice %arg8[%run_scoped3A_182, %dma_wait3A, %dma_wait3A_206] : memref<5x40x128xf32, #tpu.memory_space<vmem>> -> memref<1x40x128xf32, #tpu.memory_space<vmem>>
        %dma_wait3A_208 = tpu.memref_squeeze %dma_wait3A_207 : memref<1x40x128xf32, #tpu.memory_space<vmem>> -> memref<40x128xf32, #tpu.memory_space<vmem>>
        %dma_wait3A_209 = arith.constant 0 : i32
        %dma_wait3A_210 = tpu.memref_slice %arg9[%add3A_181, %dma_wait3A_209] : memref<10000x128xf32, #tpu.memory_space<vmem_shared>> -> memref<40x128xf32, #tpu.memory_space<vmem_shared>>
        %dma_wait3A_211 = arith.constant 0 : i32
        %dma_wait3A_212 = tpu.memref_slice %arg9[%add3A_181, %dma_wait3A_211] : memref<10000x128xf32, #tpu.memory_space<vmem_shared>> -> memref<40x128xf32, #tpu.memory_space<vmem_shared>>
        %dma_wait3A_213 = arith.constant 0 : i32
        %dma_wait3A_214 = arith.constant 0 : i32
        %dma_wait3A_215 = tpu.memref_slice %arg8[%run_scoped3A_182, %dma_wait3A_213, %dma_wait3A_214] : memref<5x40x128xf32, #tpu.memory_space<vmem>> -> memref<1x40x128xf32, #tpu.memory_space<vmem>>
        %dma_wait3A_216 = tpu.memref_squeeze %dma_wait3A_215 : memref<1x40x128xf32, #tpu.memory_space<vmem>> -> memref<40x128xf32, #tpu.memory_space<vmem>>
        tpu.wait_dma2 semaphore(%run_scoped3A_193 : memref<!tpu.dma_semaphore, #tpu.memory_space<semaphore_mem>>) src(%dma_wait3A_216 : memref<40x128xf32, #tpu.memory_space<vmem>>) dst(%dma_wait3A_212 : memref<40x128xf32, #tpu.memory_space<vmem_shared>>)
        tpu.yield
      }) : () -> ()
      %lt3A_183 = arith.constant 15 : i32
      %lt3A_184 = arith.cmpi slt, %arg1, %lt3A_183 : i32
      %convert_element_type3A_185 = arith.extui %lt3A_184 : i1 to i32
      %cond3A_186 = arith.constant 0 : i32
      %cond3A_187 = arith.cmpi ne, %convert_element_type3A_185, %cond3A_186 : i32
      scf.if %cond3A_187 {
        %add3A_193 = arith.constant 600 : i32
        %add3A_194 = arith.addi %mul3A_2, %add3A_193 : i32
        %run_scoped3A_195 = arith.constant 0 : i32
        "tpu.region"() ({
          %run_scoped3A_196 = tpu.sem_alloc : memref<!tpu.dma_semaphore, #tpu.memory_space<semaphore_mem>>
          %dma_start3A_197 = arith.constant 0 : i32
          %dma_start3A_198 = arith.constant 0 : i32
          %dma_start3A_199 = tpu.memref_slice %arg8[%run_scoped3A_195, %dma_start3A_197, %dma_start3A_198] : memref<5x40x128xf32, #tpu.memory_space<vmem>> -> memref<1x24x128xf32, #tpu.memory_space<vmem>>
          %dma_start3A_200 = tpu.memref_squeeze %dma_start3A_199 : memref<1x24x128xf32, #tpu.memory_space<vmem>> -> memref<24x128xf32, #tpu.memory_space<vmem>>
          %dma_start3A_201 = arith.constant 0 : i32
          %dma_start3A_202 = tpu.memref_slice %arg9[%add3A_194, %dma_start3A_201] : memref<10000x128xf32, #tpu.memory_space<vmem_shared>> -> memref<24x128xf32, #tpu.memory_space<vmem_shared>>
          %dma_start3A_203 = arith.constant 0 : i32
          %dma_start3A_204 = tpu.memref_slice %arg9[%add3A_194, %dma_start3A_203] : memref<10000x128xf32, #tpu.memory_space<vmem_shared>> -> memref<24x128xf32, #tpu.memory_space<vmem_shared>>
          %dma_start3A_205 = arith.constant 0 : i32
          %dma_start3A_206 = arith.constant 0 : i32
          %dma_start3A_207 = tpu.memref_slice %arg8[%run_scoped3A_195, %dma_start3A_205, %dma_start3A_206] : memref<5x40x128xf32, #tpu.memory_space<vmem>> -> memref<1x24x128xf32, #tpu.memory_space<vmem>>
          %dma_start3A_208 = tpu.memref_squeeze %dma_start3A_207 : memref<1x24x128xf32, #tpu.memory_space<vmem>> -> memref<24x128xf32, #tpu.memory_space<vmem>>
          tpu.enqueue_dma source(%dma_start3A_208 : memref<24x128xf32, #tpu.memory_space<vmem>>) target(%dma_start3A_204 : memref<24x128xf32, #tpu.memory_space<vmem_shared>>) target_semaphore(%run_scoped3A_196 : memref<!tpu.dma_semaphore, #tpu.memory_space<semaphore_mem>>)
          %dma_wait3A = arith.constant 0 : i32
          %dma_wait3A_209 = arith.constant 0 : i32
          %dma_wait3A_210 = tpu.memref_slice %arg8[%run_scoped3A_195, %dma_wait3A, %dma_wait3A_209] : memref<5x40x128xf32, #tpu.memory_space<vmem>> -> memref<1x24x128xf32, #tpu.memory_space<vmem>>
          %dma_wait3A_211 = tpu.memref_squeeze %dma_wait3A_210 : memref<1x24x128xf32, #tpu.memory_space<vmem>> -> memref<24x128xf32, #tpu.memory_space<vmem>>
          %dma_wait3A_212 = arith.constant 0 : i32
          %dma_wait3A_213 = tpu.memref_slice %arg9[%add3A_194, %dma_wait3A_212] : memref<10000x128xf32, #tpu.memory_space<vmem_shared>> -> memref<24x128xf32, #tpu.memory_space<vmem_shared>>
          %dma_wait3A_214 = arith.constant 0 : i32
          %dma_wait3A_215 = tpu.memref_slice %arg9[%add3A_194, %dma_wait3A_214] : memref<10000x128xf32, #tpu.memory_space<vmem_shared>> -> memref<24x128xf32, #tpu.memory_space<vmem_shared>>
          %dma_wait3A_216 = arith.constant 0 : i32
          %dma_wait3A_217 = arith.constant 0 : i32
          %dma_wait3A_218 = tpu.memref_slice %arg8[%run_scoped3A_195, %dma_wait3A_216, %dma_wait3A_217] : memref<5x40x128xf32, #tpu.memory_space<vmem>> -> memref<1x24x128xf32, #tpu.memory_space<vmem>>
          %dma_wait3A_219 = tpu.memref_squeeze %dma_wait3A_218 : memref<1x24x128xf32, #tpu.memory_space<vmem>> -> memref<24x128xf32, #tpu.memory_space<vmem>>
          tpu.wait_dma2 semaphore(%run_scoped3A_196 : memref<!tpu.dma_semaphore, #tpu.memory_space<semaphore_mem>>) src(%dma_wait3A_219 : memref<24x128xf32, #tpu.memory_space<vmem>>) dst(%dma_wait3A_215 : memref<24x128xf32, #tpu.memory_space<vmem_shared>>)
          tpu.yield
        }) : () -> ()
      } else {
      }
      %eq3A_188 = arith.constant 15 : i32
      %eq3A_189 = arith.cmpi eq, %arg1, %eq3A_188 : i32
      %convert_element_type3A_190 = arith.extui %eq3A_189 : i1 to i32
      %cond3A_191 = arith.constant 0 : i32
      %cond3A_192 = arith.cmpi ne, %convert_element_type3A_190, %cond3A_191 : i32
      scf.if %cond3A_192 {
        %add3A_193 = arith.constant 600 : i32
        %add3A_194 = arith.addi %mul3A_2, %add3A_193 : i32
        %run_scoped3A_195 = arith.constant 0 : i32
        "tpu.region"() ({
          %run_scoped3A_196 = tpu.sem_alloc : memref<!tpu.dma_semaphore, #tpu.memory_space<semaphore_mem>>
          %dma_start3A_197 = arith.constant 0 : i32
          %dma_start3A_198 = arith.constant 0 : i32
          %dma_start3A_199 = tpu.memref_slice %arg8[%run_scoped3A_195, %dma_start3A_197, %dma_start3A_198] : memref<5x40x128xf32, #tpu.memory_space<vmem>> -> memref<1x40x128xf32, #tpu.memory_space<vmem>>
          %dma_start3A_200 = tpu.memref_squeeze %dma_start3A_199 : memref<1x40x128xf32, #tpu.memory_space<vmem>> -> memref<40x128xf32, #tpu.memory_space<vmem>>
          %dma_start3A_201 = arith.constant 0 : i32
          %dma_start3A_202 = tpu.memref_slice %arg9[%add3A_194, %dma_start3A_201] : memref<10000x128xf32, #tpu.memory_space<vmem_shared>> -> memref<40x128xf32, #tpu.memory_space<vmem_shared>>
          %dma_start3A_203 = arith.constant 0 : i32
          %dma_start3A_204 = tpu.memref_slice %arg9[%add3A_194, %dma_start3A_203] : memref<10000x128xf32, #tpu.memory_space<vmem_shared>> -> memref<40x128xf32, #tpu.memory_space<vmem_shared>>
          %dma_start3A_205 = arith.constant 0 : i32
          %dma_start3A_206 = arith.constant 0 : i32
          %dma_start3A_207 = tpu.memref_slice %arg8[%run_scoped3A_195, %dma_start3A_205, %dma_start3A_206] : memref<5x40x128xf32, #tpu.memory_space<vmem>> -> memref<1x40x128xf32, #tpu.memory_space<vmem>>
          %dma_start3A_208 = tpu.memref_squeeze %dma_start3A_207 : memref<1x40x128xf32, #tpu.memory_space<vmem>> -> memref<40x128xf32, #tpu.memory_space<vmem>>
          tpu.enqueue_dma source(%dma_start3A_208 : memref<40x128xf32, #tpu.memory_space<vmem>>) target(%dma_start3A_204 : memref<40x128xf32, #tpu.memory_space<vmem_shared>>) target_semaphore(%run_scoped3A_196 : memref<!tpu.dma_semaphore, #tpu.memory_space<semaphore_mem>>)
          %dma_wait3A = arith.constant 0 : i32
          %dma_wait3A_209 = arith.constant 0 : i32
          %dma_wait3A_210 = tpu.memref_slice %arg8[%run_scoped3A_195, %dma_wait3A, %dma_wait3A_209] : memref<5x40x128xf32, #tpu.memory_space<vmem>> -> memref<1x40x128xf32, #tpu.memory_space<vmem>>
          %dma_wait3A_211 = tpu.memref_squeeze %dma_wait3A_210 : memref<1x40x128xf32, #tpu.memory_space<vmem>> -> memref<40x128xf32, #tpu.memory_space<vmem>>
          %dma_wait3A_212 = arith.constant 0 : i32
          %dma_wait3A_213 = tpu.memref_slice %arg9[%add3A_194, %dma_wait3A_212] : memref<10000x128xf32, #tpu.memory_space<vmem_shared>> -> memref<40x128xf32, #tpu.memory_space<vmem_shared>>
          %dma_wait3A_214 = arith.constant 0 : i32
          %dma_wait3A_215 = tpu.memref_slice %arg9[%add3A_194, %dma_wait3A_214] : memref<10000x128xf32, #tpu.memory_space<vmem_shared>> -> memref<40x128xf32, #tpu.memory_space<vmem_shared>>
          %dma_wait3A_216 = arith.constant 0 : i32
          %dma_wait3A_217 = arith.constant 0 : i32
          %dma_wait3A_218 = tpu.memref_slice %arg8[%run_scoped3A_195, %dma_wait3A_216, %dma_wait3A_217] : memref<5x40x128xf32, #tpu.memory_space<vmem>> -> memref<1x40x128xf32, #tpu.memory_space<vmem>>
          %dma_wait3A_219 = tpu.memref_squeeze %dma_wait3A_218 : memref<1x40x128xf32, #tpu.memory_space<vmem>> -> memref<40x128xf32, #tpu.memory_space<vmem>>
          tpu.wait_dma2 semaphore(%run_scoped3A_196 : memref<!tpu.dma_semaphore, #tpu.memory_space<semaphore_mem>>) src(%dma_wait3A_219 : memref<40x128xf32, #tpu.memory_space<vmem>>) dst(%dma_wait3A_215 : memref<40x128xf32, #tpu.memory_space<vmem_shared>>)
          tpu.yield
        }) : () -> ()
      } else {
      }
    } else {
    }
    %mul3A_10 = arith.constant 10000 : i32
    %mul3A_11 = arith.muli %add3A, %mul3A_10 : i32
    "tpu.region"() ({
      %run_scoped3A = tpu.sem_alloc : memref<!tpu.dma_semaphore, #tpu.memory_space<semaphore_mem>>
      %dma_start3A_133 = tpu.memref_slice %arg3[%mul3A_11] : memref<320000xi32, #tpu.memory_space<hbm>> -> memref<10000xi32, #tpu.memory_space<hbm>>
      %dma_start3A_134 = tpu.memref_slice %arg3[%mul3A_11] : memref<320000xi32, #tpu.memory_space<hbm>> -> memref<10000xi32, #tpu.memory_space<hbm>>
      tpu.enqueue_dma source(%dma_start3A_134 : memref<10000xi32, #tpu.memory_space<hbm>>) target(%arg6 : memref<10000xi32, #tpu.memory_space<vmem>>) target_semaphore(%run_scoped3A : memref<!tpu.dma_semaphore, #tpu.memory_space<semaphore_mem>>)
      %dma_wait3A = tpu.memref_slice %arg3[%mul3A_11] : memref<320000xi32, #tpu.memory_space<hbm>> -> memref<10000xi32, #tpu.memory_space<hbm>>
      %dma_wait3A_135 = tpu.memref_slice %arg3[%mul3A_11] : memref<320000xi32, #tpu.memory_space<hbm>> -> memref<10000xi32, #tpu.memory_space<hbm>>
      tpu.wait_dma2 semaphore(%run_scoped3A : memref<!tpu.dma_semaphore, #tpu.memory_space<semaphore_mem>>) src(%dma_wait3A_135 : memref<10000xi32, #tpu.memory_space<hbm>>) dst(%arg6 : memref<10000xi32, #tpu.memory_space<vmem>>)
      tpu.yield
    }) : () -> ()
    %barrier3A = arith.constant 0 : index
    tpu.barrier barrier_id(%barrier3A)
    %mul3A_12 = arith.constant 10000 : i32
    %mul3A_13 = arith.muli %add3A, %mul3A_12 : i32
    %add3A_14 = arith.constant 0 : i32
    %add3A_15 = arith.addi %mul3A_13, %add3A_14 : i32
    %dma_start3A = arith.constant 0 : i32
    %dma_start3A_16 = arith.constant 0 : i32
    %dma_start3A_17 = tpu.memref_slice %arg7[%dma_start3A, %dma_start3A_16] : memref<5x40xi32, #tpu.memory_space<vmem>> -> memref<1x40xi32, #tpu.memory_space<vmem>>
    %dma_start3A_18 = tpu.memref_squeeze %dma_start3A_17 : memref<1x40xi32, #tpu.memory_space<vmem>> -> memref<40xi32, #tpu.memory_space<vmem>>
    %dma_start3A_19 = tpu.memref_slice %arg4[%add3A_15] : memref<320000xi32, #tpu.memory_space<hbm>> -> memref<40xi32, #tpu.memory_space<hbm>>
    %dma_start3A_20 = arith.constant 0 : i32
    %dma_start3A_21 = tpu.memref_slice %arg7[%dma_start3A, %dma_start3A_20] : memref<5x40xi32, #tpu.memory_space<vmem>> -> memref<1x40xi32, #tpu.memory_space<vmem>>
    %dma_start3A_22 = tpu.memref_squeeze %dma_start3A_21 : memref<1x40xi32, #tpu.memory_space<vmem>> -> memref<40xi32, #tpu.memory_space<vmem>>
    %dma_start3A_23 = tpu.memref_slice %arg4[%add3A_15] : memref<320000xi32, #tpu.memory_space<hbm>> -> memref<40xi32, #tpu.memory_space<hbm>>
    tpu.enqueue_dma source(%dma_start3A_23 : memref<40xi32, #tpu.memory_space<hbm>>) target(%dma_start3A_22 : memref<40xi32, #tpu.memory_space<vmem>>) target_semaphore(%arg11 : memref<!tpu.dma_semaphore, #tpu.memory_space<semaphore_mem>>)
    %dma_start3A_24 = arith.constant 0 : i32
    %dma_start3A_25 = arith.constant 0 : i32
    %dma_start3A_26 = arith.constant 0 : i32
    %dma_start3A_27 = tpu.memref_slice %arg8[%dma_start3A_24, %dma_start3A_25, %dma_start3A_26] : memref<5x40x128xf32, #tpu.memory_space<vmem>> -> memref<1x40x128xf32, #tpu.memory_space<vmem>>
    %dma_start3A_28 = tpu.memref_squeeze %dma_start3A_27 : memref<1x40x128xf32, #tpu.memory_space<vmem>> -> memref<40x128xf32, #tpu.memory_space<vmem>>
    %dma_start3A_29 = arith.constant 0 : i32
    %dma_start3A_30 = tpu.memref_slice %arg6[%dma_start3A_29] : memref<10000xi32, #tpu.memory_space<vmem>> -> memref<40xi32, #tpu.memory_space<vmem>>
    %dma_start3A_31 = arith.constant 0 : i32
    %dma_start3A_32 = arith.constant 0 : i32
    %dma_start3A_33 = tpu.memref_slice %arg2[%dma_start3A_31, %dma_start3A_32] : memref<10000x128xf32, #tpu.memory_space<hbm>> -> memref<10000x128xf32, #tpu.memory_space<hbm>>
    tpu.enqueue_indirect_dma source(%dma_start3A_33 : memref<10000x128xf32, #tpu.memory_space<hbm>>) target(%dma_start3A_28 : memref<40x128xf32, #tpu.memory_space<vmem>>) offsets(%dma_start3A_30 : memref<40xi32, #tpu.memory_space<vmem>>) semaphore(%arg10 : memref<!tpu.dma_semaphore, #tpu.memory_space<semaphore_mem>>)
    %add3A_34 = arith.constant 40 : i32
    %add3A_35 = arith.addi %mul3A_13, %add3A_34 : i32
    %dma_start3A_36 = arith.constant 1 : i32
    %dma_start3A_37 = arith.constant 0 : i32
    %dma_start3A_38 = tpu.memref_slice %arg7[%dma_start3A_36, %dma_start3A_37] : memref<5x40xi32, #tpu.memory_space<vmem>> -> memref<1x40xi32, #tpu.memory_space<vmem>>
    %dma_start3A_39 = tpu.memref_squeeze %dma_start3A_38 : memref<1x40xi32, #tpu.memory_space<vmem>> -> memref<40xi32, #tpu.memory_space<vmem>>
    %dma_start3A_40 = tpu.memref_slice %arg4[%add3A_35] : memref<320000xi32, #tpu.memory_space<hbm>> -> memref<40xi32, #tpu.memory_space<hbm>>
    %dma_start3A_41 = arith.constant 0 : i32
    %dma_start3A_42 = tpu.memref_slice %arg7[%dma_start3A_36, %dma_start3A_41] : memref<5x40xi32, #tpu.memory_space<vmem>> -> memref<1x40xi32, #tpu.memory_space<vmem>>
    %dma_start3A_43 = tpu.memref_squeeze %dma_start3A_42 : memref<1x40xi32, #tpu.memory_space<vmem>> -> memref<40xi32, #tpu.memory_space<vmem>>
    %dma_start3A_44 = tpu.memref_slice %arg4[%add3A_35] : memref<320000xi32, #tpu.memory_space<hbm>> -> memref<40xi32, #tpu.memory_space<hbm>>
    tpu.enqueue_dma source(%dma_start3A_44 : memref<40xi32, #tpu.memory_space<hbm>>) target(%dma_start3A_43 : memref<40xi32, #tpu.memory_space<vmem>>) target_semaphore(%arg11 : memref<!tpu.dma_semaphore, #tpu.memory_space<semaphore_mem>>)
    %dma_start3A_45 = arith.constant 1 : i32
    %dma_start3A_46 = arith.constant 0 : i32
    %dma_start3A_47 = arith.constant 0 : i32
    %dma_start3A_48 = tpu.memref_slice %arg8[%dma_start3A_45, %dma_start3A_46, %dma_start3A_47] : memref<5x40x128xf32, #tpu.memory_space<vmem>> -> memref<1x40x128xf32, #tpu.memory_space<vmem>>
    %dma_start3A_49 = tpu.memref_squeeze %dma_start3A_48 : memref<1x40x128xf32, #tpu.memory_space<vmem>> -> memref<40x128xf32, #tpu.memory_space<vmem>>
    %dma_start3A_50 = arith.constant 40 : i32
    %dma_start3A_51 = tpu.memref_slice %arg6[%dma_start3A_50] : memref<10000xi32, #tpu.memory_space<vmem>> -> memref<40xi32, #tpu.memory_space<vmem>>
    %dma_start3A_52 = arith.constant 0 : i32
    %dma_start3A_53 = arith.constant 0 : i32
    %dma_start3A_54 = tpu.memref_slice %arg2[%dma_start3A_52, %dma_start3A_53] : memref<10000x128xf32, #tpu.memory_space<hbm>> -> memref<10000x128xf32, #tpu.memory_space<hbm>>
    tpu.enqueue_indirect_dma source(%dma_start3A_54 : memref<10000x128xf32, #tpu.memory_space<hbm>>) target(%dma_start3A_49 : memref<40x128xf32, #tpu.memory_space<vmem>>) offsets(%dma_start3A_51 : memref<40xi32, #tpu.memory_space<vmem>>) semaphore(%arg10 : memref<!tpu.dma_semaphore, #tpu.memory_space<semaphore_mem>>)
    %add3A_55 = arith.constant 80 : i32
    %add3A_56 = arith.addi %mul3A_13, %add3A_55 : i32
    %dma_start3A_57 = arith.constant 2 : i32
    %dma_start3A_58 = arith.constant 0 : i32
    %dma_start3A_59 = tpu.memref_slice %arg7[%dma_start3A_57, %dma_start3A_58] : memref<5x40xi32, #tpu.memory_space<vmem>> -> memref<1x40xi32, #tpu.memory_space<vmem>>
    %dma_start3A_60 = tpu.memref_squeeze %dma_start3A_59 : memref<1x40xi32, #tpu.memory_space<vmem>> -> memref<40xi32, #tpu.memory_space<vmem>>
    %dma_start3A_61 = tpu.memref_slice %arg4[%add3A_56] : memref<320000xi32, #tpu.memory_space<hbm>> -> memref<40xi32, #tpu.memory_space<hbm>>
    %dma_start3A_62 = arith.constant 0 : i32
    %dma_start3A_63 = tpu.memref_slice %arg7[%dma_start3A_57, %dma_start3A_62] : memref<5x40xi32, #tpu.memory_space<vmem>> -> memref<1x40xi32, #tpu.memory_space<vmem>>
    %dma_start3A_64 = tpu.memref_squeeze %dma_start3A_63 : memref<1x40xi32, #tpu.memory_space<vmem>> -> memref<40xi32, #tpu.memory_space<vmem>>
    %dma_start3A_65 = tpu.memref_slice %arg4[%add3A_56] : memref<320000xi32, #tpu.memory_space<hbm>> -> memref<40xi32, #tpu.memory_space<hbm>>
    tpu.enqueue_dma source(%dma_start3A_65 : memref<40xi32, #tpu.memory_space<hbm>>) target(%dma_start3A_64 : memref<40xi32, #tpu.memory_space<vmem>>) target_semaphore(%arg11 : memref<!tpu.dma_semaphore, #tpu.memory_space<semaphore_mem>>)
    %dma_start3A_66 = arith.constant 2 : i32
    %dma_start3A_67 = arith.constant 0 : i32
    %dma_start3A_68 = arith.constant 0 : i32
    %dma_start3A_69 = tpu.memref_slice %arg8[%dma_start3A_66, %dma_start3A_67, %dma_start3A_68] : memref<5x40x128xf32, #tpu.memory_space<vmem>> -> memref<1x40x128xf32, #tpu.memory_space<vmem>>
    %dma_start3A_70 = tpu.memref_squeeze %dma_start3A_69 : memref<1x40x128xf32, #tpu.memory_space<vmem>> -> memref<40x128xf32, #tpu.memory_space<vmem>>
    %dma_start3A_71 = arith.constant 80 : i32
    %dma_start3A_72 = tpu.memref_slice %arg6[%dma_start3A_71] : memref<10000xi32, #tpu.memory_space<vmem>> -> memref<40xi32, #tpu.memory_space<vmem>>
    %dma_start3A_73 = arith.constant 0 : i32
    %dma_start3A_74 = arith.constant 0 : i32
    %dma_start3A_75 = tpu.memref_slice %arg2[%dma_start3A_73, %dma_start3A_74] : memref<10000x128xf32, #tpu.memory_space<hbm>> -> memref<10000x128xf32, #tpu.memory_space<hbm>>
    tpu.enqueue_indirect_dma source(%dma_start3A_75 : memref<10000x128xf32, #tpu.memory_space<hbm>>) target(%dma_start3A_70 : memref<40x128xf32, #tpu.memory_space<vmem>>) offsets(%dma_start3A_72 : memref<40xi32, #tpu.memory_space<vmem>>) semaphore(%arg10 : memref<!tpu.dma_semaphore, #tpu.memory_space<semaphore_mem>>)
    %add3A_76 = arith.constant 120 : i32
    %add3A_77 = arith.addi %mul3A_13, %add3A_76 : i32
    %dma_start3A_78 = arith.constant 3 : i32
    %dma_start3A_79 = arith.constant 0 : i32
    %dma_start3A_80 = tpu.memref_slice %arg7[%dma_start3A_78, %dma_start3A_79] : memref<5x40xi32, #tpu.memory_space<vmem>> -> memref<1x40xi32, #tpu.memory_space<vmem>>
    %dma_start3A_81 = tpu.memref_squeeze %dma_start3A_80 : memref<1x40xi32, #tpu.memory_space<vmem>> -> memref<40xi32, #tpu.memory_space<vmem>>
    %dma_start3A_82 = tpu.memref_slice %arg4[%add3A_77] : memref<320000xi32, #tpu.memory_space<hbm>> -> memref<40xi32, #tpu.memory_space<hbm>>
    %dma_start3A_83 = arith.constant 0 : i32
    %dma_start3A_84 = tpu.memref_slice %arg7[%dma_start3A_78, %dma_start3A_83] : memref<5x40xi32, #tpu.memory_space<vmem>> -> memref<1x40xi32, #tpu.memory_space<vmem>>
    %dma_start3A_85 = tpu.memref_squeeze %dma_start3A_84 : memref<1x40xi32, #tpu.memory_space<vmem>> -> memref<40xi32, #tpu.memory_space<vmem>>
    %dma_start3A_86 = tpu.memref_slice %arg4[%add3A_77] : memref<320000xi32, #tpu.memory_space<hbm>> -> memref<40xi32, #tpu.memory_space<hbm>>
    tpu.enqueue_dma source(%dma_start3A_86 : memref<40xi32, #tpu.memory_space<hbm>>) target(%dma_start3A_85 : memref<40xi32, #tpu.memory_space<vmem>>) target_semaphore(%arg11 : memref<!tpu.dma_semaphore, #tpu.memory_space<semaphore_mem>>)
    %dma_start3A_87 = arith.constant 3 : i32
    %dma_start3A_88 = arith.constant 0 : i32
    %dma_start3A_89 = arith.constant 0 : i32
    %dma_start3A_90 = tpu.memref_slice %arg8[%dma_start3A_87, %dma_start3A_88, %dma_start3A_89] : memref<5x40x128xf32, #tpu.memory_space<vmem>> -> memref<1x40x128xf32, #tpu.memory_space<vmem>>
    %dma_start3A_91 = tpu.memref_squeeze %dma_start3A_90 : memref<1x40x128xf32, #tpu.memory_space<vmem>> -> memref<40x128xf32, #tpu.memory_space<vmem>>
    %dma_start3A_92 = arith.constant 120 : i32
    %dma_start3A_93 = tpu.memref_slice %arg6[%dma_start3A_92] : memref<10000xi32, #tpu.memory_space<vmem>> -> memref<40xi32, #tpu.memory_space<vmem>>
    %dma_start3A_94 = arith.constant 0 : i32
    %dma_start3A_95 = arith.constant 0 : i32
    %dma_start3A_96 = tpu.memref_slice %arg2[%dma_start3A_94, %dma_start3A_95] : memref<10000x128xf32, #tpu.memory_space<hbm>> -> memref<10000x128xf32, #tpu.memory_space<hbm>>
    tpu.enqueue_indirect_dma source(%dma_start3A_96 : memref<10000x128xf32, #tpu.memory_space<hbm>>) target(%dma_start3A_91 : memref<40x128xf32, #tpu.memory_space<vmem>>) offsets(%dma_start3A_93 : memref<40xi32, #tpu.memory_space<vmem>>) semaphore(%arg10 : memref<!tpu.dma_semaphore, #tpu.memory_space<semaphore_mem>>)
    %add3A_97 = arith.constant 160 : i32
    %add3A_98 = arith.addi %mul3A_13, %add3A_97 : i32
    %dma_start3A_99 = arith.constant 4 : i32
    %dma_start3A_100 = arith.constant 0 : i32
    %dma_start3A_101 = tpu.memref_slice %arg7[%dma_start3A_99, %dma_start3A_100] : memref<5x40xi32, #tpu.memory_space<vmem>> -> memref<1x40xi32, #tpu.memory_space<vmem>>
    %dma_start3A_102 = tpu.memref_squeeze %dma_start3A_101 : memref<1x40xi32, #tpu.memory_space<vmem>> -> memref<40xi32, #tpu.memory_space<vmem>>
    %dma_start3A_103 = tpu.memref_slice %arg4[%add3A_98] : memref<320000xi32, #tpu.memory_space<hbm>> -> memref<40xi32, #tpu.memory_space<hbm>>
    %dma_start3A_104 = arith.constant 0 : i32
    %dma_start3A_105 = tpu.memref_slice %arg7[%dma_start3A_99, %dma_start3A_104] : memref<5x40xi32, #tpu.memory_space<vmem>> -> memref<1x40xi32, #tpu.memory_space<vmem>>
    %dma_start3A_106 = tpu.memref_squeeze %dma_start3A_105 : memref<1x40xi32, #tpu.memory_space<vmem>> -> memref<40xi32, #tpu.memory_space<vmem>>
    %dma_start3A_107 = tpu.memref_slice %arg4[%add3A_98] : memref<320000xi32, #tpu.memory_space<hbm>> -> memref<40xi32, #tpu.memory_space<hbm>>
    tpu.enqueue_dma source(%dma_start3A_107 : memref<40xi32, #tpu.memory_space<hbm>>) target(%dma_start3A_106 : memref<40xi32, #tpu.memory_space<vmem>>) target_semaphore(%arg11 : memref<!tpu.dma_semaphore, #tpu.memory_space<semaphore_mem>>)
    %dma_start3A_108 = arith.constant 4 : i32
    %dma_start3A_109 = arith.constant 0 : i32
    %dma_start3A_110 = arith.constant 0 : i32
    %dma_start3A_111 = tpu.memref_slice %arg8[%dma_start3A_108, %dma_start3A_109, %dma_start3A_110] : memref<5x40x128xf32, #tpu.memory_space<vmem>> -> memref<1x40x128xf32, #tpu.memory_space<vmem>>
    %dma_start3A_112 = tpu.memref_squeeze %dma_start3A_111 : memref<1x40x128xf32, #tpu.memory_space<vmem>> -> memref<40x128xf32, #tpu.memory_space<vmem>>
    %dma_start3A_113 = arith.constant 160 : i32
    %dma_start3A_114 = tpu.memref_slice %arg6[%dma_start3A_113] : memref<10000xi32, #tpu.memory_space<vmem>> -> memref<40xi32, #tpu.memory_space<vmem>>
    %dma_start3A_115 = arith.constant 0 : i32
    %dma_start3A_116 = arith.constant 0 : i32
    %dma_start3A_117 = tpu.memref_slice %arg2[%dma_start3A_115, %dma_start3A_116] : memref<10000x128xf32, #tpu.memory_space<hbm>> -> memref<10000x128xf32, #tpu.memory_space<hbm>>
    tpu.enqueue_indirect_dma source(%dma_start3A_117 : memref<10000x128xf32, #tpu.memory_space<hbm>>) target(%dma_start3A_112 : memref<40x128xf32, #tpu.memory_space<vmem>>) offsets(%dma_start3A_114 : memref<40xi32, #tpu.memory_space<vmem>>) semaphore(%arg10 : memref<!tpu.dma_semaphore, #tpu.memory_space<semaphore_mem>>)
    %scan3A = arith.constant 0 : i32
    %scan3A_118 = arith.constant 0 : i32
    %scan3A_119 = arith.constant 50 : i32
    %scan3A_120 = arith.addi %scan3A_118, %scan3A_119 : i32
    %scan3A_121 = arith.constant 1 : i32
    scf.for %scan3A_133 = %scan3A_118 to %scan3A_120 step %scan3A_121  : i32 {
      %mul3A_134 = arith.constant 5 : i32
      %mul3A_135 = arith.muli %scan3A_133, %mul3A_134 : i32
      %add3A_136 = arith.constant 0 : i32
      %add3A_137 = arith.addi %mul3A_135, %add3A_136 : i32
      %dma_wait3A = arith.constant 0 : i32
      %dma_wait3A_138 = arith.constant 0 : i32
      %dma_wait3A_139 = tpu.memref_slice %arg7[%dma_wait3A, %dma_wait3A_138] : memref<5x40xi32, #tpu.memory_space<vmem>> -> memref<1x40xi32, #tpu.memory_space<vmem>>
      %dma_wait3A_140 = tpu.memref_squeeze %dma_wait3A_139 : memref<1x40xi32, #tpu.memory_space<vmem>> -> memref<40xi32, #tpu.memory_space<vmem>>
      %dma_wait3A_141 = tpu.memref_slice %arg4[%mul3A_13] : memref<320000xi32, #tpu.memory_space<hbm>> -> memref<40xi32, #tpu.memory_space<hbm>>
      %dma_wait3A_142 = arith.constant 0 : i32
      %dma_wait3A_143 = tpu.memref_slice %arg7[%dma_wait3A, %dma_wait3A_142] : memref<5x40xi32, #tpu.memory_space<vmem>> -> memref<1x40xi32, #tpu.memory_space<vmem>>
      %dma_wait3A_144 = tpu.memref_squeeze %dma_wait3A_143 : memref<1x40xi32, #tpu.memory_space<vmem>> -> memref<40xi32, #tpu.memory_space<vmem>>
      %dma_wait3A_145 = tpu.memref_slice %arg4[%mul3A_13] : memref<320000xi32, #tpu.memory_space<hbm>> -> memref<40xi32, #tpu.memory_space<hbm>>
      tpu.wait_dma2 semaphore(%arg11 : memref<!tpu.dma_semaphore, #tpu.memory_space<semaphore_mem>>) src(%dma_wait3A_145 : memref<40xi32, #tpu.memory_space<hbm>>) dst(%dma_wait3A_144 : memref<40xi32, #tpu.memory_space<vmem>>)
      %dma_wait3A_146 = arith.constant 0 : i32
      %dma_wait3A_147 = arith.constant 0 : i32
      %dma_wait3A_148 = arith.constant 0 : i32
      %dma_wait3A_149 = tpu.memref_slice %arg8[%dma_wait3A_146, %dma_wait3A_147, %dma_wait3A_148] : memref<5x40x128xf32, #tpu.memory_space<vmem>> -> memref<1x40x128xf32, #tpu.memory_space<vmem>>
      %dma_wait3A_150 = tpu.memref_squeeze %dma_wait3A_149 : memref<1x40x128xf32, #tpu.memory_space<vmem>> -> memref<40x128xf32, #tpu.memory_space<vmem>>
      %dma_wait3A_151 = arith.constant 0 : i32
      %dma_wait3A_152 = tpu.memref_slice %arg6[%dma_wait3A_151] : memref<10000xi32, #tpu.memory_space<vmem>> -> memref<40xi32, #tpu.memory_space<vmem>>
      %dma_wait3A_153 = arith.constant 0 : i32
      %dma_wait3A_154 = arith.constant 0 : i32
      %dma_wait3A_155 = tpu.memref_slice %arg2[%dma_wait3A_153, %dma_wait3A_154] : memref<10000x128xf32, #tpu.memory_space<hbm>> -> memref<10000x128xf32, #tpu.memory_space<hbm>>
      tpu.wait_indirect_dma semaphore(%arg10 : memref<!tpu.dma_semaphore, #tpu.memory_space<semaphore_mem>>) src(%dma_wait3A_155 : memref<10000x128xf32, #tpu.memory_space<hbm>>) dst(%dma_wait3A_150 : memref<40x128xf32, #tpu.memory_space<vmem>>)
      %run_scoped3A = arith.constant 0 : i32
      %run_scoped3A_156 = arith.constant 0 : i32
      "tpu.region"() ({
        %run_scoped3A_292 = tpu.sem_alloc : memref<!tpu.dma_semaphore, #tpu.memory_space<semaphore_mem>>
        %dma_start3A_293 = arith.constant 0 : i32
        %dma_start3A_294 = arith.constant 0 : i32
        %dma_start3A_295 = tpu.memref_slice %arg8[%run_scoped3A, %dma_start3A_293, %dma_start3A_294] : memref<5x40x128xf32, #tpu.memory_space<vmem>> -> memref<1x40x128xf32, #tpu.memory_space<vmem>>
        %dma_start3A_296 = tpu.memref_squeeze %dma_start3A_295 : memref<1x40x128xf32, #tpu.memory_space<vmem>> -> memref<40x128xf32, #tpu.memory_space<vmem>>
        %dma_start3A_297 = arith.constant 0 : i32
        %dma_start3A_298 = tpu.memref_slice %arg7[%run_scoped3A_156, %dma_start3A_297] : memref<5x40xi32, #tpu.memory_space<vmem>> -> memref<1x40xi32, #tpu.memory_space<vmem>>
        %dma_start3A_299 = tpu.memref_squeeze %dma_start3A_298 : memref<1x40xi32, #tpu.memory_space<vmem>> -> memref<40xi32, #tpu.memory_space<vmem>>
        %dma_start3A_300 = arith.constant 0 : i32
        %dma_start3A_301 = arith.constant 0 : i32
        %dma_start3A_302 = tpu.memref_slice %arg9[%dma_start3A_300, %dma_start3A_301] : memref<10000x128xf32, #tpu.memory_space<vmem_shared>> -> memref<10000x128xf32, #tpu.memory_space<vmem_shared>>
        tpu.enqueue_indirect_dma source(%dma_start3A_296 : memref<40x128xf32, #tpu.memory_space<vmem>>) target(%dma_start3A_302 : memref<10000x128xf32, #tpu.memory_space<vmem_shared>>) offsets(%dma_start3A_299 : memref<40xi32, #tpu.memory_space<vmem>>) semaphore(%run_scoped3A_292 : memref<!tpu.dma_semaphore, #tpu.memory_space<semaphore_mem>>) {add = true}
        %dma_wait3A_303 = arith.constant 0 : i32
        %dma_wait3A_304 = arith.constant 0 : i32
        %dma_wait3A_305 = tpu.memref_slice %arg8[%run_scoped3A, %dma_wait3A_303, %dma_wait3A_304] : memref<5x40x128xf32, #tpu.memory_space<vmem>> -> memref<1x40x128xf32, #tpu.memory_space<vmem>>
        %dma_wait3A_306 = tpu.memref_squeeze %dma_wait3A_305 : memref<1x40x128xf32, #tpu.memory_space<vmem>> -> memref<40x128xf32, #tpu.memory_space<vmem>>
        %dma_wait3A_307 = arith.constant 0 : i32
        %dma_wait3A_308 = tpu.memref_slice %arg7[%run_scoped3A_156, %dma_wait3A_307] : memref<5x40xi32, #tpu.memory_space<vmem>> -> memref<1x40xi32, #tpu.memory_space<vmem>>
        %dma_wait3A_309 = tpu.memref_squeeze %dma_wait3A_308 : memref<1x40xi32, #tpu.memory_space<vmem>> -> memref<40xi32, #tpu.memory_space<vmem>>
        %dma_wait3A_310 = arith.constant 0 : i32
        %dma_wait3A_311 = arith.constant 0 : i32
        %dma_wait3A_312 = tpu.memref_slice %arg9[%dma_wait3A_310, %dma_wait3A_311] : memref<10000x128xf32, #tpu.memory_space<vmem_shared>> -> memref<10000x128xf32, #tpu.memory_space<vmem_shared>>
        tpu.wait_indirect_dma semaphore(%run_scoped3A_292 : memref<!tpu.dma_semaphore, #tpu.memory_space<semaphore_mem>>) src(%dma_wait3A_306 : memref<40x128xf32, #tpu.memory_space<vmem>>) dst(%dma_wait3A_312 : memref<10000x128xf32, #tpu.memory_space<vmem_shared>>)
        tpu.yield
      }) : () -> ()
      %add3A_157 = arith.constant 5 : i32
      %add3A_158 = arith.addi %add3A_137, %add3A_157 : i32
      %lt3A_159 = arith.constant 250 : i32
      %lt3A_160 = arith.cmpi slt, %add3A_158, %lt3A_159 : i32
      %convert_element_type3A_161 = arith.extui %lt3A_160 : i1 to i32
      %cond3A_162 = arith.constant 0 : i32
      %cond3A_163 = arith.cmpi ne, %convert_element_type3A_161, %cond3A_162 : i32
      scf.if %cond3A_163 {
        %add3A_292 = arith.constant 5 : i32
        %add3A_293 = arith.addi %add3A_137, %add3A_292 : i32
        %mul3A_294 = arith.constant 40 : i32
        %mul3A_295 = arith.muli %add3A_293, %mul3A_294 : i32
        %add3A_296 = arith.addi %mul3A_13, %mul3A_295 : i32
        %dma_start3A_297 = arith.constant 0 : i32
        %dma_start3A_298 = arith.constant 0 : i32
        %dma_start3A_299 = tpu.memref_slice %arg7[%dma_start3A_297, %dma_start3A_298] : memref<5x40xi32, #tpu.memory_space<vmem>> -> memref<1x40xi32, #tpu.memory_space<vmem>>
        %dma_start3A_300 = tpu.memref_squeeze %dma_start3A_299 : memref<1x40xi32, #tpu.memory_space<vmem>> -> memref<40xi32, #tpu.memory_space<vmem>>
        %dma_start3A_301 = tpu.memref_slice %arg4[%add3A_296] : memref<320000xi32, #tpu.memory_space<hbm>> -> memref<40xi32, #tpu.memory_space<hbm>>
        %dma_start3A_302 = arith.constant 0 : i32
        %dma_start3A_303 = tpu.memref_slice %arg7[%dma_start3A_297, %dma_start3A_302] : memref<5x40xi32, #tpu.memory_space<vmem>> -> memref<1x40xi32, #tpu.memory_space<vmem>>
        %dma_start3A_304 = tpu.memref_squeeze %dma_start3A_303 : memref<1x40xi32, #tpu.memory_space<vmem>> -> memref<40xi32, #tpu.memory_space<vmem>>
        %dma_start3A_305 = tpu.memref_slice %arg4[%add3A_296] : memref<320000xi32, #tpu.memory_space<hbm>> -> memref<40xi32, #tpu.memory_space<hbm>>
        tpu.enqueue_dma source(%dma_start3A_305 : memref<40xi32, #tpu.memory_space<hbm>>) target(%dma_start3A_304 : memref<40xi32, #tpu.memory_space<vmem>>) target_semaphore(%arg11 : memref<!tpu.dma_semaphore, #tpu.memory_space<semaphore_mem>>)
        %add3A_306 = arith.constant 5 : i32
        %add3A_307 = arith.addi %add3A_137, %add3A_306 : i32
        %mul3A_308 = arith.constant 40 : i32
        %mul3A_309 = arith.muli %add3A_307, %mul3A_308 : i32
        %dma_start3A_310 = arith.constant 0 : i32
        %dma_start3A_311 = arith.constant 0 : i32
        %dma_start3A_312 = arith.constant 0 : i32
        %dma_start3A_313 = tpu.memref_slice %arg8[%dma_start3A_310, %dma_start3A_311, %dma_start3A_312] : memref<5x40x128xf32, #tpu.memory_space<vmem>> -> memref<1x40x128xf32, #tpu.memory_space<vmem>>
        %dma_start3A_314 = tpu.memref_squeeze %dma_start3A_313 : memref<1x40x128xf32, #tpu.memory_space<vmem>> -> memref<40x128xf32, #tpu.memory_space<vmem>>
        %dma_start3A_315 = tpu.memref_slice %arg6[%mul3A_309] : memref<10000xi32, #tpu.memory_space<vmem>> -> memref<40xi32, #tpu.memory_space<vmem>>
        %dma_start3A_316 = arith.constant 0 : i32
        %dma_start3A_317 = arith.constant 0 : i32
        %dma_start3A_318 = tpu.memref_slice %arg2[%dma_start3A_316, %dma_start3A_317] : memref<10000x128xf32, #tpu.memory_space<hbm>> -> memref<10000x128xf32, #tpu.memory_space<hbm>>
        tpu.enqueue_indirect_dma source(%dma_start3A_318 : memref<10000x128xf32, #tpu.memory_space<hbm>>) target(%dma_start3A_314 : memref<40x128xf32, #tpu.memory_space<vmem>>) offsets(%dma_start3A_315 : memref<40xi32, #tpu.memory_space<vmem>>) semaphore(%arg10 : memref<!tpu.dma_semaphore, #tpu.memory_space<semaphore_mem>>)
      } else {
      }
      %mul3A_164 = arith.constant 5 : i32
      %mul3A_165 = arith.muli %scan3A_133, %mul3A_164 : i32
      %add3A_166 = arith.constant 1 : i32
      %add3A_167 = arith.addi %mul3A_165, %add3A_166 : i32
      %dma_wait3A_168 = arith.constant 1 : i32
      %dma_wait3A_169 = arith.constant 0 : i32
      %dma_wait3A_170 = tpu.memref_slice %arg7[%dma_wait3A_168, %dma_wait3A_169] : memref<5x40xi32, #tpu.memory_space<vmem>> -> memref<1x40xi32, #tpu.memory_space<vmem>>
      %dma_wait3A_171 = tpu.memref_squeeze %dma_wait3A_170 : memref<1x40xi32, #tpu.memory_space<vmem>> -> memref<40xi32, #tpu.memory_space<vmem>>
      %dma_wait3A_172 = tpu.memref_slice %arg4[%mul3A_13] : memref<320000xi32, #tpu.memory_space<hbm>> -> memref<40xi32, #tpu.memory_space<hbm>>
      %dma_wait3A_173 = arith.constant 0 : i32
      %dma_wait3A_174 = tpu.memref_slice %arg7[%dma_wait3A_168, %dma_wait3A_173] : memref<5x40xi32, #tpu.memory_space<vmem>> -> memref<1x40xi32, #tpu.memory_space<vmem>>
      %dma_wait3A_175 = tpu.memref_squeeze %dma_wait3A_174 : memref<1x40xi32, #tpu.memory_space<vmem>> -> memref<40xi32, #tpu.memory_space<vmem>>
      %dma_wait3A_176 = tpu.memref_slice %arg4[%mul3A_13] : memref<320000xi32, #tpu.memory_space<hbm>> -> memref<40xi32, #tpu.memory_space<hbm>>
      tpu.wait_dma2 semaphore(%arg11 : memref<!tpu.dma_semaphore, #tpu.memory_space<semaphore_mem>>) src(%dma_wait3A_176 : memref<40xi32, #tpu.memory_space<hbm>>) dst(%dma_wait3A_175 : memref<40xi32, #tpu.memory_space<vmem>>)
      %dma_wait3A_177 = arith.constant 1 : i32
      %dma_wait3A_178 = arith.constant 0 : i32
      %dma_wait3A_179 = arith.constant 0 : i32
      %dma_wait3A_180 = tpu.memref_slice %arg8[%dma_wait3A_177, %dma_wait3A_178, %dma_wait3A_179] : memref<5x40x128xf32, #tpu.memory_space<vmem>> -> memref<1x40x128xf32, #tpu.memory_space<vmem>>
      %dma_wait3A_181 = tpu.memref_squeeze %dma_wait3A_180 : memref<1x40x128xf32, #tpu.memory_space<vmem>> -> memref<40x128xf32, #tpu.memory_space<vmem>>
      %dma_wait3A_182 = arith.constant 0 : i32
      %dma_wait3A_183 = tpu.memref_slice %arg6[%dma_wait3A_182] : memref<10000xi32, #tpu.memory_space<vmem>> -> memref<40xi32, #tpu.memory_space<vmem>>
      %dma_wait3A_184 = arith.constant 0 : i32
      %dma_wait3A_185 = arith.constant 0 : i32
      %dma_wait3A_186 = tpu.memref_slice %arg2[%dma_wait3A_184, %dma_wait3A_185] : memref<10000x128xf32, #tpu.memory_space<hbm>> -> memref<10000x128xf32, #tpu.memory_space<hbm>>
      tpu.wait_indirect_dma semaphore(%arg10 : memref<!tpu.dma_semaphore, #tpu.memory_space<semaphore_mem>>) src(%dma_wait3A_186 : memref<10000x128xf32, #tpu.memory_space<hbm>>) dst(%dma_wait3A_181 : memref<40x128xf32, #tpu.memory_space<vmem>>)
      %run_scoped3A_187 = arith.constant 1 : i32
      %run_scoped3A_188 = arith.constant 1 : i32
      "tpu.region"() ({
        %run_scoped3A_292 = tpu.sem_alloc : memref<!tpu.dma_semaphore, #tpu.memory_space<semaphore_mem>>
        %dma_start3A_293 = arith.constant 0 : i32
        %dma_start3A_294 = arith.constant 0 : i32
        %dma_start3A_295 = tpu.memref_slice %arg8[%run_scoped3A_187, %dma_start3A_293, %dma_start3A_294] : memref<5x40x128xf32, #tpu.memory_space<vmem>> -> memref<1x40x128xf32, #tpu.memory_space<vmem>>
        %dma_start3A_296 = tpu.memref_squeeze %dma_start3A_295 : memref<1x40x128xf32, #tpu.memory_space<vmem>> -> memref<40x128xf32, #tpu.memory_space<vmem>>
        %dma_start3A_297 = arith.constant 0 : i32
        %dma_start3A_298 = tpu.memref_slice %arg7[%run_scoped3A_188, %dma_start3A_297] : memref<5x40xi32, #tpu.memory_space<vmem>> -> memref<1x40xi32, #tpu.memory_space<vmem>>
        %dma_start3A_299 = tpu.memref_squeeze %dma_start3A_298 : memref<1x40xi32, #tpu.memory_space<vmem>> -> memref<40xi32, #tpu.memory_space<vmem>>
        %dma_start3A_300 = arith.constant 0 : i32
        %dma_start3A_301 = arith.constant 0 : i32
        %dma_start3A_302 = tpu.memref_slice %arg9[%dma_start3A_300, %dma_start3A_301] : memref<10000x128xf32, #tpu.memory_space<vmem_shared>> -> memref<10000x128xf32, #tpu.memory_space<vmem_shared>>
        tpu.enqueue_indirect_dma source(%dma_start3A_296 : memref<40x128xf32, #tpu.memory_space<vmem>>) target(%dma_start3A_302 : memref<10000x128xf32, #tpu.memory_space<vmem_shared>>) offsets(%dma_start3A_299 : memref<40xi32, #tpu.memory_space<vmem>>) semaphore(%run_scoped3A_292 : memref<!tpu.dma_semaphore, #tpu.memory_space<semaphore_mem>>) {add = true}
        %dma_wait3A_303 = arith.constant 0 : i32
        %dma_wait3A_304 = arith.constant 0 : i32
        %dma_wait3A_305 = tpu.memref_slice %arg8[%run_scoped3A_187, %dma_wait3A_303, %dma_wait3A_304] : memref<5x40x128xf32, #tpu.memory_space<vmem>> -> memref<1x40x128xf32, #tpu.memory_space<vmem>>
        %dma_wait3A_306 = tpu.memref_squeeze %dma_wait3A_305 : memref<1x40x128xf32, #tpu.memory_space<vmem>> -> memref<40x128xf32, #tpu.memory_space<vmem>>
        %dma_wait3A_307 = arith.constant 0 : i32
        %dma_wait3A_308 = tpu.memref_slice %arg7[%run_scoped3A_188, %dma_wait3A_307] : memref<5x40xi32, #tpu.memory_space<vmem>> -> memref<1x40xi32, #tpu.memory_space<vmem>>
        %dma_wait3A_309 = tpu.memref_squeeze %dma_wait3A_308 : memref<1x40xi32, #tpu.memory_space<vmem>> -> memref<40xi32, #tpu.memory_space<vmem>>
        %dma_wait3A_310 = arith.constant 0 : i32
        %dma_wait3A_311 = arith.constant 0 : i32
        %dma_wait3A_312 = tpu.memref_slice %arg9[%dma_wait3A_310, %dma_wait3A_311] : memref<10000x128xf32, #tpu.memory_space<vmem_shared>> -> memref<10000x128xf32, #tpu.memory_space<vmem_shared>>
        tpu.wait_indirect_dma semaphore(%run_scoped3A_292 : memref<!tpu.dma_semaphore, #tpu.memory_space<semaphore_mem>>) src(%dma_wait3A_306 : memref<40x128xf32, #tpu.memory_space<vmem>>) dst(%dma_wait3A_312 : memref<10000x128xf32, #tpu.memory_space<vmem_shared>>)
        tpu.yield
      }) : () -> ()
      %add3A_189 = arith.constant 5 : i32
      %add3A_190 = arith.addi %add3A_167, %add3A_189 : i32
      %lt3A_191 = arith.constant 250 : i32
      %lt3A_192 = arith.cmpi slt, %add3A_190, %lt3A_191 : i32
      %convert_element_type3A_193 = arith.extui %lt3A_192 : i1 to i32
      %cond3A_194 = arith.constant 0 : i32
      %cond3A_195 = arith.cmpi ne, %convert_element_type3A_193, %cond3A_194 : i32
      scf.if %cond3A_195 {
        %add3A_292 = arith.constant 5 : i32
        %add3A_293 = arith.addi %add3A_167, %add3A_292 : i32
        %mul3A_294 = arith.constant 40 : i32
        %mul3A_295 = arith.muli %add3A_293, %mul3A_294 : i32
        %add3A_296 = arith.addi %mul3A_13, %mul3A_295 : i32
        %dma_start3A_297 = arith.constant 1 : i32
        %dma_start3A_298 = arith.constant 0 : i32
        %dma_start3A_299 = tpu.memref_slice %arg7[%dma_start3A_297, %dma_start3A_298] : memref<5x40xi32, #tpu.memory_space<vmem>> -> memref<1x40xi32, #tpu.memory_space<vmem>>
        %dma_start3A_300 = tpu.memref_squeeze %dma_start3A_299 : memref<1x40xi32, #tpu.memory_space<vmem>> -> memref<40xi32, #tpu.memory_space<vmem>>
        %dma_start3A_301 = tpu.memref_slice %arg4[%add3A_296] : memref<320000xi32, #tpu.memory_space<hbm>> -> memref<40xi32, #tpu.memory_space<hbm>>
        %dma_start3A_302 = arith.constant 0 : i32
        %dma_start3A_303 = tpu.memref_slice %arg7[%dma_start3A_297, %dma_start3A_302] : memref<5x40xi32, #tpu.memory_space<vmem>> -> memref<1x40xi32, #tpu.memory_space<vmem>>
        %dma_start3A_304 = tpu.memref_squeeze %dma_start3A_303 : memref<1x40xi32, #tpu.memory_space<vmem>> -> memref<40xi32, #tpu.memory_space<vmem>>
        %dma_start3A_305 = tpu.memref_slice %arg4[%add3A_296] : memref<320000xi32, #tpu.memory_space<hbm>> -> memref<40xi32, #tpu.memory_space<hbm>>
        tpu.enqueue_dma source(%dma_start3A_305 : memref<40xi32, #tpu.memory_space<hbm>>) target(%dma_start3A_304 : memref<40xi32, #tpu.memory_space<vmem>>) target_semaphore(%arg11 : memref<!tpu.dma_semaphore, #tpu.memory_space<semaphore_mem>>)
        %add3A_306 = arith.constant 5 : i32
        %add3A_307 = arith.addi %add3A_167, %add3A_306 : i32
        %mul3A_308 = arith.constant 40 : i32
        %mul3A_309 = arith.muli %add3A_307, %mul3A_308 : i32
        %dma_start3A_310 = arith.constant 1 : i32
        %dma_start3A_311 = arith.constant 0 : i32
        %dma_start3A_312 = arith.constant 0 : i32
        %dma_start3A_313 = tpu.memref_slice %arg8[%dma_start3A_310, %dma_start3A_311, %dma_start3A_312] : memref<5x40x128xf32, #tpu.memory_space<vmem>> -> memref<1x40x128xf32, #tpu.memory_space<vmem>>
        %dma_start3A_314 = tpu.memref_squeeze %dma_start3A_313 : memref<1x40x128xf32, #tpu.memory_space<vmem>> -> memref<40x128xf32, #tpu.memory_space<vmem>>
        %dma_start3A_315 = tpu.memref_slice %arg6[%mul3A_309] : memref<10000xi32, #tpu.memory_space<vmem>> -> memref<40xi32, #tpu.memory_space<vmem>>
        %dma_start3A_316 = arith.constant 0 : i32
        %dma_start3A_317 = arith.constant 0 : i32
        %dma_start3A_318 = tpu.memref_slice %arg2[%dma_start3A_316, %dma_start3A_317] : memref<10000x128xf32, #tpu.memory_space<hbm>> -> memref<10000x128xf32, #tpu.memory_space<hbm>>
        tpu.enqueue_indirect_dma source(%dma_start3A_318 : memref<10000x128xf32, #tpu.memory_space<hbm>>) target(%dma_start3A_314 : memref<40x128xf32, #tpu.memory_space<vmem>>) offsets(%dma_start3A_315 : memref<40xi32, #tpu.memory_space<vmem>>) semaphore(%arg10 : memref<!tpu.dma_semaphore, #tpu.memory_space<semaphore_mem>>)
      } else {
      }
      %mul3A_196 = arith.constant 5 : i32
      %mul3A_197 = arith.muli %scan3A_133, %mul3A_196 : i32
      %add3A_198 = arith.constant 2 : i32
      %add3A_199 = arith.addi %mul3A_197, %add3A_198 : i32
      %dma_wait3A_200 = arith.constant 2 : i32
      %dma_wait3A_201 = arith.constant 0 : i32
      %dma_wait3A_202 = tpu.memref_slice %arg7[%dma_wait3A_200, %dma_wait3A_201] : memref<5x40xi32, #tpu.memory_space<vmem>> -> memref<1x40xi32, #tpu.memory_space<vmem>>
      %dma_wait3A_203 = tpu.memref_squeeze %dma_wait3A_202 : memref<1x40xi32, #tpu.memory_space<vmem>> -> memref<40xi32, #tpu.memory_space<vmem>>
      %dma_wait3A_204 = tpu.memref_slice %arg4[%mul3A_13] : memref<320000xi32, #tpu.memory_space<hbm>> -> memref<40xi32, #tpu.memory_space<hbm>>
      %dma_wait3A_205 = arith.constant 0 : i32
      %dma_wait3A_206 = tpu.memref_slice %arg7[%dma_wait3A_200, %dma_wait3A_205] : memref<5x40xi32, #tpu.memory_space<vmem>> -> memref<1x40xi32, #tpu.memory_space<vmem>>
      %dma_wait3A_207 = tpu.memref_squeeze %dma_wait3A_206 : memref<1x40xi32, #tpu.memory_space<vmem>> -> memref<40xi32, #tpu.memory_space<vmem>>
      %dma_wait3A_208 = tpu.memref_slice %arg4[%mul3A_13] : memref<320000xi32, #tpu.memory_space<hbm>> -> memref<40xi32, #tpu.memory_space<hbm>>
      tpu.wait_dma2 semaphore(%arg11 : memref<!tpu.dma_semaphore, #tpu.memory_space<semaphore_mem>>) src(%dma_wait3A_208 : memref<40xi32, #tpu.memory_space<hbm>>) dst(%dma_wait3A_207 : memref<40xi32, #tpu.memory_space<vmem>>)
      %dma_wait3A_209 = arith.constant 2 : i32
      %dma_wait3A_210 = arith.constant 0 : i32
      %dma_wait3A_211 = arith.constant 0 : i32
      %dma_wait3A_212 = tpu.memref_slice %arg8[%dma_wait3A_209, %dma_wait3A_210, %dma_wait3A_211] : memref<5x40x128xf32, #tpu.memory_space<vmem>> -> memref<1x40x128xf32, #tpu.memory_space<vmem>>
      %dma_wait3A_213 = tpu.memref_squeeze %dma_wait3A_212 : memref<1x40x128xf32, #tpu.memory_space<vmem>> -> memref<40x128xf32, #tpu.memory_space<vmem>>
      %dma_wait3A_214 = arith.constant 0 : i32
      %dma_wait3A_215 = tpu.memref_slice %arg6[%dma_wait3A_214] : memref<10000xi32, #tpu.memory_space<vmem>> -> memref<40xi32, #tpu.memory_space<vmem>>
      %dma_wait3A_216 = arith.constant 0 : i32
      %dma_wait3A_217 = arith.constant 0 : i32
      %dma_wait3A_218 = tpu.memref_slice %arg2[%dma_wait3A_216, %dma_wait3A_217] : memref<10000x128xf32, #tpu.memory_space<hbm>> -> memref<10000x128xf32, #tpu.memory_space<hbm>>
      tpu.wait_indirect_dma semaphore(%arg10 : memref<!tpu.dma_semaphore, #tpu.memory_space<semaphore_mem>>) src(%dma_wait3A_218 : memref<10000x128xf32, #tpu.memory_space<hbm>>) dst(%dma_wait3A_213 : memref<40x128xf32, #tpu.memory_space<vmem>>)
      %run_scoped3A_219 = arith.constant 2 : i32
      %run_scoped3A_220 = arith.constant 2 : i32
      "tpu.region"() ({
        %run_scoped3A_292 = tpu.sem_alloc : memref<!tpu.dma_semaphore, #tpu.memory_space<semaphore_mem>>
        %dma_start3A_293 = arith.constant 0 : i32
        %dma_start3A_294 = arith.constant 0 : i32
        %dma_start3A_295 = tpu.memref_slice %arg8[%run_scoped3A_219, %dma_start3A_293, %dma_start3A_294] : memref<5x40x128xf32, #tpu.memory_space<vmem>> -> memref<1x40x128xf32, #tpu.memory_space<vmem>>
        %dma_start3A_296 = tpu.memref_squeeze %dma_start3A_295 : memref<1x40x128xf32, #tpu.memory_space<vmem>> -> memref<40x128xf32, #tpu.memory_space<vmem>>
        %dma_start3A_297 = arith.constant 0 : i32
        %dma_start3A_298 = tpu.memref_slice %arg7[%run_scoped3A_220, %dma_start3A_297] : memref<5x40xi32, #tpu.memory_space<vmem>> -> memref<1x40xi32, #tpu.memory_space<vmem>>
        %dma_start3A_299 = tpu.memref_squeeze %dma_start3A_298 : memref<1x40xi32, #tpu.memory_space<vmem>> -> memref<40xi32, #tpu.memory_space<vmem>>
        %dma_start3A_300 = arith.constant 0 : i32
        %dma_start3A_301 = arith.constant 0 : i32
        %dma_start3A_302 = tpu.memref_slice %arg9[%dma_start3A_300, %dma_start3A_301] : memref<10000x128xf32, #tpu.memory_space<vmem_shared>> -> memref<10000x128xf32, #tpu.memory_space<vmem_shared>>
        tpu.enqueue_indirect_dma source(%dma_start3A_296 : memref<40x128xf32, #tpu.memory_space<vmem>>) target(%dma_start3A_302 : memref<10000x128xf32, #tpu.memory_space<vmem_shared>>) offsets(%dma_start3A_299 : memref<40xi32, #tpu.memory_space<vmem>>) semaphore(%run_scoped3A_292 : memref<!tpu.dma_semaphore, #tpu.memory_space<semaphore_mem>>) {add = true}
        %dma_wait3A_303 = arith.constant 0 : i32
        %dma_wait3A_304 = arith.constant 0 : i32
        %dma_wait3A_305 = tpu.memref_slice %arg8[%run_scoped3A_219, %dma_wait3A_303, %dma_wait3A_304] : memref<5x40x128xf32, #tpu.memory_space<vmem>> -> memref<1x40x128xf32, #tpu.memory_space<vmem>>
        %dma_wait3A_306 = tpu.memref_squeeze %dma_wait3A_305 : memref<1x40x128xf32, #tpu.memory_space<vmem>> -> memref<40x128xf32, #tpu.memory_space<vmem>>
        %dma_wait3A_307 = arith.constant 0 : i32
        %dma_wait3A_308 = tpu.memref_slice %arg7[%run_scoped3A_220, %dma_wait3A_307] : memref<5x40xi32, #tpu.memory_space<vmem>> -> memref<1x40xi32, #tpu.memory_space<vmem>>
        %dma_wait3A_309 = tpu.memref_squeeze %dma_wait3A_308 : memref<1x40xi32, #tpu.memory_space<vmem>> -> memref<40xi32, #tpu.memory_space<vmem>>
        %dma_wait3A_310 = arith.constant 0 : i32
        %dma_wait3A_311 = arith.constant 0 : i32
        %dma_wait3A_312 = tpu.memref_slice %arg9[%dma_wait3A_310, %dma_wait3A_311] : memref<10000x128xf32, #tpu.memory_space<vmem_shared>> -> memref<10000x128xf32, #tpu.memory_space<vmem_shared>>
        tpu.wait_indirect_dma semaphore(%run_scoped3A_292 : memref<!tpu.dma_semaphore, #tpu.memory_space<semaphore_mem>>) src(%dma_wait3A_306 : memref<40x128xf32, #tpu.memory_space<vmem>>) dst(%dma_wait3A_312 : memref<10000x128xf32, #tpu.memory_space<vmem_shared>>)
        tpu.yield
      }) : () -> ()
      %add3A_221 = arith.constant 5 : i32
      %add3A_222 = arith.addi %add3A_199, %add3A_221 : i32
      %lt3A_223 = arith.constant 250 : i32
      %lt3A_224 = arith.cmpi slt, %add3A_222, %lt3A_223 : i32
      %convert_element_type3A_225 = arith.extui %lt3A_224 : i1 to i32
      %cond3A_226 = arith.constant 0 : i32
      %cond3A_227 = arith.cmpi ne, %convert_element_type3A_225, %cond3A_226 : i32
      scf.if %cond3A_227 {
        %add3A_292 = arith.constant 5 : i32
        %add3A_293 = arith.addi %add3A_199, %add3A_292 : i32
        %mul3A_294 = arith.constant 40 : i32
        %mul3A_295 = arith.muli %add3A_293, %mul3A_294 : i32
        %add3A_296 = arith.addi %mul3A_13, %mul3A_295 : i32
        %dma_start3A_297 = arith.constant 2 : i32
        %dma_start3A_298 = arith.constant 0 : i32
        %dma_start3A_299 = tpu.memref_slice %arg7[%dma_start3A_297, %dma_start3A_298] : memref<5x40xi32, #tpu.memory_space<vmem>> -> memref<1x40xi32, #tpu.memory_space<vmem>>
        %dma_start3A_300 = tpu.memref_squeeze %dma_start3A_299 : memref<1x40xi32, #tpu.memory_space<vmem>> -> memref<40xi32, #tpu.memory_space<vmem>>
        %dma_start3A_301 = tpu.memref_slice %arg4[%add3A_296] : memref<320000xi32, #tpu.memory_space<hbm>> -> memref<40xi32, #tpu.memory_space<hbm>>
        %dma_start3A_302 = arith.constant 0 : i32
        %dma_start3A_303 = tpu.memref_slice %arg7[%dma_start3A_297, %dma_start3A_302] : memref<5x40xi32, #tpu.memory_space<vmem>> -> memref<1x40xi32, #tpu.memory_space<vmem>>
        %dma_start3A_304 = tpu.memref_squeeze %dma_start3A_303 : memref<1x40xi32, #tpu.memory_space<vmem>> -> memref<40xi32, #tpu.memory_space<vmem>>
        %dma_start3A_305 = tpu.memref_slice %arg4[%add3A_296] : memref<320000xi32, #tpu.memory_space<hbm>> -> memref<40xi32, #tpu.memory_space<hbm>>
        tpu.enqueue_dma source(%dma_start3A_305 : memref<40xi32, #tpu.memory_space<hbm>>) target(%dma_start3A_304 : memref<40xi32, #tpu.memory_space<vmem>>) target_semaphore(%arg11 : memref<!tpu.dma_semaphore, #tpu.memory_space<semaphore_mem>>)
        %add3A_306 = arith.constant 5 : i32
        %add3A_307 = arith.addi %add3A_199, %add3A_306 : i32
        %mul3A_308 = arith.constant 40 : i32
        %mul3A_309 = arith.muli %add3A_307, %mul3A_308 : i32
        %dma_start3A_310 = arith.constant 2 : i32
        %dma_start3A_311 = arith.constant 0 : i32
        %dma_start3A_312 = arith.constant 0 : i32
        %dma_start3A_313 = tpu.memref_slice %arg8[%dma_start3A_310, %dma_start3A_311, %dma_start3A_312] : memref<5x40x128xf32, #tpu.memory_space<vmem>> -> memref<1x40x128xf32, #tpu.memory_space<vmem>>
        %dma_start3A_314 = tpu.memref_squeeze %dma_start3A_313 : memref<1x40x128xf32, #tpu.memory_space<vmem>> -> memref<40x128xf32, #tpu.memory_space<vmem>>
        %dma_start3A_315 = tpu.memref_slice %arg6[%mul3A_309] : memref<10000xi32, #tpu.memory_space<vmem>> -> memref<40xi32, #tpu.memory_space<vmem>>
        %dma_start3A_316 = arith.constant 0 : i32
        %dma_start3A_317 = arith.constant 0 : i32
        %dma_start3A_318 = tpu.memref_slice %arg2[%dma_start3A_316, %dma_start3A_317] : memref<10000x128xf32, #tpu.memory_space<hbm>> -> memref<10000x128xf32, #tpu.memory_space<hbm>>
        tpu.enqueue_indirect_dma source(%dma_start3A_318 : memref<10000x128xf32, #tpu.memory_space<hbm>>) target(%dma_start3A_314 : memref<40x128xf32, #tpu.memory_space<vmem>>) offsets(%dma_start3A_315 : memref<40xi32, #tpu.memory_space<vmem>>) semaphore(%arg10 : memref<!tpu.dma_semaphore, #tpu.memory_space<semaphore_mem>>)
      } else {
      }
      %mul3A_228 = arith.constant 5 : i32
      %mul3A_229 = arith.muli %scan3A_133, %mul3A_228 : i32
      %add3A_230 = arith.constant 3 : i32
      %add3A_231 = arith.addi %mul3A_229, %add3A_230 : i32
      %dma_wait3A_232 = arith.constant 3 : i32
      %dma_wait3A_233 = arith.constant 0 : i32
      %dma_wait3A_234 = tpu.memref_slice %arg7[%dma_wait3A_232, %dma_wait3A_233] : memref<5x40xi32, #tpu.memory_space<vmem>> -> memref<1x40xi32, #tpu.memory_space<vmem>>
      %dma_wait3A_235 = tpu.memref_squeeze %dma_wait3A_234 : memref<1x40xi32, #tpu.memory_space<vmem>> -> memref<40xi32, #tpu.memory_space<vmem>>
      %dma_wait3A_236 = tpu.memref_slice %arg4[%mul3A_13] : memref<320000xi32, #tpu.memory_space<hbm>> -> memref<40xi32, #tpu.memory_space<hbm>>
      %dma_wait3A_237 = arith.constant 0 : i32
      %dma_wait3A_238 = tpu.memref_slice %arg7[%dma_wait3A_232, %dma_wait3A_237] : memref<5x40xi32, #tpu.memory_space<vmem>> -> memref<1x40xi32, #tpu.memory_space<vmem>>
      %dma_wait3A_239 = tpu.memref_squeeze %dma_wait3A_238 : memref<1x40xi32, #tpu.memory_space<vmem>> -> memref<40xi32, #tpu.memory_space<vmem>>
      %dma_wait3A_240 = tpu.memref_slice %arg4[%mul3A_13] : memref<320000xi32, #tpu.memory_space<hbm>> -> memref<40xi32, #tpu.memory_space<hbm>>
      tpu.wait_dma2 semaphore(%arg11 : memref<!tpu.dma_semaphore, #tpu.memory_space<semaphore_mem>>) src(%dma_wait3A_240 : memref<40xi32, #tpu.memory_space<hbm>>) dst(%dma_wait3A_239 : memref<40xi32, #tpu.memory_space<vmem>>)
      %dma_wait3A_241 = arith.constant 3 : i32
      %dma_wait3A_242 = arith.constant 0 : i32
      %dma_wait3A_243 = arith.constant 0 : i32
      %dma_wait3A_244 = tpu.memref_slice %arg8[%dma_wait3A_241, %dma_wait3A_242, %dma_wait3A_243] : memref<5x40x128xf32, #tpu.memory_space<vmem>> -> memref<1x40x128xf32, #tpu.memory_space<vmem>>
      %dma_wait3A_245 = tpu.memref_squeeze %dma_wait3A_244 : memref<1x40x128xf32, #tpu.memory_space<vmem>> -> memref<40x128xf32, #tpu.memory_space<vmem>>
      %dma_wait3A_246 = arith.constant 0 : i32
      %dma_wait3A_247 = tpu.memref_slice %arg6[%dma_wait3A_246] : memref<10000xi32, #tpu.memory_space<vmem>> -> memref<40xi32, #tpu.memory_space<vmem>>
      %dma_wait3A_248 = arith.constant 0 : i32
      %dma_wait3A_249 = arith.constant 0 : i32
      %dma_wait3A_250 = tpu.memref_slice %arg2[%dma_wait3A_248, %dma_wait3A_249] : memref<10000x128xf32, #tpu.memory_space<hbm>> -> memref<10000x128xf32, #tpu.memory_space<hbm>>
      tpu.wait_indirect_dma semaphore(%arg10 : memref<!tpu.dma_semaphore, #tpu.memory_space<semaphore_mem>>) src(%dma_wait3A_250 : memref<10000x128xf32, #tpu.memory_space<hbm>>) dst(%dma_wait3A_245 : memref<40x128xf32, #tpu.memory_space<vmem>>)
      %run_scoped3A_251 = arith.constant 3 : i32
      %run_scoped3A_252 = arith.constant 3 : i32
      "tpu.region"() ({
        %run_scoped3A_292 = tpu.sem_alloc : memref<!tpu.dma_semaphore, #tpu.memory_space<semaphore_mem>>
        %dma_start3A_293 = arith.constant 0 : i32
        %dma_start3A_294 = arith.constant 0 : i32
        %dma_start3A_295 = tpu.memref_slice %arg8[%run_scoped3A_251, %dma_start3A_293, %dma_start3A_294] : memref<5x40x128xf32, #tpu.memory_space<vmem>> -> memref<1x40x128xf32, #tpu.memory_space<vmem>>
        %dma_start3A_296 = tpu.memref_squeeze %dma_start3A_295 : memref<1x40x128xf32, #tpu.memory_space<vmem>> -> memref<40x128xf32, #tpu.memory_space<vmem>>
        %dma_start3A_297 = arith.constant 0 : i32
        %dma_start3A_298 = tpu.memref_slice %arg7[%run_scoped3A_252, %dma_start3A_297] : memref<5x40xi32, #tpu.memory_space<vmem>> -> memref<1x40xi32, #tpu.memory_space<vmem>>
        %dma_start3A_299 = tpu.memref_squeeze %dma_start3A_298 : memref<1x40xi32, #tpu.memory_space<vmem>> -> memref<40xi32, #tpu.memory_space<vmem>>
        %dma_start3A_300 = arith.constant 0 : i32
        %dma_start3A_301 = arith.constant 0 : i32
        %dma_start3A_302 = tpu.memref_slice %arg9[%dma_start3A_300, %dma_start3A_301] : memref<10000x128xf32, #tpu.memory_space<vmem_shared>> -> memref<10000x128xf32, #tpu.memory_space<vmem_shared>>
        tpu.enqueue_indirect_dma source(%dma_start3A_296 : memref<40x128xf32, #tpu.memory_space<vmem>>) target(%dma_start3A_302 : memref<10000x128xf32, #tpu.memory_space<vmem_shared>>) offsets(%dma_start3A_299 : memref<40xi32, #tpu.memory_space<vmem>>) semaphore(%run_scoped3A_292 : memref<!tpu.dma_semaphore, #tpu.memory_space<semaphore_mem>>) {add = true}
        %dma_wait3A_303 = arith.constant 0 : i32
        %dma_wait3A_304 = arith.constant 0 : i32
        %dma_wait3A_305 = tpu.memref_slice %arg8[%run_scoped3A_251, %dma_wait3A_303, %dma_wait3A_304] : memref<5x40x128xf32, #tpu.memory_space<vmem>> -> memref<1x40x128xf32, #tpu.memory_space<vmem>>
        %dma_wait3A_306 = tpu.memref_squeeze %dma_wait3A_305 : memref<1x40x128xf32, #tpu.memory_space<vmem>> -> memref<40x128xf32, #tpu.memory_space<vmem>>
        %dma_wait3A_307 = arith.constant 0 : i32
        %dma_wait3A_308 = tpu.memref_slice %arg7[%run_scoped3A_252, %dma_wait3A_307] : memref<5x40xi32, #tpu.memory_space<vmem>> -> memref<1x40xi32, #tpu.memory_space<vmem>>
        %dma_wait3A_309 = tpu.memref_squeeze %dma_wait3A_308 : memref<1x40xi32, #tpu.memory_space<vmem>> -> memref<40xi32, #tpu.memory_space<vmem>>
        %dma_wait3A_310 = arith.constant 0 : i32
        %dma_wait3A_311 = arith.constant 0 : i32
        %dma_wait3A_312 = tpu.memref_slice %arg9[%dma_wait3A_310, %dma_wait3A_311] : memref<10000x128xf32, #tpu.memory_space<vmem_shared>> -> memref<10000x128xf32, #tpu.memory_space<vmem_shared>>
        tpu.wait_indirect_dma semaphore(%run_scoped3A_292 : memref<!tpu.dma_semaphore, #tpu.memory_space<semaphore_mem>>) src(%dma_wait3A_306 : memref<40x128xf32, #tpu.memory_space<vmem>>) dst(%dma_wait3A_312 : memref<10000x128xf32, #tpu.memory_space<vmem_shared>>)
        tpu.yield
      }) : () -> ()
      %add3A_253 = arith.constant 5 : i32
      %add3A_254 = arith.addi %add3A_231, %add3A_253 : i32
      %lt3A_255 = arith.constant 250 : i32
      %lt3A_256 = arith.cmpi slt, %add3A_254, %lt3A_255 : i32
      %convert_element_type3A_257 = arith.extui %lt3A_256 : i1 to i32
      %cond3A_258 = arith.constant 0 : i32
      %cond3A_259 = arith.cmpi ne, %convert_element_type3A_257, %cond3A_258 : i32
      scf.if %cond3A_259 {
        %add3A_292 = arith.constant 5 : i32
        %add3A_293 = arith.addi %add3A_231, %add3A_292 : i32
        %mul3A_294 = arith.constant 40 : i32
        %mul3A_295 = arith.muli %add3A_293, %mul3A_294 : i32
        %add3A_296 = arith.addi %mul3A_13, %mul3A_295 : i32
        %dma_start3A_297 = arith.constant 3 : i32
        %dma_start3A_298 = arith.constant 0 : i32
        %dma_start3A_299 = tpu.memref_slice %arg7[%dma_start3A_297, %dma_start3A_298] : memref<5x40xi32, #tpu.memory_space<vmem>> -> memref<1x40xi32, #tpu.memory_space<vmem>>
        %dma_start3A_300 = tpu.memref_squeeze %dma_start3A_299 : memref<1x40xi32, #tpu.memory_space<vmem>> -> memref<40xi32, #tpu.memory_space<vmem>>
        %dma_start3A_301 = tpu.memref_slice %arg4[%add3A_296] : memref<320000xi32, #tpu.memory_space<hbm>> -> memref<40xi32, #tpu.memory_space<hbm>>
        %dma_start3A_302 = arith.constant 0 : i32
        %dma_start3A_303 = tpu.memref_slice %arg7[%dma_start3A_297, %dma_start3A_302] : memref<5x40xi32, #tpu.memory_space<vmem>> -> memref<1x40xi32, #tpu.memory_space<vmem>>
        %dma_start3A_304 = tpu.memref_squeeze %dma_start3A_303 : memref<1x40xi32, #tpu.memory_space<vmem>> -> memref<40xi32, #tpu.memory_space<vmem>>
        %dma_start3A_305 = tpu.memref_slice %arg4[%add3A_296] : memref<320000xi32, #tpu.memory_space<hbm>> -> memref<40xi32, #tpu.memory_space<hbm>>
        tpu.enqueue_dma source(%dma_start3A_305 : memref<40xi32, #tpu.memory_space<hbm>>) target(%dma_start3A_304 : memref<40xi32, #tpu.memory_space<vmem>>) target_semaphore(%arg11 : memref<!tpu.dma_semaphore, #tpu.memory_space<semaphore_mem>>)
        %add3A_306 = arith.constant 5 : i32
        %add3A_307 = arith.addi %add3A_231, %add3A_306 : i32
        %mul3A_308 = arith.constant 40 : i32
        %mul3A_309 = arith.muli %add3A_307, %mul3A_308 : i32
        %dma_start3A_310 = arith.constant 3 : i32
        %dma_start3A_311 = arith.constant 0 : i32
        %dma_start3A_312 = arith.constant 0 : i32
        %dma_start3A_313 = tpu.memref_slice %arg8[%dma_start3A_310, %dma_start3A_311, %dma_start3A_312] : memref<5x40x128xf32, #tpu.memory_space<vmem>> -> memref<1x40x128xf32, #tpu.memory_space<vmem>>
        %dma_start3A_314 = tpu.memref_squeeze %dma_start3A_313 : memref<1x40x128xf32, #tpu.memory_space<vmem>> -> memref<40x128xf32, #tpu.memory_space<vmem>>
        %dma_start3A_315 = tpu.memref_slice %arg6[%mul3A_309] : memref<10000xi32, #tpu.memory_space<vmem>> -> memref<40xi32, #tpu.memory_space<vmem>>
        %dma_start3A_316 = arith.constant 0 : i32
        %dma_start3A_317 = arith.constant 0 : i32
        %dma_start3A_318 = tpu.memref_slice %arg2[%dma_start3A_316, %dma_start3A_317] : memref<10000x128xf32, #tpu.memory_space<hbm>> -> memref<10000x128xf32, #tpu.memory_space<hbm>>
        tpu.enqueue_indirect_dma source(%dma_start3A_318 : memref<10000x128xf32, #tpu.memory_space<hbm>>) target(%dma_start3A_314 : memref<40x128xf32, #tpu.memory_space<vmem>>) offsets(%dma_start3A_315 : memref<40xi32, #tpu.memory_space<vmem>>) semaphore(%arg10 : memref<!tpu.dma_semaphore, #tpu.memory_space<semaphore_mem>>)
      } else {
      }
      %mul3A_260 = arith.constant 5 : i32
      %mul3A_261 = arith.muli %scan3A_133, %mul3A_260 : i32
      %add3A_262 = arith.constant 4 : i32
      %add3A_263 = arith.addi %mul3A_261, %add3A_262 : i32
      %dma_wait3A_264 = arith.constant 4 : i32
      %dma_wait3A_265 = arith.constant 0 : i32
      %dma_wait3A_266 = tpu.memref_slice %arg7[%dma_wait3A_264, %dma_wait3A_265] : memref<5x40xi32, #tpu.memory_space<vmem>> -> memref<1x40xi32, #tpu.memory_space<vmem>>
      %dma_wait3A_267 = tpu.memref_squeeze %dma_wait3A_266 : memref<1x40xi32, #tpu.memory_space<vmem>> -> memref<40xi32, #tpu.memory_space<vmem>>
      %dma_wait3A_268 = tpu.memref_slice %arg4[%mul3A_13] : memref<320000xi32, #tpu.memory_space<hbm>> -> memref<40xi32, #tpu.memory_space<hbm>>
      %dma_wait3A_269 = arith.constant 0 : i32
      %dma_wait3A_270 = tpu.memref_slice %arg7[%dma_wait3A_264, %dma_wait3A_269] : memref<5x40xi32, #tpu.memory_space<vmem>> -> memref<1x40xi32, #tpu.memory_space<vmem>>
      %dma_wait3A_271 = tpu.memref_squeeze %dma_wait3A_270 : memref<1x40xi32, #tpu.memory_space<vmem>> -> memref<40xi32, #tpu.memory_space<vmem>>
      %dma_wait3A_272 = tpu.memref_slice %arg4[%mul3A_13] : memref<320000xi32, #tpu.memory_space<hbm>> -> memref<40xi32, #tpu.memory_space<hbm>>
      tpu.wait_dma2 semaphore(%arg11 : memref<!tpu.dma_semaphore, #tpu.memory_space<semaphore_mem>>) src(%dma_wait3A_272 : memref<40xi32, #tpu.memory_space<hbm>>) dst(%dma_wait3A_271 : memref<40xi32, #tpu.memory_space<vmem>>)
      %dma_wait3A_273 = arith.constant 4 : i32
      %dma_wait3A_274 = arith.constant 0 : i32
      %dma_wait3A_275 = arith.constant 0 : i32
      %dma_wait3A_276 = tpu.memref_slice %arg8[%dma_wait3A_273, %dma_wait3A_274, %dma_wait3A_275] : memref<5x40x128xf32, #tpu.memory_space<vmem>> -> memref<1x40x128xf32, #tpu.memory_space<vmem>>
      %dma_wait3A_277 = tpu.memref_squeeze %dma_wait3A_276 : memref<1x40x128xf32, #tpu.memory_space<vmem>> -> memref<40x128xf32, #tpu.memory_space<vmem>>
      %dma_wait3A_278 = arith.constant 0 : i32
      %dma_wait3A_279 = tpu.memref_slice %arg6[%dma_wait3A_278] : memref<10000xi32, #tpu.memory_space<vmem>> -> memref<40xi32, #tpu.memory_space<vmem>>
      %dma_wait3A_280 = arith.constant 0 : i32
      %dma_wait3A_281 = arith.constant 0 : i32
      %dma_wait3A_282 = tpu.memref_slice %arg2[%dma_wait3A_280, %dma_wait3A_281] : memref<10000x128xf32, #tpu.memory_space<hbm>> -> memref<10000x128xf32, #tpu.memory_space<hbm>>
      tpu.wait_indirect_dma semaphore(%arg10 : memref<!tpu.dma_semaphore, #tpu.memory_space<semaphore_mem>>) src(%dma_wait3A_282 : memref<10000x128xf32, #tpu.memory_space<hbm>>) dst(%dma_wait3A_277 : memref<40x128xf32, #tpu.memory_space<vmem>>)
      %run_scoped3A_283 = arith.constant 4 : i32
      %run_scoped3A_284 = arith.constant 4 : i32
      "tpu.region"() ({
        %run_scoped3A_292 = tpu.sem_alloc : memref<!tpu.dma_semaphore, #tpu.memory_space<semaphore_mem>>
        %dma_start3A_293 = arith.constant 0 : i32
        %dma_start3A_294 = arith.constant 0 : i32
        %dma_start3A_295 = tpu.memref_slice %arg8[%run_scoped3A_283, %dma_start3A_293, %dma_start3A_294] : memref<5x40x128xf32, #tpu.memory_space<vmem>> -> memref<1x40x128xf32, #tpu.memory_space<vmem>>
        %dma_start3A_296 = tpu.memref_squeeze %dma_start3A_295 : memref<1x40x128xf32, #tpu.memory_space<vmem>> -> memref<40x128xf32, #tpu.memory_space<vmem>>
        %dma_start3A_297 = arith.constant 0 : i32
        %dma_start3A_298 = tpu.memref_slice %arg7[%run_scoped3A_284, %dma_start3A_297] : memref<5x40xi32, #tpu.memory_space<vmem>> -> memref<1x40xi32, #tpu.memory_space<vmem>>
        %dma_start3A_299 = tpu.memref_squeeze %dma_start3A_298 : memref<1x40xi32, #tpu.memory_space<vmem>> -> memref<40xi32, #tpu.memory_space<vmem>>
        %dma_start3A_300 = arith.constant 0 : i32
        %dma_start3A_301 = arith.constant 0 : i32
        %dma_start3A_302 = tpu.memref_slice %arg9[%dma_start3A_300, %dma_start3A_301] : memref<10000x128xf32, #tpu.memory_space<vmem_shared>> -> memref<10000x128xf32, #tpu.memory_space<vmem_shared>>
        tpu.enqueue_indirect_dma source(%dma_start3A_296 : memref<40x128xf32, #tpu.memory_space<vmem>>) target(%dma_start3A_302 : memref<10000x128xf32, #tpu.memory_space<vmem_shared>>) offsets(%dma_start3A_299 : memref<40xi32, #tpu.memory_space<vmem>>) semaphore(%run_scoped3A_292 : memref<!tpu.dma_semaphore, #tpu.memory_space<semaphore_mem>>) {add = true}
        %dma_wait3A_303 = arith.constant 0 : i32
        %dma_wait3A_304 = arith.constant 0 : i32
        %dma_wait3A_305 = tpu.memref_slice %arg8[%run_scoped3A_283, %dma_wait3A_303, %dma_wait3A_304] : memref<5x40x128xf32, #tpu.memory_space<vmem>> -> memref<1x40x128xf32, #tpu.memory_space<vmem>>
        %dma_wait3A_306 = tpu.memref_squeeze %dma_wait3A_305 : memref<1x40x128xf32, #tpu.memory_space<vmem>> -> memref<40x128xf32, #tpu.memory_space<vmem>>
        %dma_wait3A_307 = arith.constant 0 : i32
        %dma_wait3A_308 = tpu.memref_slice %arg7[%run_scoped3A_284, %dma_wait3A_307] : memref<5x40xi32, #tpu.memory_space<vmem>> -> memref<1x40xi32, #tpu.memory_space<vmem>>
        %dma_wait3A_309 = tpu.memref_squeeze %dma_wait3A_308 : memref<1x40xi32, #tpu.memory_space<vmem>> -> memref<40xi32, #tpu.memory_space<vmem>>
        %dma_wait3A_310 = arith.constant 0 : i32
        %dma_wait3A_311 = arith.constant 0 : i32
        %dma_wait3A_312 = tpu.memref_slice %arg9[%dma_wait3A_310, %dma_wait3A_311] : memref<10000x128xf32, #tpu.memory_space<vmem_shared>> -> memref<10000x128xf32, #tpu.memory_space<vmem_shared>>
        tpu.wait_indirect_dma semaphore(%run_scoped3A_292 : memref<!tpu.dma_semaphore, #tpu.memory_space<semaphore_mem>>) src(%dma_wait3A_306 : memref<40x128xf32, #tpu.memory_space<vmem>>) dst(%dma_wait3A_312 : memref<10000x128xf32, #tpu.memory_space<vmem_shared>>)
        tpu.yield
      }) : () -> ()
      %add3A_285 = arith.constant 5 : i32
      %add3A_286 = arith.addi %add3A_263, %add3A_285 : i32
      %lt3A_287 = arith.constant 250 : i32
      %lt3A_288 = arith.cmpi slt, %add3A_286, %lt3A_287 : i32
      %convert_element_type3A_289 = arith.extui %lt3A_288 : i1 to i32
      %cond3A_290 = arith.constant 0 : i32
      %cond3A_291 = arith.cmpi ne, %convert_element_type3A_289, %cond3A_290 : i32
      scf.if %cond3A_291 {
        %add3A_292 = arith.constant 5 : i32
        %add3A_293 = arith.addi %add3A_263, %add3A_292 : i32
        %mul3A_294 = arith.constant 40 : i32
        %mul3A_295 = arith.muli %add3A_293, %mul3A_294 : i32
        %add3A_296 = arith.addi %mul3A_13, %mul3A_295 : i32
        %dma_start3A_297 = arith.constant 4 : i32
        %dma_start3A_298 = arith.constant 0 : i32
        %dma_start3A_299 = tpu.memref_slice %arg7[%dma_start3A_297, %dma_start3A_298] : memref<5x40xi32, #tpu.memory_space<vmem>> -> memref<1x40xi32, #tpu.memory_space<vmem>>
        %dma_start3A_300 = tpu.memref_squeeze %dma_start3A_299 : memref<1x40xi32, #tpu.memory_space<vmem>> -> memref<40xi32, #tpu.memory_space<vmem>>
        %dma_start3A_301 = tpu.memref_slice %arg4[%add3A_296] : memref<320000xi32, #tpu.memory_space<hbm>> -> memref<40xi32, #tpu.memory_space<hbm>>
        %dma_start3A_302 = arith.constant 0 : i32
        %dma_start3A_303 = tpu.memref_slice %arg7[%dma_start3A_297, %dma_start3A_302] : memref<5x40xi32, #tpu.memory_space<vmem>> -> memref<1x40xi32, #tpu.memory_space<vmem>>
        %dma_start3A_304 = tpu.memref_squeeze %dma_start3A_303 : memref<1x40xi32, #tpu.memory_space<vmem>> -> memref<40xi32, #tpu.memory_space<vmem>>
        %dma_start3A_305 = tpu.memref_slice %arg4[%add3A_296] : memref<320000xi32, #tpu.memory_space<hbm>> -> memref<40xi32, #tpu.memory_space<hbm>>
        tpu.enqueue_dma source(%dma_start3A_305 : memref<40xi32, #tpu.memory_space<hbm>>) target(%dma_start3A_304 : memref<40xi32, #tpu.memory_space<vmem>>) target_semaphore(%arg11 : memref<!tpu.dma_semaphore, #tpu.memory_space<semaphore_mem>>)
        %add3A_306 = arith.constant 5 : i32
        %add3A_307 = arith.addi %add3A_263, %add3A_306 : i32
        %mul3A_308 = arith.constant 40 : i32
        %mul3A_309 = arith.muli %add3A_307, %mul3A_308 : i32
        %dma_start3A_310 = arith.constant 4 : i32
        %dma_start3A_311 = arith.constant 0 : i32
        %dma_start3A_312 = arith.constant 0 : i32
        %dma_start3A_313 = tpu.memref_slice %arg8[%dma_start3A_310, %dma_start3A_311, %dma_start3A_312] : memref<5x40x128xf32, #tpu.memory_space<vmem>> -> memref<1x40x128xf32, #tpu.memory_space<vmem>>
        %dma_start3A_314 = tpu.memref_squeeze %dma_start3A_313 : memref<1x40x128xf32, #tpu.memory_space<vmem>> -> memref<40x128xf32, #tpu.memory_space<vmem>>
        %dma_start3A_315 = tpu.memref_slice %arg6[%mul3A_309] : memref<10000xi32, #tpu.memory_space<vmem>> -> memref<40xi32, #tpu.memory_space<vmem>>
        %dma_start3A_316 = arith.constant 0 : i32
        %dma_start3A_317 = arith.constant 0 : i32
        %dma_start3A_318 = tpu.memref_slice %arg2[%dma_start3A_316, %dma_start3A_317] : memref<10000x128xf32, #tpu.memory_space<hbm>> -> memref<10000x128xf32, #tpu.memory_space<hbm>>
        tpu.enqueue_indirect_dma source(%dma_start3A_318 : memref<10000x128xf32, #tpu.memory_space<hbm>>) target(%dma_start3A_314 : memref<40x128xf32, #tpu.memory_space<vmem>>) offsets(%dma_start3A_315 : memref<40xi32, #tpu.memory_space<vmem>>) semaphore(%arg10 : memref<!tpu.dma_semaphore, #tpu.memory_space<semaphore_mem>>)
      } else {
      }
    }
    %scan3A_122 = arith.constant 50 : i32
    %barrier3A_123 = arith.constant 0 : index
    tpu.barrier barrier_id(%barrier3A_123)
    %lt3A = arith.constant 15 : i32
    %lt3A_124 = arith.cmpi slt, %arg1, %lt3A : i32
    %convert_element_type3A_125 = arith.extui %lt3A_124 : i1 to i32
    %cond3A_126 = arith.constant 0 : i32
    %cond3A_127 = arith.cmpi ne, %convert_element_type3A_125, %cond3A_126 : i32
    scf.if %cond3A_127 {
      "tpu.region"() ({
        %run_scoped3A = tpu.sem_alloc : memref<!tpu.dma_semaphore, #tpu.memory_space<semaphore_mem>>
        %dma_start3A_133 = arith.constant 0 : i32
        %dma_start3A_134 = tpu.memref_slice %arg5[%arg0, %mul3A_2, %dma_start3A_133] : memref<2x10000x128xf32, #tpu.memory_space<hbm>> -> memref<1x624x128xf32, #tpu.memory_space<hbm>>
        %dma_start3A_135 = tpu.memref_squeeze %dma_start3A_134 : memref<1x624x128xf32, #tpu.memory_space<hbm>> -> memref<624x128xf32, #tpu.memory_space<hbm>>
        %dma_start3A_136 = arith.constant 0 : i32
        %dma_start3A_137 = tpu.memref_slice %arg9[%mul3A_2, %dma_start3A_136] : memref<10000x128xf32, #tpu.memory_space<vmem_shared>> -> memref<624x128xf32, #tpu.memory_space<vmem_shared>>
        tpu.enqueue_dma source(%dma_start3A_137 : memref<624x128xf32, #tpu.memory_space<vmem_shared>>) target(%dma_start3A_135 : memref<624x128xf32, #tpu.memory_space<hbm>>) target_semaphore(%run_scoped3A : memref<!tpu.dma_semaphore, #tpu.memory_space<semaphore_mem>>)
        %dma_wait3A = arith.constant 0 : i32
        %dma_wait3A_138 = tpu.memref_slice %arg5[%arg0, %mul3A_2, %dma_wait3A] : memref<2x10000x128xf32, #tpu.memory_space<hbm>> -> memref<1x624x128xf32, #tpu.memory_space<hbm>>
        %dma_wait3A_139 = tpu.memref_squeeze %dma_wait3A_138 : memref<1x624x128xf32, #tpu.memory_space<hbm>> -> memref<624x128xf32, #tpu.memory_space<hbm>>
        %dma_wait3A_140 = arith.constant 0 : i32
        %dma_wait3A_141 = tpu.memref_slice %arg9[%mul3A_2, %dma_wait3A_140] : memref<10000x128xf32, #tpu.memory_space<vmem_shared>> -> memref<624x128xf32, #tpu.memory_space<vmem_shared>>
        tpu.wait_dma2 semaphore(%run_scoped3A : memref<!tpu.dma_semaphore, #tpu.memory_space<semaphore_mem>>) src(%dma_wait3A_141 : memref<624x128xf32, #tpu.memory_space<vmem_shared>>) dst(%dma_wait3A_139 : memref<624x128xf32, #tpu.memory_space<hbm>>)
        tpu.yield
      }) : () -> ()
    } else {
    }
    %eq3A_128 = arith.constant 15 : i32
    %eq3A_129 = arith.cmpi eq, %arg1, %eq3A_128 : i32
    %convert_element_type3A_130 = arith.extui %eq3A_129 : i1 to i32
    %cond3A_131 = arith.constant 0 : i32
    %cond3A_132 = arith.cmpi ne, %convert_element_type3A_130, %cond3A_131 : i32
    scf.if %cond3A_132 {
      "tpu.region"() ({
        %run_scoped3A = tpu.sem_alloc : memref<!tpu.dma_semaphore, #tpu.memory_space<semaphore_mem>>
        %dma_start3A_133 = arith.constant 9360 : i32
        %dma_start3A_134 = arith.constant 0 : i32
        %dma_start3A_135 = tpu.memref_slice %arg5[%arg0, %dma_start3A_133, %dma_start3A_134] : memref<2x10000x128xf32, #tpu.memory_space<hbm>> -> memref<1x640x128xf32, #tpu.memory_space<hbm>>
        %dma_start3A_136 = tpu.memref_squeeze %dma_start3A_135 : memref<1x640x128xf32, #tpu.memory_space<hbm>> -> memref<640x128xf32, #tpu.memory_space<hbm>>
        %dma_start3A_137 = arith.constant 9360 : i32
        %dma_start3A_138 = arith.constant 0 : i32
        %dma_start3A_139 = tpu.memref_slice %arg9[%dma_start3A_137, %dma_start3A_138] : memref<10000x128xf32, #tpu.memory_space<vmem_shared>> -> memref<640x128xf32, #tpu.memory_space<vmem_shared>>
        tpu.enqueue_dma source(%dma_start3A_139 : memref<640x128xf32, #tpu.memory_space<vmem_shared>>) target(%dma_start3A_136 : memref<640x128xf32, #tpu.memory_space<hbm>>) target_semaphore(%run_scoped3A : memref<!tpu.dma_semaphore, #tpu.memory_space<semaphore_mem>>)
        %dma_wait3A = arith.constant 9360 : i32
        %dma_wait3A_140 = arith.constant 0 : i32
        %dma_wait3A_141 = tpu.memref_slice %arg5[%arg0, %dma_wait3A, %dma_wait3A_140] : memref<2x10000x128xf32, #tpu.memory_space<hbm>> -> memref<1x640x128xf32, #tpu.memory_space<hbm>>
        %dma_wait3A_142 = tpu.memref_squeeze %dma_wait3A_141 : memref<1x640x128xf32, #tpu.memory_space<hbm>> -> memref<640x128xf32, #tpu.memory_space<hbm>>
        %dma_wait3A_143 = arith.constant 9360 : i32
        %dma_wait3A_144 = arith.constant 0 : i32
        %dma_wait3A_145 = tpu.memref_slice %arg9[%dma_wait3A_143, %dma_wait3A_144] : memref<10000x128xf32, #tpu.memory_space<vmem_shared>> -> memref<640x128xf32, #tpu.memory_space<vmem_shared>>
        tpu.wait_dma2 semaphore(%run_scoped3A : memref<!tpu.dma_semaphore, #tpu.memory_space<semaphore_mem>>) src(%dma_wait3A_145 : memref<640x128xf32, #tpu.memory_space<vmem_shared>>) dst(%dma_wait3A_142 : memref<640x128xf32, #tpu.memory_space<hbm>>)
        tpu.yield
      }) : () -> ()
    } else {
    }
    return
  }
}

#map = affine_map<(d0, d1) -> (0)>
module attributes {stable_mosaic.version = 14 : i64} {
  func.func @_deg_kernel(%arg0: i32, %arg1: i32, %arg2: memref<320000xi32, #tpu.memory_space<hbm>>, %arg3: memref<20480xf32, #tpu.memory_space<hbm>>, %arg4: memref<10000xi32, #tpu.memory_space<vmem>>, %arg5: memref<80xf32, #tpu.memory_space<vmem>>, %arg6: memref<640xf32, #tpu.memory_space<vmem>>, %arg7: memref<10240xf32, #tpu.memory_space<vmem_shared>>, %arg8: memref<!tpu.dma_semaphore, #tpu.memory_space<semaphore_mem>>) attributes {dimension_semantics = [#tpu.dimension_semantics<core_parallel>, #tpu.dimension_semantics<subcore_parallel>], iteration_bounds = array<i64: 2, 16>, scalar_prefetch = 0 : i64, scratch_operands = 5 : i64, tpu.core_type = #tpu.core_type<sc_vector_subcore>, window_params = [{transform_indices = #map}, {transform_indices = #map}]} {
    %mul3A = arith.constant 16 : i32
    %mul3A_0 = arith.muli %arg0, %mul3A : i32
    %add3A = arith.addi %mul3A_0, %arg1 : i32
    %broadcast_in_dim3A = arith.constant 1.000000e+00 : f32
    %broadcast_in_dim3A_1 = vector.broadcast %broadcast_in_dim3A : f32 to vector<16xf32>
    %broadcast_in_dim3A_2 = arith.constant 0.000000e+00 : f32
    %broadcast_in_dim3A_3 = vector.broadcast %broadcast_in_dim3A_2 : f32 to vector<16xf32>
    %swap3A = arith.constant 0 : index
    %swap3A_4 = tpu.vector_load %arg5[%swap3A] {strides = array<i32>} : memref<80xf32, #tpu.memory_space<vmem>>, vector<16xf32>,
    %swap3A_5 = vector.shape_cast %swap3A_4 : vector<16xf32> to vector<16xf32>
    %swap3A_6 = vector.shape_cast %broadcast_in_dim3A_1 : vector<16xf32> to vector<16xf32>
    tpu.vector_store %arg5[%swap3A], %swap3A_6 {strides = array<i32>} : memref<80xf32, #tpu.memory_space<vmem>>, vector<16xf32>,
    %swap3A_7 = arith.constant 16 : index
    %swap3A_8 = tpu.vector_load %arg5[%swap3A_7] {strides = array<i32>} : memref<80xf32, #tpu.memory_space<vmem>>, vector<16xf32>,
    %swap3A_9 = vector.shape_cast %swap3A_8 : vector<16xf32> to vector<16xf32>
    %swap3A_10 = vector.shape_cast %broadcast_in_dim3A_1 : vector<16xf32> to vector<16xf32>
    tpu.vector_store %arg5[%swap3A_7], %swap3A_10 {strides = array<i32>} : memref<80xf32, #tpu.memory_space<vmem>>, vector<16xf32>,
    %swap3A_11 = arith.constant 32 : index
    %swap3A_12 = tpu.vector_load %arg5[%swap3A_11] {strides = array<i32>} : memref<80xf32, #tpu.memory_space<vmem>>, vector<16xf32>,
    %swap3A_13 = vector.shape_cast %swap3A_12 : vector<16xf32> to vector<16xf32>
    %swap3A_14 = vector.shape_cast %broadcast_in_dim3A_1 : vector<16xf32> to vector<16xf32>
    tpu.vector_store %arg5[%swap3A_11], %swap3A_14 {strides = array<i32>} : memref<80xf32, #tpu.memory_space<vmem>>, vector<16xf32>,
    %swap3A_15 = arith.constant 48 : index
    %swap3A_16 = tpu.vector_load %arg5[%swap3A_15] {strides = array<i32>} : memref<80xf32, #tpu.memory_space<vmem>>, vector<16xf32>,
    %swap3A_17 = vector.shape_cast %swap3A_16 : vector<16xf32> to vector<16xf32>
    %swap3A_18 = vector.shape_cast %broadcast_in_dim3A_1 : vector<16xf32> to vector<16xf32>
    tpu.vector_store %arg5[%swap3A_15], %swap3A_18 {strides = array<i32>} : memref<80xf32, #tpu.memory_space<vmem>>, vector<16xf32>,
    %swap3A_19 = arith.constant 64 : index
    %swap3A_20 = tpu.vector_load %arg5[%swap3A_19] {strides = array<i32>} : memref<80xf32, #tpu.memory_space<vmem>>, vector<16xf32>,
    %swap3A_21 = vector.shape_cast %swap3A_20 : vector<16xf32> to vector<16xf32>
    %swap3A_22 = vector.shape_cast %broadcast_in_dim3A_1 : vector<16xf32> to vector<16xf32>
    tpu.vector_store %arg5[%swap3A_19], %swap3A_22 {strides = array<i32>} : memref<80xf32, #tpu.memory_space<vmem>>, vector<16xf32>,
    %scan3A = arith.constant 0 : i32
    %scan3A_23 = arith.constant 0 : i32
    %scan3A_24 = arith.constant 40 : i32
    %scan3A_25 = arith.addi %scan3A_23, %scan3A_24 : i32
    %scan3A_26 = arith.constant 1 : i32
    scf.for %scan3A_52 = %scan3A_23 to %scan3A_25 step %scan3A_26  : i32 {
      %mul3A_53 = arith.constant 16 : i32
      %mul3A_54 = arith.muli %scan3A_52, %mul3A_53 : i32
      %swap3A_55 = arith.index_cast %mul3A_54 : i32 to index
      %swap3A_56 = tpu.vector_load %arg6[%swap3A_55] {strides = array<i32>} : memref<640xf32, #tpu.memory_space<vmem>>, vector<16xf32>,
      %swap3A_57 = vector.shape_cast %swap3A_56 : vector<16xf32> to vector<16xf32>
      %swap3A_58 = vector.shape_cast %broadcast_in_dim3A_3 : vector<16xf32> to vector<16xf32>
      tpu.vector_store %arg6[%swap3A_55], %swap3A_58 {strides = array<i32>} : memref<640xf32, #tpu.memory_space<vmem>>, vector<16xf32>,
    }
    %scan3A_27 = arith.constant 40 : i32
    %mul3A_28 = arith.constant 640 : i32
    %mul3A_29 = arith.muli %arg1, %mul3A_28 : i32
    "tpu.region"() ({
      %run_scoped3A = tpu.sem_alloc : memref<!tpu.dma_semaphore, #tpu.memory_space<semaphore_mem>>
      %dma_start3A = tpu.memref_slice %arg7[%mul3A_29] : memref<10240xf32, #tpu.memory_space<vmem_shared>> -> memref<640xf32, #tpu.memory_space<vmem_shared>>
      %dma_start3A_52 = tpu.memref_slice %arg7[%mul3A_29] : memref<10240xf32, #tpu.memory_space<vmem_shared>> -> memref<640xf32, #tpu.memory_space<vmem_shared>>
      tpu.enqueue_dma source(%arg6 : memref<640xf32, #tpu.memory_space<vmem>>) target(%dma_start3A_52 : memref<640xf32, #tpu.memory_space<vmem_shared>>) target_semaphore(%run_scoped3A : memref<!tpu.dma_semaphore, #tpu.memory_space<semaphore_mem>>)
      %dma_wait3A = tpu.memref_slice %arg7[%mul3A_29] : memref<10240xf32, #tpu.memory_space<vmem_shared>> -> memref<640xf32, #tpu.memory_space<vmem_shared>>
      %dma_wait3A_53 = tpu.memref_slice %arg7[%mul3A_29] : memref<10240xf32, #tpu.memory_space<vmem_shared>> -> memref<640xf32, #tpu.memory_space<vmem_shared>>
      tpu.wait_dma2 semaphore(%run_scoped3A : memref<!tpu.dma_semaphore, #tpu.memory_space<semaphore_mem>>) src(%arg6 : memref<640xf32, #tpu.memory_space<vmem>>) dst(%dma_wait3A_53 : memref<640xf32, #tpu.memory_space<vmem_shared>>)
      tpu.yield
    }) : () -> ()
    %mul3A_30 = arith.constant 10000 : i32
    %mul3A_31 = arith.muli %add3A, %mul3A_30 : i32
    "tpu.region"() ({
      %run_scoped3A = tpu.sem_alloc : memref<!tpu.dma_semaphore, #tpu.memory_space<semaphore_mem>>
      %dma_start3A = tpu.memref_slice %arg2[%mul3A_31] : memref<320000xi32, #tpu.memory_space<hbm>> -> memref<10000xi32, #tpu.memory_space<hbm>>
      %dma_start3A_52 = tpu.memref_slice %arg2[%mul3A_31] : memref<320000xi32, #tpu.memory_space<hbm>> -> memref<10000xi32, #tpu.memory_space<hbm>>
      tpu.enqueue_dma source(%dma_start3A_52 : memref<10000xi32, #tpu.memory_space<hbm>>) target(%arg4 : memref<10000xi32, #tpu.memory_space<vmem>>) target_semaphore(%run_scoped3A : memref<!tpu.dma_semaphore, #tpu.memory_space<semaphore_mem>>)
      %dma_wait3A = tpu.memref_slice %arg2[%mul3A_31] : memref<320000xi32, #tpu.memory_space<hbm>> -> memref<10000xi32, #tpu.memory_space<hbm>>
      %dma_wait3A_53 = tpu.memref_slice %arg2[%mul3A_31] : memref<320000xi32, #tpu.memory_space<hbm>> -> memref<10000xi32, #tpu.memory_space<hbm>>
      tpu.wait_dma2 semaphore(%run_scoped3A : memref<!tpu.dma_semaphore, #tpu.memory_space<semaphore_mem>>) src(%dma_wait3A_53 : memref<10000xi32, #tpu.memory_space<hbm>>) dst(%arg4 : memref<10000xi32, #tpu.memory_space<vmem>>)
      tpu.yield
    }) : () -> ()
    %barrier3A = arith.constant 0 : index
    tpu.barrier barrier_id(%barrier3A)
    %scan3A_32 = arith.constant 0 : i32
    %scan3A_33 = arith.constant 0 : i32
    %scan3A_34 = arith.constant 125 : i32
    %scan3A_35 = arith.addi %scan3A_33, %scan3A_34 : i32
    %scan3A_36 = arith.constant 1 : i32
    scf.for %scan3A_52 = %scan3A_33 to %scan3A_35 step %scan3A_36  : i32 {
      %mul3A_53 = arith.constant 80 : i32
      %mul3A_54 = arith.muli %scan3A_52, %mul3A_53 : i32
      %dma_start3A = tpu.memref_slice %arg4[%mul3A_54] : memref<10000xi32, #tpu.memory_space<vmem>> -> memref<80xi32, #tpu.memory_space<vmem>>
      %dma_start3A_55 = arith.constant 0 : i32
      %dma_start3A_56 = tpu.memref_slice %arg7[%dma_start3A_55] : memref<10240xf32, #tpu.memory_space<vmem_shared>> -> memref<10240xf32, #tpu.memory_space<vmem_shared>>
      tpu.enqueue_indirect_dma source(%arg5 : memref<80xf32, #tpu.memory_space<vmem>>) target(%dma_start3A_56 : memref<10240xf32, #tpu.memory_space<vmem_shared>>) offsets(%dma_start3A : memref<80xi32, #tpu.memory_space<vmem>>) semaphore(%arg8 : memref<!tpu.dma_semaphore, #tpu.memory_space<semaphore_mem>>) {add = true}
    }
    %scan3A_37 = arith.constant 125 : i32
    %scan3A_38 = arith.constant 0 : i32
    %scan3A_39 = arith.constant 0 : i32
    %scan3A_40 = arith.constant 125 : i32
    %scan3A_41 = arith.addi %scan3A_39, %scan3A_40 : i32
    %scan3A_42 = arith.constant 1 : i32
    scf.for %scan3A_52 = %scan3A_39 to %scan3A_41 step %scan3A_42  : i32 {
      %dma_wait3A = arith.constant 0 : i32
      %dma_wait3A_53 = tpu.memref_slice %arg4[%dma_wait3A] : memref<10000xi32, #tpu.memory_space<vmem>> -> memref<80xi32, #tpu.memory_space<vmem>>
      %dma_wait3A_54 = arith.constant 0 : i32
      %dma_wait3A_55 = tpu.memref_slice %arg7[%dma_wait3A_54] : memref<10240xf32, #tpu.memory_space<vmem_shared>> -> memref<10240xf32, #tpu.memory_space<vmem_shared>>
      tpu.wait_indirect_dma semaphore(%arg8 : memref<!tpu.dma_semaphore, #tpu.memory_space<semaphore_mem>>) src(%arg5 : memref<80xf32, #tpu.memory_space<vmem>>) dst(%dma_wait3A_55 : memref<10240xf32, #tpu.memory_space<vmem_shared>>)
    }
    %scan3A_43 = arith.constant 125 : i32
    %barrier3A_44 = arith.constant 0 : index
    tpu.barrier barrier_id(%barrier3A_44)
    %mul3A_45 = arith.constant 640 : i32
    %mul3A_46 = arith.muli %arg1, %mul3A_45 : i32
    %mul3A_47 = arith.constant 10240 : i32
    %mul3A_48 = arith.muli %arg0, %mul3A_47 : i32
    %mul3A_49 = arith.constant 640 : i32
    %mul3A_50 = arith.muli %arg1, %mul3A_49 : i32
    %add3A_51 = arith.addi %mul3A_48, %mul3A_50 : i32
    "tpu.region"() ({
      %run_scoped3A = tpu.sem_alloc : memref<!tpu.dma_semaphore, #tpu.memory_space<semaphore_mem>>
      %dma_start3A = tpu.memref_slice %arg3[%add3A_51] : memref<20480xf32, #tpu.memory_space<hbm>> -> memref<640xf32, #tpu.memory_space<hbm>>
      %dma_start3A_52 = tpu.memref_slice %arg7[%mul3A_46] : memref<10240xf32, #tpu.memory_space<vmem_shared>> -> memref<640xf32, #tpu.memory_space<vmem_shared>>
      tpu.enqueue_dma source(%dma_start3A_52 : memref<640xf32, #tpu.memory_space<vmem_shared>>) target(%dma_start3A : memref<640xf32, #tpu.memory_space<hbm>>) target_semaphore(%run_scoped3A : memref<!tpu.dma_semaphore, #tpu.memory_space<semaphore_mem>>)
      %dma_wait3A = tpu.memref_slice %arg3[%add3A_51] : memref<20480xf32, #tpu.memory_space<hbm>> -> memref<640xf32, #tpu.memory_space<hbm>>
      %dma_wait3A_53 = tpu.memref_slice %arg7[%mul3A_46] : memref<10240xf32, #tpu.memory_space<vmem_shared>> -> memref<640xf32, #tpu.memory_space<vmem_shared>>
      tpu.wait_dma2 semaphore(%run_scoped3A : memref<!tpu.dma_semaphore, #tpu.memory_space<semaphore_mem>>) src(%dma_wait3A_53 : memref<640xf32, #tpu.memory_space<vmem_shared>>) dst(%dma_wait3A : memref<640xf32, #tpu.memory_space<hbm>>)
      tpu.yield
    }) : () -> ()
    return
  }
}

module attributes {stable_mosaic.version = 14 : i64} {
  func.func @_h2_body(%arg0: i32, %arg1: memref<2000x128xf32, #tpu.memory_space<vmem>>, %arg2: memref<128x128xf32, #tpu.memory_space<vmem>>, %arg3: memref<2000x1xf32, #tpu.memory_space<vmem>>, %arg4: memref<2000x128xf32, #tpu.memory_space<vmem>>) attributes {dimension_semantics = [#tpu.dimension_semantics<arbitrary>], iteration_bounds = array<i64: 5>, scalar_prefetch = 0 : i64, scratch_operands = 0 : i64, tpu.core_type = #tpu.core_type<tc>, window_params = [{transform_indices = @transform_0, window_bounds = array<i64: 2000, 128>}, {pipeline_mode = #tpu.pipeline_mode<synchronous>, transform_indices = @transform_1, window_bounds = array<i64: 128, 128>}, {transform_indices = @transform_2, window_bounds = array<i64: 2000, 1>}, {transform_indices = @transform_3, window_bounds = array<i64: 2000, 128>}]} {
    %get3A = arith.constant 0 : index
    %get3A_0 = arith.constant 0 : index
    %get3A_1 = vector.load %arg3[%get3A, %get3A_0] : memref<2000x1xf32, #tpu.memory_space<vmem>>, vector<2000x1xf32>
    %rsqrt3A = math.rsqrt %get3A_1 : vector<2000x1xf32>
    %get3A_2 = arith.constant 0 : index
    %get3A_3 = arith.constant 0 : index
    %get3A_4 = vector.load %arg1[%get3A_2, %get3A_3] : memref<2000x128xf32, #tpu.memory_space<vmem>>, vector<2000x128xf32>
    %get3A_5 = arith.constant 0 : index
    %get3A_6 = arith.constant 0 : index
    %get3A_7 = vector.load %arg2[%get3A_5, %get3A_6] : memref<128x128xf32, #tpu.memory_space<vmem>>, vector<128x128xf32>
    %dot_general3A = arith.constant dense<0.000000e+00> : vector<2000x128xf32>
    %dot_general3A_8 = tpu.matmul %get3A_4, %get3A_7, %dot_general3A {dimension_numbers = #tpu.dot_dimension_numbers<[1], [0], [0], [1], [0, 0, 1, 1], [], []>, transpose_lhs_hint = false} : vector<2000x128xf32>, vector<128x128xf32>, vector<2000x128xf32> -> vector<2000x128xf32>
    %mul3A = vector.broadcast %rsqrt3A : vector<2000x1xf32> to vector<2000x128xf32>
    %mul3A_9 = arith.mulf %dot_general3A_8, %mul3A : vector<2000x128xf32>
    %swap3A = arith.constant 0 : index
    %swap3A_10 = arith.constant 0 : index
    %swap3A_11 = vector.load %arg4[%swap3A, %swap3A_10] : memref<2000x128xf32, #tpu.memory_space<vmem>>, vector<2000x128xf32>
    tpu.vector_store %arg4[%swap3A, %swap3A_10], %mul3A_9 {strides = array<i32>} : memref<2000x128xf32, #tpu.memory_space<vmem>>, vector<2000x128xf32>,
    return
  }
  func.func @transform_0(%arg0: i32) -> (i32, i32) {
    %c0_i32 = arith.constant 0 : i32
    %c0_i32_0 = arith.constant 0 : i32
    return %arg0, %c0_i32 : i32, i32
  }
  func.func @transform_1(%arg0: i32) -> (i32, i32) {
    %c0_i32 = arith.constant 0 : i32
    %c0_i32_0 = arith.constant 0 : i32
    %c0_i32_1 = arith.constant 0 : i32
    return %c0_i32, %c0_i32_0 : i32, i32
  }
  func.func @transform_2(%arg0: i32) -> (i32, i32) {
    %c0_i32 = arith.constant 0 : i32
    %c0_i32_0 = arith.constant 0 : i32
    return %arg0, %c0_i32 : i32, i32
  }
  func.func @transform_3(%arg0: i32) -> (i32, i32) {
    %c0_i32 = arith.constant 0 : i32
    %c0_i32_0 = arith.constant 0 : i32
    return %arg0, %c0_i32 : i32, i32
  }
}

module attributes {stable_mosaic.version = 14 : i64} {
  func.func @_combine_body(%arg0: i32, %arg1: memref<1x2000x128xf32, #tpu.memory_space<vmem>>, %arg2: memref<1x2000x128xf32, #tpu.memory_space<vmem>>, %arg3: memref<2000x1xf32, #tpu.memory_space<vmem>>, %arg4: memref<1x128xf32, #tpu.memory_space<vmem>>, %arg5: memref<2000x128xf32, #tpu.memory_space<vmem>>) attributes {dimension_semantics = [#tpu.dimension_semantics<arbitrary>], iteration_bounds = array<i64: 5>, scalar_prefetch = 0 : i64, scratch_operands = 0 : i64, tpu.core_type = #tpu.core_type<tc>, window_params = [{transform_indices = @transform_0, window_bounds = array<i64: 1, 2000, 128>}, {transform_indices = @transform_1, window_bounds = array<i64: 1, 2000, 128>}, {transform_indices = @transform_2, window_bounds = array<i64: 2000, 1>}, {pipeline_mode = #tpu.pipeline_mode<synchronous>, transform_indices = @transform_3, window_bounds = array<i64: 1, 128>}, {transform_indices = @transform_4, window_bounds = array<i64: 2000, 128>}]} {
    %get3A = arith.constant 0 : index
    %get3A_0 = arith.constant 0 : index
    %get3A_1 = vector.load %arg3[%get3A, %get3A_0] : memref<2000x1xf32, #tpu.memory_space<vmem>>, vector<2000x1xf32>
    %rsqrt3A = math.rsqrt %get3A_1 : vector<2000x1xf32>
    %get3A_2 = arith.constant 0 : index
    %get3A_3 = arith.constant 0 : index
    %get3A_4 = arith.constant 0 : index
    %get3A_5 = vector.load %arg1[%get3A_2, %get3A_3, %get3A_4] : memref<1x2000x128xf32, #tpu.memory_space<vmem>>, vector<1x2000x128xf32>
    %get3A_6 = vector.shape_cast %get3A_5 : vector<1x2000x128xf32> to vector<2000x128xf32>
    %get3A_7 = arith.constant 0 : index
    %get3A_8 = arith.constant 0 : index
    %get3A_9 = arith.constant 0 : index
    %get3A_10 = vector.load %arg2[%get3A_7, %get3A_8, %get3A_9] : memref<1x2000x128xf32, #tpu.memory_space<vmem>>, vector<1x2000x128xf32>
    %get3A_11 = vector.shape_cast %get3A_10 : vector<1x2000x128xf32> to vector<2000x128xf32>
    %add3A = arith.addf %get3A_6, %get3A_11 : vector<2000x128xf32>
    %mul3A = vector.broadcast %rsqrt3A : vector<2000x1xf32> to vector<2000x128xf32>
    %mul3A_12 = arith.mulf %add3A, %mul3A : vector<2000x128xf32>
    %get3A_13 = arith.constant 0 : index
    %get3A_14 = arith.constant 0 : index
    %get3A_15 = vector.load %arg4[%get3A_13, %get3A_14] : memref<1x128xf32, #tpu.memory_space<vmem>>, vector<1x128xf32>
    %add3A_16 = vector.broadcast %get3A_15 : vector<1x128xf32> to vector<2000x128xf32>
    %add3A_17 = arith.addf %mul3A_12, %add3A_16 : vector<2000x128xf32>
    %swap3A = arith.constant 0 : index
    %swap3A_18 = arith.constant 0 : index
    %swap3A_19 = vector.load %arg5[%swap3A, %swap3A_18] : memref<2000x128xf32, #tpu.memory_space<vmem>>, vector<2000x128xf32>
    tpu.vector_store %arg5[%swap3A, %swap3A_18], %add3A_17 {strides = array<i32>} : memref<2000x128xf32, #tpu.memory_space<vmem>>, vector<2000x128xf32>,
    return
  }
  func.func @transform_0(%arg0: i32) -> (i32, i32, i32) {
    %c0_i32 = arith.constant 0 : i32
    %c0_i32_0 = arith.constant 0 : i32
    %c0_i32_1 = arith.constant 0 : i32
    return %c0_i32, %arg0, %c0_i32_0 : i32, i32, i32
  }
  func.func @transform_1(%arg0: i32) -> (i32, i32, i32) {
    %c1_i32 = arith.constant 1 : i32
    %c0_i32 = arith.constant 0 : i32
    %c0_i32_0 = arith.constant 0 : i32
    return %c1_i32, %arg0, %c0_i32 : i32, i32, i32
  }
  func.func @transform_2(%arg0: i32) -> (i32, i32) {
    %c0_i32 = arith.constant 0 : i32
    %c0_i32_0 = arith.constant 0 : i32
    return %arg0, %c0_i32 : i32, i32
  }
  func.func @transform_3(%arg0: i32) -> (i32, i32) {
    %c0_i32 = arith.constant 0 : i32
    %c0_i32_0 = arith.constant 0 : i32
    %c0_i32_1 = arith.constant 0 : i32
    return %c0_i32, %c0_i32_0 : i32, i32
  }
  func.func @transform_4(%arg0: i32) -> (i32, i32) {
    %c0_i32 = arith.constant 0 : i32
    %c0_i32_0 = arith.constant 0 : i32
    return %arg0, %c0_i32 : i32, i32
  }
}

</mosaic_0001>

<sc_bundles>
// kernel: kernel.10.cloned.1.call-start
scs
__scs_entry_jumppad:
0x0: {  	(pc) =	sbr.rel $0x88, $3  }
0x1: {  	(tag) =	ssettag $0x0;
	lr =	simm.s32 $0x1  }
0x2: {  	[smem:$0x3F9D] =	sst lr;
	_ =	strace $0xD0000000  }
0x3: {  	_ = 	snop  }
0x4: {  	_ = 	snop  }
0x5: {  	_ = 	snop  }
0x6: {  	_ = 	snop  }
0x7: {  	_ = 	snop  }
__scs_overlays_trampoline_lowered:
0x8: {  	[smem:$0x3FAC] =	sst s0  }
0x9: {  	[smem:$0x3FAD] =	sst s1  }
0xa: {  	[smem:$0x3FAE] =	sst s2  }
0xb: {  	[smem:$0x3FAF] =	sst s3  }
0xc: {  	[smem:$0x3FB0] =	sst s4  }
0xd: {  	[smem:$0x3FB1] =	sst s5  }
0xe: {  	[smem:$0x3FB2] =	sst s6  }
0xf: {  	[smem:$0x3FB3] =	sst s7  }
0x10: {  	[smem:$0x3FB4] =	sst s8  }
0x11: {  	[smem:$0x3FB5] =	sst s9;
	s0 =	simm.s32 @!p0 $0x0  }
0x12: {  	s1 =	sld [smem:$0x3F9B];
	s0 =	simm.s32 @p0 $0x1  }
0x13: {  	[smem:$0x3FB6] =	sst s0;
	s0 =	simm.s32 @!p1 $0x0  }
0x14: {  	s2 =	sld [smem:$0x3F9A];
	s0 =	simm.s32 @p1 $0x1  }
0x15: {  	[smem:$0x3FB7] =	sst s0;
	s0 =	simm.s32 @!p2 $0x0  }
0x16: {  	s3 =	sld [smem:$0x3FDB];
	s0 =	simm.s32 @p2 $0x1  }
0x17: {  	s4 =	simm.s32 $0x1BF5;
	[smem:$0x3FB9] =	sst s0  }
0x18: {  	s0 =	sld [smem:$0x3F9C];
	_ =	swait.ge [sflag:s4], $0x0  }
0x19: {  	s7 =	sld [smem:$0x3F9D]  }
0x1a: {  	s8 =	sadd.s32 $0xFFFFE003, lr  }
0x1b: {  	s9 =	sadd.s32 $0xFFFFFEF7, lr;
	s5 =	simm.s32 $0xFFFFFFFF;
	p2 =	slt.u32 s8, $0xFFFFF086  }
0x1c: {  	p1 =	slt.u32 s9, $0xF7A;
	s5 =	simm.s32 @!p2 $0x0  }
0x1d: {  	s5 =	simm.s32 @p1 $0x1;
	p0 =	seq.s32 s7, s2  }
0x1e: {  	s7 =	smul.u32 @!p0 $0xF7A, s2;
	p2 =	seq.s32 @!p0 s5, $0x0  }
0x1f: {  	s9 =	smul.u32 $0xF7A, s1;
	s8 =	simm.s32 @!p0 $0x1BF5;
	p2 =	por !p2, p0  }
0x20: {  	[sflag:s8] =	ssyncset.s32 @!p0 $0xFFFFF086;
	s6 =	sadd.s32 @!p0 s3, s7;
	s7 =	simm.s32 @!p0 $0x108  }
0x21: {  	s3 =	sadd.s32 s3, s9;
	s6 =	sadd.s32 @!p0 $0x88, s6;
	s7 =	simm.s32 @p2 $0x1082  }
0x22: {  	[simem:s7], [sflag:s8] =	dma.local @!p0 [hbm:s6], $0xF7A  }
0x23: {  	s9 =	sor.u32 $0xD0000000, s2;
	s6 =	simm.s32 $0x108;
	_ =	swait.ge @!p0 [sflag:s8], $0x0  }
0x24: {  	s3 =	sadd.s32 $0x88, s3;
	s6 =	simm.s32 @!p1 $0x1082;
	[sflag:s4] =	ssyncset.s32 $0xFFFFF086  }
0x25: {  	[simem:s6], [sflag:s4] =	dma.local [hbm:s3], $0xF7A  }
0x26: {  	[smem:$0x3F9D] =	sst s1;
	(tag) =	ssettag s2;
	_ =	strace s9  }
0x27: {  	s1 =	sld [smem:$0x3FAD]  }
0x28: {  	s2 =	sld [smem:$0x3FAE]  }
0x29: {  	s4 =	sld [smem:$0x3FB0]  }
0x2a: {  	p0 =	seq.s32 s5, $0x0;
	s5 =	sld [smem:$0x3FB1]  }
0x2b: {  	s6 =	sld [smem:$0x3FB2]  }
0x2c: {  	s7 =	sld [smem:$0x3FB3]  }
0x2d: {  	s3 =	simm.s32 $0x108;
	s8 =	sld [smem:$0x3FB4]  }
0x2e: {  	s3 =	simm.s32 @!p0 $0x1082;
	s9 =	sld [smem:$0x3FB5]  }
0x2f: {  	lr =	sadd.s32 s0, s3;
	s0 =	sld [smem:$0x3FAC]  }
0x30: {  	s3 =	sld [smem:$0x3FAF]  }
0x31: {  	[smem:$0x3FB8] =	sst s10  }
0x32: {  	s10 =	sld [smem:$0x3FB6];
	_ =	sdelay $0x3  }
0x33: {  	p0 =	seq.s32 s10, $0x1;
	s10 =	sld [smem:$0x3FB8];
	_ =	sdelay $0x3  }
0x34: {  	[smem:$0x3FB8] =	sst s10  }
0x35: {  	s10 =	sld [smem:$0x3FB7];
	_ =	sdelay $0x3  }
0x36: {  	p1 =	seq.s32 s10, $0x1;
	s10 =	sld [smem:$0x3FB8];
	_ =	sdelay $0x3  }
0x37: {  	[smem:$0x3FB8] =	sst s10  }
0x38: {  	s10 =	sld [smem:$0x3FB9]  }
0x39: {  	_ = 	snop;
	(pc) =	sbr.ind lr, $3  }
0x3a: {  	_ = 	snop  }
0x3b: {  	_ = 	snop  }
0x3c: {  	p2 =	seq.s32 s10, $0x1;
	s10 =	sld [smem:$0x3FB8]  }
0x3d: {  	_ =	shalt  }
0x3e: {  	_ =	shalt  }
0x3f: {  	_ =	shalt  }
0x40: {  	_ =	shalt  }
0x41: {  	_ =	shalt  }
0x42: {  	_ =	shalt  }
0x43: {  	_ =	shalt  }
0x44: {  	_ =	shalt  }
0x45: {  	_ =	shalt  }
0x46: {  	_ =	shalt  }
0x47: {  	_ =	shalt  }
0x48: {  	_ =	shalt  }
0x49: {  	_ =	shalt  }
0x4a: {  	_ =	shalt  }
0x4b: {  	_ =	shalt  }
0x4c: {  	_ =	shalt  }
0x4d: {  	_ =	shalt  }
0x4e: {  	_ =	shalt  }
0x4f: {  	_ =	shalt  }
0x50: {  	_ =	shalt  }
0x51: {  	_ =	shalt  }
0x52: {  	_ =	shalt  }
0x53: {  	_ =	shalt  }
0x54: {  	_ =	shalt  }
0x55: {  	_ =	shalt  }
0x56: {  	_ =	shalt  }
0x57: {  	_ =	shalt  }
0x58: {  	_ =	shalt  }
0x59: {  	_ =	shalt  }
0x5a: {  	_ =	shalt  }
0x5b: {  	_ =	shalt  }
0x5c: {  	_ =	shalt  }
0x5d: {  	_ =	shalt  }
0x5e: {  	_ =	shalt  }
0x5f: {  	_ =	shalt  }
0x60: {  	_ =	shalt  }
0x61: {  	_ =	shalt  }
0x62: {  	_ =	shalt  }
0x63: {  	_ =	shalt  }
0x64: {  	_ =	shalt  }
0x65: {  	_ =	shalt  }
0x66: {  	_ =	shalt  }
0x67: {  	_ =	shalt  }
0x68: {  	_ =	shalt  }
0x69: {  	_ =	shalt  }
0x6a: {  	_ =	shalt  }
0x6b: {  	_ =	shalt  }
0x6c: {  	_ =	shalt  }
0x6d: {  	_ =	shalt  }
0x6e: {  	_ =	shalt  }
0x6f: {  	_ =	shalt  }
0x70: {  	_ =	shalt  }
0x71: {  	_ =	shalt  }
0x72: {  	_ =	shalt  }
0x73: {  	_ =	shalt  }
0x74: {  	_ =	shalt  }
0x75: {  	_ =	shalt  }
0x76: {  	_ =	shalt  }
0x77: {  	_ =	shalt  }
0x78: {  	_ =	shalt  }
0x79: {  	_ =	shalt  }
0x7a: {  	_ =	shalt  }
0x7b: {  	_ =	shalt  }
0x7c: {  	_ =	shalt  }
0x7d: {  	_ =	shalt  }
0x7e: {  	_ =	shalt  }
0x7f: {  	_ =	shalt  }
0x80: {  	_ =	shalt  }
0x81: {  	_ =	shalt  }
0x82: {  	_ =	shalt  }
0x83: {  	_ =	shalt  }
0x84: {  	_ =	shalt  }
0x85: {  	_ =	shalt  }
0x86: {  	_ =	shalt  }
0x87: {  	_ =	shalt  }
.Lfunc_end0:
.L_simem_size_0:
called_computation.1_lowered:
.L_overlay_start_0:
0x88: {  	s2 =	sld [smem:$0x3FD9]  }
0x89: {  	s3 =	sld [smem:$0x3FFE];
	_ =	sdelay $0x1  }
0x8a: {  	s1 =	srdreg.scid  }
0x8b: {  	s0 =	sand.u32 $0x1, s1  }
0x8c: {  	s17 =	sshll.u32 s0, $0xA;
	s2 =	sadd.s32 s3, s2  }
0x8d: {  	s2 =	sadd.s32 s2, s17  }
0x8e: {  	[smem:$0x3FC4] =	sst s2  }
0x8f: {  	_ = 	snop  }
0x90: {  	s2 =	sld [smem:$0x3FD0];
	(tm) =	ssettm $0x1  }
0x91: {  	s18 =	sld [smem:$0x3FFB];
	_ =	sdelay $0x3  }
0x92: {  	_ =	strace s18  }
0x93: {  	s3 =	sld [smem:$0x3FFC];
	_ =	sdelay $0x3  }
0x94: {  	_ =	strace s3  }
0x95: {  	s3 =	sld [smem:$0x3FFD];
	_ =	sdelay $0x3  }
0x96: {  	_ =	strace s3  }
0x97: {  	_ =	strace $0x8FFFFFFF  }
0x98: {  	s19 =	sld [smem:$0x3FDB];
	_ =	sdelay $0x1  }
0x99: {  	s4 =	simm.s32 $_scs_section_size  }
0x9a: {  	s5 =	simm.s32 $_size__tile_overlayer_lowered;
	s6 =	simm.s32 $_tile_overlayer_lowered  }
0x9b: {  	s22 =	simm.s32 $0x1BFF;
	s21 =	sshll.u32 s6, $0x1;
	s3 =	sadd.s32 s4, s19  }
0x9c: {  	s7 =	simm.s32 $0x0;
	s20 =	sshll.u32 s5, $0x1;
	s5 =	sadd.s32 s21, s3  }
0x9d: {  	[timem:s7], [sflag:s22] =	dma.local [hbm:s5], s20  }
0x9e: {  	_ =	swait.ge [sflag:s22], s20  }
0x9f: {  	s4 =	ssub.s32 $0x0, s20;
	[sflag:s22] =	ssyncset.done $0x0  }
0xa0: {  	[sflag:s22] =	ssyncadd.s32 s4;
	_ =	sdelay $0x1  }
0xa1: {  	s23 =	simm.s32 $0x1B8B  }
0xa2: {  	_ =	swait.ge [sflag:s23], $0x1  }
0xa3: {  	[sflag:s23] =	ssyncset.done $0x0  }
0xa4: {  	s25 =	simm.s32 $0x1B8E;
	s24 =	sld [smem:$0x3FFE];
	[sflag:s23] =	ssyncadd.s32 $0xFFFFFFFF  }
0xa5: {  	s26 =	simm.s32 $execute0_lowered;
	[smem:$0x3FD2] =	sst s25  }
0xa6: {  	s5 =	sshll.u32 s26, $0x1;
	_ =	strace $0x80000049;
	[dreg:$0x1] =	wrdreg $0xFFFFFFFF  }
0xa7: {  	s28 =	simm.s32 $_size_execute0_lowered;
	s3 =	sadd.s32 s3, s5;
	[dreg:$0x0] =	wrdreg $0x0  }
0xa8: {  	s5 =	sshll.u32 s28, $0x1;
	[dreg:$0x2] =	wrdreg s3  }
0xa9: {  	[dreg:$0x3] =	wrdreg s5  }
0xaa: {  	[dreg:$0x4] =	wrdreg $0xC0  }
0xab: {  	_ =	task [dreg:s7], $0x5FFFF  }
0xac: {  	[dreg:$0x1] =	wrdreg $0xFFFFFFFF  }
0xad: {  	[dreg:$0x0] =	wrdreg $0x60  }
0xae: {  	[dreg:$0x2] =	wrdreg s2  }
0xaf: {  	[dreg:$0x3] =	wrdreg s24  }
0xb0: {  	[dreg:$0x4] =	wrdreg $0x8F800  }
0xb1: {  	[dreg:$0x5] =	wrdreg $0x9  }
0xb2: {  	_ =	task.clear_ibuf [dreg:s7], $0x6FFFF;
	_ =	strace $0x90000049  }
0xb3: {  	s29 =	simm.s32 $0x9;
	_ =	strace $0x8000004B  }
0xb4: {  	_ =	swait.ge [sflag:s29], $0x1  }
0xb5: {  	[sflag:s29] =	ssyncadd.s32 $0xFFFFFFFF  }
0xb6: {  	_ =	strace $0x9000004B  }
0xb7: {  	_ =	sfence  }
0xb8: {  	s30 =	sld [smem:$0x0];
	_ =	sdelay $0x2  }
0xb9: {  	s31 =	sshll.u32 s1, $0xD;
	s1 =	sshrl.u32 s1, $0x2  }
0xba: {  	s3 =	sand.u32 $0x4000, s31;
	s1 =	sadd.s32 s1, s30  }
0xbb: {  	s0 =	sor.u32 s3, s0;
	s1 =	sshll.u32 s1, $0x11  }
0xbc: {  	s0 =	sor.u32 s1, s0  }
0xbd: {  	s0 =	sadd.s32 $0x8F2B, s0  }
0xbe: {  	[sflag:s0] =	ssyncadd.remote.s32 $0x1  }
0xbf: {  	_ =	sfence.sel $0xFFFF  }
0xc0: {  	[dreg:$0x0] =	wrdreg $0xFFFFFFFF;
	(pc) =	sbr.abs _section_cstart, $3  }
0xc1: {  	[dreg:$0x1] =	wrdreg $0xFFFFFFFF  }
0xc2: {  	_ =	task.clear_ibuf [dreg:s7], $0x2FFFF;
	_ =	strace $0x9FFFFFFF  }
0xc3: {  	(tm) =	ssettm $0x7FFFFFFF  }
tec
execute0_lowered:
.L_overlay_start_1:
0x0: {  	(tag) =	ssettag $0x1  }
0x1: {  	s1 =	rddreg [dreg:$0x0]  }
0x2: {  	s0 =	srdreg.scid;
	s2 =	rddreg [dreg:$0x1]  }
0x3: {  	s14 =	stileid.u32;
	s3 =	rddreg [dreg:$0x2]  }
0x4: {  	s22 =	simm.s32 $0x0;
	s30 =	simm.s32 $0x0;
	s28 =	simm.s32 $0x2B80  }
0x5: {  	s29 =	simm.s32 $0x3;
	s31 =	simm.s32 $0x28;
	s10 =	smul.u32 $0x4E000, s14  }
0x6: {  	s0 =	sand.u32 $0x1, s0;
	[smem:$0x7FF] =	sst s22;
	s12 =	smul.u32 $0x2700, s14  }
0x7: {  	s25 =	sadd.s32 $0x124800, s3;
	s26 =	sadd.s32 $0x24900, s1;
	s18 =	smul.u32 $0x13800, s14  }
0x8: {  	p1 =	seq.s32 s14, $0xF;
	s4 =	sshll.u32 s0, $0x4;
	_ =	strace $0x8000004A  }
0x9: {  	s6 =	ssub.s32 $0x2, s0;
	[dreg:$0x6] =	wrdreg s25;
	s15 =	smul.u32 $0x138800, s0  }
0xa: {  	p0 =	seq.s32 s0, $0x1;
	[dreg:$0x7] =	wrdreg s26;
	s0 =	smul.u32 $0x27100, s0  }
0xb: {  	s5 =	sor.u32 s14, s4;
	s23 =	sshrl.u32 s10, $0x2;
	s24 =	sadd.s32 s1, s12  }
0xc: {  	s11 =	sshrl.u32 s6, $0x1;
	s4 =	sadd.s32 s23, s3;
	[dreg:$0x5] =	wrdreg s24  }
0xd: {  	s7 =	smul.u32 $0x2710, s5;
	s10 =	sadd.s32 $0x1400, s4;
	[dreg:$0x4] =	wrdreg s4  }
0xe: {  	s5 =	sadd.s32 $0x1000, s2;
	s12 =	sadd.s32 $0x2800, s4;
	[dreg:$0x8] =	wrdreg s10  }
0xf: {  	s11 =	ssub.s32 s6, s11;
	s13 =	sadd.s32 $0x3C00, s4;
	[dreg:$0x9] =	wrdreg s12  }
0x10: {  	s21 =	sadd.s32 s18, s15;
	s16 =	sadd.s32 $0x5000, s4;
	[dreg:$0xa] =	wrdreg s13  }
0x11: {  	s22 =	sshrl.u32 s15, $0x3;
	s26 =	smax.u32 s11, $0x1;
	[dreg:$0xb] =	wrdreg s16  }
0x12: {  	s15 =	sadd.s32 $0x8C00, s4;
	s18 =	sadd.s32 $0xC800, s4;
	[dreg:$0x12] =	wrdreg s26  }
0x13: {  	s8 =	sshrl.u32 s7, $0x3;
	s19 =	sadd.s32 $0x28, s7;
	[dreg:$0x1a] =	wrdreg s15  }
0x14: {  	s13 =	smul.u32 $0x2710, s14;
	s14 =	sadd.s32 $0x7800, s4;
	[dreg:$0x1d] =	wrdreg s18  }
0x15: {  	s7 =	sadd.s32 $0x78, s7;
	s16 =	sadd.s32 $0xA000, s4;
	[dreg:$0x19] =	wrdreg s14  }
0x16: {  	s12 =	sshrl.u32 s19, $0x3;
	[dreg:$0x1b] =	wrdreg s16;
	s19 =	sadd.s32 $0xDC00, s4  }
0x17: {  	s9 =	sadd.s32 s8, s2;
	s6 =	sadd.s32 s5, s8;
	[dreg:$0x1e] =	wrdreg s19  }
0x18: {  	s2 =	sadd.s32 $0x14C00, s2;
	s17 =	sadd.s32 $0xAE00, s9;
	[dreg:$0xd] =	wrdreg s6  }
0x19: {  	s7 =	sshrl.u32 s7, $0x3;
	s20 =	sadd.s32 s5, s12;
	[dreg:$0xc] =	wrdreg s17  }
0x1a: {  	s7 =	sadd.s32 s5, s7;
	s0 =	sadd.s32 s13, s0;
	[dreg:$0xe] =	wrdreg s20  }
0x1b: {  	s8 =	sadd.s32 s2, s22;
	s13 =	sadd.s32 $0x6400, s4;
	[dreg:$0xf] =	wrdreg s7  }
0x1c: {  	s22 =	sadd.s32 $0x11800, s4;
	s26 =	sadd.s32 $0x14, s6;
	[dreg:$0x18] =	wrdreg s13  }
0x1d: {  	s7 =	sshrl.u32 s21, $0x3;
	s23 =	sadd.s32 $0x168, s0;
	[smem:$0x7F9] =	sst s22  }
0x1e: {  	s24 =	sadd.s32 $0x24900, s8;
	s8 =	sadd.s32 $0x118, s0;
	[smem:$0x7FD] =	sst s26  }
0x1f: {  	s9 =	sadd.s32 $0xF0, s0;
	s17 =	sadd.s32 $0xB400, s4;
	[dreg:$0x11] =	wrdreg s24  }
0x20: {  	s20 =	sadd.s32 $0xF000, s4;
	s21 =	sadd.s32 $0x10400, s4;
	[dreg:$0x1c] =	wrdreg s17  }
0x21: {  	s13 =	simm.s32 $0x2980;
	s2 =	sadd.s32 s2, s7;
	[dreg:$0x1f] =	wrdreg s20  }
0x22: {  	s25 =	sshrl.u32 s23, $0x3;
	s7 =	sadd.s32 $0x140, s0;
	[smem:$0x7F8] =	sst s21  }
0x23: {  	s10 =	sshrl.u32 s8, $0x3;
	s0 =	sadd.s32 $0xC8, s0;
	[dreg:$0x10] =	wrdreg s2  }
0x24: {  	s11 =	sshrl.u32 s9, $0x3;
	s23 =	sadd.s32 $0x12C00, s4;
	[dreg:$0x17] =	wrdreg s0  }
0x25: {  	s24 =	sadd.s32 $0x137400, s3;
	s9 =	simm.s32 $0x2880;
	[smem:$0x7FA] =	sst s23  }
0x26: {  	s2 =	sadd.s32 s25, s5;
	s12 =	sadd.s32 s11, s5;
	[smem:$0x7FB] =	sst s24  }
.Ltmp0:
0x27: {  	s25 =	sadd.s32 $0xA, s6;
	[dreg:$0x13] =	wrdreg s2;
	(pc) =	sbr.rel .LBB2_1-.Ltmp0, $4  }
0x28: {  	s11 =	simm.s32 $0x7B80;
	s2 =	sshrl.u32 s7, $0x3;
	[dreg:$0x16] =	wrdreg s12  }
0x29: {  	s6 =	simm.s32 $0x0;
	[smem:$0x7FC] =	sst s25;
	s2 =	sadd.s32 s2, s5  }
0x2a: {  	s7 =	simm.s32 $0x2;
	[dreg:$0x14] =	wrdreg s2;
	s2 =	sadd.s32 s10, s5  }
0x2b: {  	v0 =	vimm.f32 $0.0e+00;
	s12 =	simm.s32 $0x1;
	[dreg:$0x15] =	wrdreg s2;
	s2 =	simm.s32 $0x5380  }
.LBB2_9:
0x2c: {  	[bflag:$0x0] =	sbarrier.arrive $0xFFFF  }
0x2d: {  	s6 =	sld [smem:$0x7F7];
	_ =	sdelay $0x1  }
0x2e: {  	s0 =	simm.s32 @p1 $0x1FC3;
	s4 =	rddreg [dreg:$0x11]  }
0x2f: {  	[hbm:s4], [sflag:s0] =	dma.local @p1 [spmem:s6], $0x2800  }
0x30: {  	s0 =	simm.s32 @p1 $0x3  }
0x31: {  	_ =	swait.ge @p1 [sflag:s0], $0x2800  }
0x32: {  	s4 =	sld [smem:$0x7F5]  }
0x33: {  	s6 =	sld [smem:$0x7F6]  }
0x34: {  	[sflag:s0] =	ssyncset.done @p1 $0x0  }
0x35: {  	[sflag:s0] =	ssyncadd.s32 @p1 $0xFFFFD800;
	s0 =	rddreg [dreg:$0x10]  }
0x36: {  	[hbm:s0], [sflag:s6] =	dma.local @!p1 [spmem:s4], $0x2700  }
0x37: {  	s0 =	simm.s32 @!p1 $0x3  }
0x38: {  	_ =	swait.ge @!p1 [sflag:s0], $0x2700  }
0x39: {  	s25 =	sld [smem:$0x7F4];
	_ =	sdelay $0x2  }
0x3a: {  	s26 =	rddreg [dreg:$0x12];
	s6 =	sadd.s32 $0x1, s25  }
0x3b: {  	p2 =	sne.s32 s6, s26  }
.Ltmp1:
0x3c: {  	_ = 	snop;
	(pc) =	sbr.rel @!p2 .LBB2_10-.Ltmp1, $3  }
0x3d: {  	_ =	sdelay $0x1  }
0x3e: {  	[sflag:s0] =	ssyncset.done @!p1 $0x0  }
0x3f: {  	[sflag:s0] =	ssyncadd.s32 @!p1 $0xFFFFD900  }
.LBB2_1:
0x40: {  	s0 =	stileid.u32;
	[smem:$0x7F4] =	sst s6  }
.Ltmp2:
0x41: {  	s14 =	sshll.u32 @!p1 s0, $0x6;
	s0 =	rddreg [dreg:$0x6];
	(pc) =	sbr.rel @!p0 .LBB2_2-.Ltmp2, $4  }
0x42: {  	s10 =	sshrl.u32 @p1 s0, $0x3;
	s0 =	rddreg [dreg:$0x4];
	s8 =	sor.u32 @!p1 $0x1C03, s14  }
0x43: {  	[smem:$0x7F6] =	sst s8  }
0x44: {  	s4 =	sshrl.u32 @!p1 s0, $0x3;
	[smem:$0x7F7] =	sst s10  }
0x45: {  	[smem:$0x7F5] =	sst s4  }
0x46: {  	s0 =	simm.s32 $0x0  }
0x47: {  	s30 =	simm.s32 $0x0;
	s15 =	sshra.s32 s0, $0x2;
	s17 =	sadd.s32 $0x200, s0  }
.LBB2_4:
0x48: {  	p2 =	sne.s32 s17, $0x4E00;
	[tilespmem:s15+$0x2BF0] =	vst v0  }
0x49: {  	[tilespmem:s15+$0x2B80] =	vst v0  }
0x4a: {  	[tilespmem:s15+$0x2B90] =	vst v0  }
.Ltmp3:
0x4b: {  	[tilespmem:s15+$0x2BA0] =	vst v0;
	(pc) =	sbr.rel @p2 .LBB2_4-.Ltmp3, $4  }
0x4c: {  	[tilespmem:s15+$0x2BB0] =	vst v0  }
0x4d: {  	[tilespmem:s15+$0x2BC0] =	vst v0  }
0x4e: {  	[tilespmem:s15+$0x2BD0] =	vst v0  }
0x4f: {  	[tilespmem:s15+$0x2BE0] =	vst v0;
	s15 =	sshra.s32 s17, $0x2;
	s17 =	sadd.s32 $0x200, s17  }
0x50: {  	[tilespmem:s15+$0x2BF0] =	vst v0  }
0x51: {  	[tilespmem:s15+$0x2B80] =	vst v0  }
0x52: {  	[tilespmem:s15+$0x2B90] =	vst v0  }
0x53: {  	[tilespmem:s15+$0x2BA0] =	vst v0  }
0x54: {  	[tilespmem:s15+$0x2BB0] =	vst v0  }
0x55: {  	[tilespmem:s15+$0x2BC0] =	vst v0  }
0x56: {  	[tilespmem:s15+$0x2BD0] =	vst v0  }
0x57: {  	[tilespmem:s15+$0x2BE0] =	vst v0;
	s0 =	rddreg [dreg:$0x4]  }
0x58: {  	[spmem:s0] =	stream.linear.scatter [tilespmem:s28], [sflag:$0x3], $0x1400, $0x38;
	[tilespmem:$0x1C800] =	vst v63  }
0x59: {  	_ =	swait.ge [sflag:s29], $0x1400  }
0x5a: {  	[sflag:s29] =	ssyncset.done $0x0  }
0x5b: {  	s10 =	rddreg [dreg:$0x8];
	[sflag:s29] =	ssyncadd.s32 $0xFFFFEC00  }
0x5c: {  	[spmem:s10] =	stream.linear.scatter [tilespmem:s28], [sflag:$0x3], $0x1400, $0x38;
	[tilespmem:$0x1C800] =	vst v63  }
0x5d: {  	_ =	swait.ge [sflag:s29], $0x1400  }
0x5e: {  	[sflag:s29] =	ssyncset.done $0x0  }
0x5f: {  	s14 =	rddreg [dreg:$0x9];
	[sflag:s29] =	ssyncadd.s32 $0xFFFFEC00  }
0x60: {  	[spmem:s14] =	stream.linear.scatter [tilespmem:s28], [sflag:$0x3], $0x1400, $0x38;
	[tilespmem:$0x1C800] =	vst v63  }
0x61: {  	_ =	swait.ge [sflag:s29], $0x1400  }
0x62: {  	[sflag:s29] =	ssyncset.done $0x0  }
0x63: {  	s15 =	rddreg [dreg:$0xa];
	[sflag:s29] =	ssyncadd.s32 $0xFFFFEC00  }
0x64: {  	[spmem:s15] =	stream.linear.scatter [tilespmem:s28], [sflag:$0x3], $0x1400, $0x38;
	[tilespmem:$0x1C800] =	vst v63  }
0x65: {  	_ =	swait.ge [sflag:s29], $0x1400  }
0x66: {  	[sflag:s29] =	ssyncset.done $0x0  }
0x67: {  	s16 =	rddreg [dreg:$0xb];
	[sflag:s29] =	ssyncadd.s32 $0xFFFFEC00  }
0x68: {  	[spmem:s16] =	stream.linear.scatter [tilespmem:s28], [sflag:$0x3], $0x1400, $0x38;
	[tilespmem:$0x1C800] =	vst v63  }
0x69: {  	_ =	swait.ge [sflag:s29], $0x1400  }
0x6a: {  	[sflag:s29] =	ssyncset.done $0x0  }
0x6b: {  	s17 =	rddreg [dreg:$0x18];
	[sflag:s29] =	ssyncadd.s32 $0xFFFFEC00  }
0x6c: {  	[spmem:s17] =	stream.linear.scatter [tilespmem:s28], [sflag:$0x3], $0x1400, $0x38;
	[tilespmem:$0x1C800] =	vst v63  }
0x6d: {  	_ =	swait.ge [sflag:s29], $0x1400  }
0x6e: {  	[sflag:s29] =	ssyncset.done $0x0  }
0x6f: {  	s18 =	rddreg [dreg:$0x19];
	[sflag:s29] =	ssyncadd.s32 $0xFFFFEC00  }
0x70: {  	[spmem:s18] =	stream.linear.scatter [tilespmem:s28], [sflag:$0x3], $0x1400, $0x38;
	[tilespmem:$0x1C800] =	vst v63  }
0x71: {  	_ =	swait.ge [sflag:s29], $0x1400  }
0x72: {  	[sflag:s29] =	ssyncset.done $0x0  }
0x73: {  	s19 =	rddreg [dreg:$0x1a];
	[sflag:s29] =	ssyncadd.s32 $0xFFFFEC00  }
0x74: {  	[spmem:s19] =	stream.linear.scatter [tilespmem:s28], [sflag:$0x3], $0x1400, $0x38;
	[tilespmem:$0x1C800] =	vst v63  }
0x75: {  	_ =	swait.ge [sflag:s29], $0x1400  }
0x76: {  	[sflag:s29] =	ssyncset.done $0x0  }
0x77: {  	s20 =	rddreg [dreg:$0x1b];
	[sflag:s29] =	ssyncadd.s32 $0xFFFFEC00  }
0x78: {  	[spmem:s20] =	stream.linear.scatter [tilespmem:s28], [sflag:$0x3], $0x1400, $0x38;
	[tilespmem:$0x1C800] =	vst v63  }
0x79: {  	_ =	swait.ge [sflag:s29], $0x1400  }
0x7a: {  	[sflag:s29] =	ssyncset.done $0x0  }
0x7b: {  	s21 =	rddreg [dreg:$0x1c];
	[sflag:s29] =	ssyncadd.s32 $0xFFFFEC00  }
0x7c: {  	[spmem:s21] =	stream.linear.scatter [tilespmem:s28], [sflag:$0x3], $0x1400, $0x38;
	[tilespmem:$0x1C800] =	vst v63  }
0x7d: {  	_ =	swait.ge [sflag:s29], $0x1400  }
0x7e: {  	[sflag:s29] =	ssyncset.done $0x0  }
0x7f: {  	s22 =	rddreg [dreg:$0x1d];
	[sflag:s29] =	ssyncadd.s32 $0xFFFFEC00  }
0x80: {  	[spmem:s22] =	stream.linear.scatter [tilespmem:s28], [sflag:$0x3], $0x1400, $0x38;
	[tilespmem:$0x1C800] =	vst v63  }
0x81: {  	_ =	swait.ge [sflag:s29], $0x1400  }
0x82: {  	[sflag:s29] =	ssyncset.done $0x0  }
0x83: {  	s23 =	rddreg [dreg:$0x1e];
	[sflag:s29] =	ssyncadd.s32 $0xFFFFEC00  }
0x84: {  	[spmem:s23] =	stream.linear.scatter [tilespmem:s28], [sflag:$0x3], $0x1400, $0x38;
	[tilespmem:$0x1C800] =	vst v63  }
0x85: {  	_ =	swait.ge [sflag:s29], $0x1400  }
0x86: {  	[sflag:s29] =	ssyncset.done $0x0  }
0x87: {  	s24 =	rddreg [dreg:$0x1f];
	[sflag:s29] =	ssyncadd.s32 $0xFFFFEC00  }
0x88: {  	[spmem:s24] =	stream.linear.scatter [tilespmem:s28], [sflag:$0x3], $0x1400, $0x38;
	[tilespmem:$0x1C800] =	vst v63  }
0x89: {  	_ =	swait.ge [sflag:s29], $0x1400  }
0x8a: {  	s25 =	sld [smem:$0x7F8]  }
0x8b: {  	[sflag:s29] =	ssyncset.done $0x0  }
0x8c: {  	[sflag:s29] =	ssyncadd.s32 $0xFFFFEC00  }
0x8d: {  	[spmem:s25] =	stream.linear.scatter [tilespmem:s28], [sflag:$0x3], $0x1400, $0x38;
	[tilespmem:$0x1C800] =	vst v63  }
0x8e: {  	_ =	swait.ge [sflag:s29], $0x1400  }
0x8f: {  	s26 =	sld [smem:$0x7F9]  }
0x90: {  	[sflag:s29] =	ssyncset.done $0x0  }
0x91: {  	[sflag:s29] =	ssyncadd.s32 $0xFFFFEC00  }
0x92: {  	[spmem:s26] =	stream.linear.scatter [tilespmem:s28], [sflag:$0x3], $0x1400, $0x38;
	[tilespmem:$0x1C800] =	vst v63  }
0x93: {  	_ =	swait.ge [sflag:s29], $0x1400  }
0x94: {  	s0 =	sld [smem:$0x7FB]  }
0x95: {  	[sflag:s29] =	ssyncset.done $0x0  }
0x96: {  	s15 =	simm.s32 @p1 $0x2B80;
	[sflag:s29] =	ssyncadd.s32 $0xFFFFEC00  }
0x97: {  	[spmem:s0] =	stream.linear.scatter @p1 [tilespmem:s15], [sflag:$0x3], $0x1400, $0x38;
	[tilespmem:$0x1C800] =	vst v63  }
0x98: {  	s15 =	simm.s32 @p1 $0x3  }
0x99: {  	_ =	swait.ge @p1 [sflag:s15], $0x1400  }
0x9a: {  	s0 =	sld [smem:$0x7FA]  }
0x9b: {  	[sflag:s15] =	ssyncset.done @p1 $0x0  }
0x9c: {  	[sflag:s15] =	ssyncadd.s32 @p1 $0xFFFFEC00;
	s15 =	simm.s32 @!p1 $0x2B80  }
0x9d: {  	[spmem:s0] =	stream.linear.scatter @!p1 [tilespmem:s15], [sflag:$0x3], $0xC00, $0x38;
	[tilespmem:$0x1C800] =	vst v63  }
.Ltmp4:
0x9e: {  	_ = 	snop;
	(pc) =	sbr.rel .LBB2_6-.Ltmp4, $4  }
0x9f: {  	s15 =	simm.s32 @!p1 $0x3  }
0xa0: {  	_ =	swait.ge @!p1 [sflag:s15], $0xC00  }
0xa1: {  	[sflag:s15] =	ssyncset.done @!p1 $0x0  }
0xa2: {  	[sflag:s15] =	ssyncadd.s32 @!p1 $0xFFFFF400  }
.LBB2_2:
0xa3: {  	s15 =	simm.s32 @p1 $0x1FC3;
	s0 =	rddreg [dreg:$0x7]  }
0xa4: {  	[spmem:s10], [sflag:s15] =	dma.local @p1 [hbm:s0], $0x2800  }
0xa5: {  	s15 =	simm.s32 @p1 $0x3  }
0xa6: {  	_ =	swait.ge @p1 [sflag:s15], $0x2800  }
0xa7: {  	[sflag:s15] =	ssyncset.done @p1 $0x0  }
0xa8: {  	s0 =	rddreg [dreg:$0x5];
	[sflag:s15] =	ssyncadd.s32 @p1 $0xFFFFD800;
	s15 =	simm.s32 @!p1 $0x3  }
0xa9: {  	[spmem:s4], [sflag:s8] =	dma.local @!p1 [hbm:s0], $0x2700  }
0xaa: {  	_ =	swait.ge @!p1 [sflag:s15], $0x2700  }
0xab: {  	[sflag:s15] =	ssyncset.done @!p1 $0x0  }
0xac: {  	[sflag:s15] =	ssyncadd.s32 @!p1 $0xFFFFD900  }
.LBB2_6:
0xad: {  	s17 =	simm.s32 $0x0;
	s0 =	rddreg [dreg:$0xc]  }
0xae: {  	[tilespmem:s17], [sflag:$0x3] =	stream.linear.gather [hbm4b:s0+s17], $0x2710, $0x38;
	[tilespmem:$0x1C800] =	vst v63  }
0xaf: {  	_ =	swait.ge [sflag:s29], $0x2710  }
0xb0: {  	[sflag:s29] =	ssyncset.done $0x0  }
0xb1: {  	[sflag:s29] =	ssyncadd.s32 $0xFFFFD8F0  }
0xb2: {  	[bflag:$0x0] =	sbarrier.arrive $0xFFFF  }
0xb3: {  	s4 =	simm.s32 $0x2780;
	s14 =	rddreg [dreg:$0xd]  }
0xb4: {  	[tilespmem:s4], [sflag:$0x2] =	stream.linear.gather [hbm4b:s14+s17], $0x28, $0x38;
	[tilespmem:$0x1C800] =	vst v63  }
0xb5: {  	_ = 	snop  }
0xb6: {  	[tilespmem:s28], [sflag:$0x1] =	stream.indirect.gather [hbm4b:s1+s31], $0x80, s17, s31, $0xb8;
	[tilespmem:$0x1C800] =	vst v63  }
0xb7: {  	s16 =	simm.s32 $0x2800;
	s15 =	rddreg [dreg:$0xe]  }
0xb8: {  	[tilespmem:s16], [sflag:$0x2] =	stream.linear.gather [hbm4b:s15+s17], $0x28, $0x38;
	[tilespmem:$0x1C800] =	vst v63  }
0xb9: {  	s18 =	simm.s32 $0x3F80;
	s19 =	sld [smem:$0x7FC]  }
0xba: {  	[tilespmem:s18], [sflag:$0x1] =	stream.indirect.gather [hbm4b:s1+s31], $0x80, s31, s31, $0xb8;
	[tilespmem:$0x1C800] =	vst v63  }
0xbb: {  	s21 =	rddreg [dreg:$0xf]  }
0xbc: {  	[tilespmem:s9], [sflag:$0x2] =	stream.linear.gather [hbm4b:s19+s17], $0x28, $0x38;
	[tilespmem:$0x1C800] =	vst v63  }
0xbd: {  	s20 =	simm.s32 $0x50;
	s25 =	sld [smem:$0x7FD]  }
0xbe: {  	[tilespmem:s2], [sflag:$0x1] =	stream.indirect.gather [hbm4b:s1+s31], $0x80, s20, s31, $0xb8;
	[tilespmem:$0x1C800] =	vst v63  }
0xbf: {  	s22 =	simm.s32 $0x2900;
	s15 =	rddreg [dreg:$0x13]  }
0xc0: {  	[tilespmem:s22], [sflag:$0x2] =	stream.linear.gather [hbm4b:s21+s17], $0x28, $0x38;
	[tilespmem:$0x1C800] =	vst v63  }
0xc1: {  	s23 =	simm.s32 $0x78;
	s24 =	simm.s32 $0x6780;
	s22 =	rddreg [dreg:$0x14]  }
0xc2: {  	[tilespmem:s24], [sflag:$0x1] =	stream.indirect.gather [hbm4b:s1+s31], $0x80, s23, s31, $0xb8;
	[tilespmem:$0x1C800] =	vst v63  }
0xc3: {  	s24 =	rddreg [dreg:$0x16]  }
0xc4: {  	s23 =	rddreg [dreg:$0x15]  }
0xc5: {  	[tilespmem:s13], [sflag:$0x2] =	stream.linear.gather [hbm4b:s25+s17], $0x28, $0x38;
	[tilespmem:$0x1C800] =	vst v63  }
0xc6: {  	s26 =	simm.s32 $0xA0;
	s25 =	rddreg [dreg:$0x17]  }
0xc7: {  	[tilespmem:s11], [sflag:$0x1] =	stream.indirect.gather [hbm4b:s1+s31], $0x80, s26, s31, $0xb8;
	[tilespmem:$0x1C800] =	vst v63  }
.LBB2_7:
0xc8: {  	_ =	swait.ge [sflag:s7], $0x28  }
0xc9: {  	[sflag:s7] =	ssyncset.done $0x0  }
0xca: {  	[sflag:s7] =	ssyncadd.s32 $0xFFFFFFD8  }
0xcb: {  	_ =	swait.ge [sflag:s12], $0x1400  }
0xcc: {  	[sflag:s12] =	ssyncset.done $0x0  }
0xcd: {  	s0 =	simm.s32 $0x2780;
	[sflag:s12] =	ssyncadd.s32 $0xFFFFEC00  }
0xce: {  	[spmem:s3] =	stream.indirect.scatter.add.f32 [tilespmem:s28], [sflag:$0x3], $0x80, s0, s31, $0xb8;
	[tilespmem:$0x1C800] =	vst v63  }
0xcf: {  	_ =	swait.ge [sflag:s29], $0x1400  }
0xd0: {  	p2 =	seq.s32 s17, $0x9920;
	[sflag:s29] =	ssyncset.done $0x0  }
0xd1: {  	s19 =	simm.s32 @p2 $0x2;
	[sflag:s29] =	ssyncadd.s32 $0xFFFFEC00  }
0xd2: {  	_ =	swait.ge @p2 [sflag:s19], $0x28  }
0xd3: {  	[sflag:s19] =	ssyncset.done @p2 $0x0  }
0xd4: {  	s18 =	simm.s32 @p2 $0x1;
	[sflag:s19] =	ssyncadd.s32 @p2 $0xFFFFFFD8  }
0xd5: {  	_ =	swait.ge @p2 [sflag:s18], $0x1400  }
0xd6: {  	s20 =	simm.s32 @p2 $0x2800;
	s21 =	simm.s32 @p2 $0x3F80;
	[sflag:s18] =	ssyncset.done @p2 $0x0  }
0xd7: {  	s26 =	simm.s32 @p2 $0x3;
	s0 =	simm.s32 @p2 $0x28;
	[sflag:s18] =	ssyncadd.s32 @p2 $0xFFFFEC00  }
0xd8: {  	[spmem:s3] =	stream.indirect.scatter.add.f32 @p2 [tilespmem:s21], [sflag:$0x3], $0x80, s20, s0, $0xb8;
	[tilespmem:$0x1C800] =	vst v63  }
0xd9: {  	_ =	swait.ge @p2 [sflag:s26], $0x1400  }
0xda: {  	s6 =	simm.s32 @!p2 $0x2780;
	s20 =	sshrl.u32 @!p2 s25, $0x3;
	[sflag:s26] =	ssyncset.done @p2 $0x0  }
0xdb: {  	s21 =	simm.s32 @!p2 $0x0;
	s20 =	sadd.s32 @!p2 s5, s20;
	[sflag:s26] =	ssyncadd.s32 @p2 $0xFFFFEC00  }
0xdc: {  	[tilespmem:s6], [sflag:$0x2] =	stream.linear.gather @!p2 [hbm4b:s20+s21], $0x28, $0x38;
	[tilespmem:$0x1C800] =	vst v63  }
0xdd: {  	s20 =	sshra.s32 @!p2 s17, $0x2  }
0xde: {  	s8 =	simm.s32 @!p2 $0x28;
	s14 =	simm.s32 @!p2 $0x2B80;
	s6 =	sadd.s32 @!p2 $0xC8, s20  }
0xdf: {  	[tilespmem:s14], [sflag:$0x1] =	stream.indirect.gather @!p2 [hbm4b:s1+s8], $0x80, s6, s8, $0xb8;
	[tilespmem:$0x1C800] =	vst v63  }
0xe0: {  	s6 =	simm.s32 @!p2 $0x2  }
0xe1: {  	_ =	swait.ge @!p2 [sflag:s6], $0x28  }
0xe2: {  	[sflag:s6] =	ssyncset.done @!p2 $0x0  }
0xe3: {  	s14 =	simm.s32 @!p2 $0x1;
	[sflag:s6] =	ssyncadd.s32 @!p2 $0xFFFFFFD8  }
0xe4: {  	_ =	swait.ge @!p2 [sflag:s14], $0x1400  }
0xe5: {  	s16 =	simm.s32 @!p2 $0x2800;
	[sflag:s14] =	ssyncset.done @!p2 $0x0  }
0xe6: {  	s10 =	simm.s32 @!p2 $0x3F80;
	s4 =	simm.s32 @!p2 $0x3;
	[sflag:s14] =	ssyncadd.s32 @!p2 $0xFFFFEC00  }
0xe7: {  	[spmem:s3] =	stream.indirect.scatter.add.f32 @!p2 [tilespmem:s10], [sflag:$0x3], $0x80, s16, s8, $0xb8;
	[tilespmem:$0x1C800] =	vst v63  }
0xe8: {  	_ =	swait.ge @!p2 [sflag:s4], $0x1400  }
0xe9: {  	[sflag:s4] =	ssyncset.done @!p2 $0x0  }
0xea: {  	[sflag:s4] =	ssyncadd.s32 @!p2 $0xFFFFEC00  }
0xeb: {  	[tilespmem:s16], [sflag:$0x2] =	stream.linear.gather @!p2 [hbm4b:s24+s21], $0x28, $0x38;
	[tilespmem:$0x1C800] =	vst v63  }
0xec: {  	s16 =	sadd.s32 @!p2 $0xF0, s20  }
0xed: {  	[tilespmem:s10], [sflag:$0x1] =	stream.indirect.gather @!p2 [hbm4b:s1+s8], $0x80, s16, s8, $0xb8;
	[tilespmem:$0x1C800] =	vst v63  }
0xee: {  	_ =	swait.ge [sflag:s7], $0x28  }
0xef: {  	[sflag:s7] =	ssyncset.done $0x0  }
0xf0: {  	[sflag:s7] =	ssyncadd.s32 $0xFFFFFFD8  }
0xf1: {  	_ =	swait.ge [sflag:s12], $0x1400  }
0xf2: {  	[sflag:s12] =	ssyncset.done $0x0  }
0xf3: {  	[sflag:s12] =	ssyncadd.s32 $0xFFFFEC00  }
0xf4: {  	[spmem:s3] =	stream.indirect.scatter.add.f32 [tilespmem:s2], [sflag:$0x3], $0x80, s9, s31, $0xb8;
	[tilespmem:$0x1C800] =	vst v63  }
0xf5: {  	_ =	swait.ge [sflag:s29], $0x1400  }
0xf6: {  	[sflag:s29] =	ssyncset.done $0x0  }
0xf7: {  	[sflag:s29] =	ssyncadd.s32 $0xFFFFEC00  }
0xf8: {  	_ =	swait.ge @p2 [sflag:s19], $0x28  }
0xf9: {  	[sflag:s19] =	ssyncset.done @p2 $0x0  }
0xfa: {  	[sflag:s19] =	ssyncadd.s32 @p2 $0xFFFFFFD8  }
0xfb: {  	_ =	swait.ge @p2 [sflag:s18], $0x1400  }
0xfc: {  	[sflag:s18] =	ssyncset.done @p2 $0x0  }
0xfd: {  	s10 =	simm.s32 @p2 $0x2900;
	s16 =	simm.s32 @p2 $0x6780;
	[sflag:s18] =	ssyncadd.s32 @p2 $0xFFFFEC00  }
0xfe: {  	[spmem:s3] =	stream.indirect.scatter.add.f32 @p2 [tilespmem:s16], [sflag:$0x3], $0x80, s10, s0, $0xb8;
	[tilespmem:$0x1C800] =	vst v63  }
0xff: {  	_ =	swait.ge @p2 [sflag:s26], $0x1400  }
0x100: {  	[sflag:s26] =	ssyncset.done @p2 $0x0  }
0x101: {  	s0 =	simm.s32 @!p2 $0x2880;
	[sflag:s26] =	ssyncadd.s32 @p2 $0xFFFFEC00  }
0x102: {  	[tilespmem:s0], [sflag:$0x2] =	stream.linear.gather @!p2 [hbm4b:s23+s21], $0x28, $0x38;
	[tilespmem:$0x1C800] =	vst v63  }
0x103: {  	s10 =	simm.s32 @!p2 $0x5380;
	s0 =	sadd.s32 @!p2 $0x118, s20  }
0x104: {  	[tilespmem:s10], [sflag:$0x1] =	stream.indirect.gather @!p2 [hbm4b:s1+s8], $0x80, s0, s8, $0xb8;
	[tilespmem:$0x1C800] =	vst v63  }
0x105: {  	_ =	swait.ge @!p2 [sflag:s6], $0x28  }
0x106: {  	[sflag:s6] =	ssyncset.done @!p2 $0x0  }
0x107: {  	[sflag:s6] =	ssyncadd.s32 @!p2 $0xFFFFFFD8  }
0x108: {  	_ =	swait.ge @!p2 [sflag:s14], $0x1400  }
0x109: {  	[sflag:s14] =	ssyncset.done @!p2 $0x0  }
0x10a: {  	s0 =	simm.s32 @!p2 $0x2900;
	s6 =	simm.s32 @!p2 $0x6780;
	[sflag:s14] =	ssyncadd.s32 @!p2 $0xFFFFEC00  }
0x10b: {  	[spmem:s3] =	stream.indirect.scatter.add.f32 @!p2 [tilespmem:s6], [sflag:$0x3], $0x80, s0, s8, $0xb8;
	[tilespmem:$0x1C800] =	vst v63  }
0x10c: {  	_ =	swait.ge @!p2 [sflag:s4], $0x1400  }
0x10d: {  	[sflag:s4] =	ssyncset.done @!p2 $0x0  }
0x10e: {  	[sflag:s4] =	ssyncadd.s32 @!p2 $0xFFFFEC00  }
0x10f: {  	[tilespmem:s0], [sflag:$0x2] =	stream.linear.gather @!p2 [hbm4b:s22+s21], $0x28, $0x38;
	[tilespmem:$0x1C800] =	vst v63  }
0x110: {  	s0 =	sadd.s32 @!p2 $0x140, s20  }
0x111: {  	[tilespmem:s6], [sflag:$0x1] =	stream.indirect.gather @!p2 [hbm4b:s1+s8], $0x80, s0, s8, $0xb8;
	[tilespmem:$0x1C800] =	vst v63  }
0x112: {  	_ =	swait.ge [sflag:s7], $0x28  }
0x113: {  	[sflag:s7] =	ssyncset.done $0x0  }
0x114: {  	[sflag:s7] =	ssyncadd.s32 $0xFFFFFFD8  }
0x115: {  	_ =	swait.ge [sflag:s12], $0x1400  }
0x116: {  	[sflag:s12] =	ssyncset.done $0x0  }
.Ltmp5:
0x117: {  	[sflag:s12] =	ssyncadd.s32 $0xFFFFEC00;
	(pc) =	sbr.rel @p2 .LBB2_9-.Ltmp5, $4  }
0x118: {  	[spmem:s3] =	stream.indirect.scatter.add.f32 [tilespmem:s11], [sflag:$0x3], $0x80, s13, s31, $0xb8;
	[tilespmem:$0x1C800] =	vst v63  }
0x119: {  	_ =	swait.ge [sflag:s29], $0x1400  }
0x11a: {  	[sflag:s29] =	ssyncset.done $0x0  }
0x11b: {  	[sflag:s29] =	ssyncadd.s32 $0xFFFFEC00  }
0x11c: {  	[tilespmem:s13], [sflag:$0x2] =	stream.linear.gather [hbm4b:s15+s30], $0x28, $0x38;
	[tilespmem:$0x1C800] =	vst v63  }
.Ltmp6:
0x11d: {  	_ = 	snop;
	(pc) =	sbr.rel .LBB2_7-.Ltmp6, $4  }
0x11e: {  	s0 =	sshra.s32 s17, $0x2;
	s15 =	sadd.s32 $0x19, s15  }
0x11f: {  	s17 =	sadd.s32 $0x320, s17;
	s22 =	sadd.s32 $0x19, s22;
	s23 =	sadd.s32 $0x19, s23  }
0x120: {  	s24 =	sadd.s32 $0x19, s24;
	s25 =	sadd.s32 $0xC8, s25;
	s0 =	sadd.s32 $0x168, s0  }
0x121: {  	[tilespmem:s11], [sflag:$0x1] =	stream.indirect.gather [hbm4b:s1+s31], $0x80, s0, s31, $0xb8;
	[tilespmem:$0x1C800] =	vst v63  }
.LBB2_10:
0x122: {  	_ =	sfence.sel $0x180000  }
0x123: {  	[bflag:$0x0] =	sbarrier.arrive $0xFFFF  }
0x124: {  	_ =	strace $0x9000004A  }
0x125: {  	s0 =	stileid.u32;
	[bflag:$0x2] =	sbarrier.arrive $0xFFFF  }
0x126: {  	p0 =	sne.s32 s0, $0x0;
	s0 =	rddreg [dreg:$0x3]  }
0x127: {  	s0 =	sadd.s32 @!p0 $0x100000, s0  }
0x128: {  	[sflag:s0] =	ssyncadd.tile.s32 @!p0 $0x1;
	_ =	shalt  }
.Lfunc_end2:
_tile_overlayer_lowered:
.L_overlay_start_2:
0x129: {  	(tag) =	ssettag $0x2  }
0x12a: {  	s0 =	rddreg [dreg:$0x0];
	s2 =	stileid.u32  }
0x12b: {  	s1 =	rddreg [dreg:$0x1];
	p0 =	sne.s32 s2, $0x0  }
0x12c: {  	s3 =	rddreg [dreg:$0x2];
	[bflag:$0x3] =	sbarrier.arrive $0xFFFF;
	s2 =	simm.s32 @!p0 $0x1C03  }
0x12d: {  	[timem:s3], [sflag:s2] =	dma.local @!p0 [hbm:s0], s1  }
0x12e: {  	s0 =	simm.s32 @!p0 $0x3  }
0x12f: {  	_ =	swait.ge @!p0 [sflag:s0], s1  }
0x130: {  	s1 =	ssub.s32 @!p0 $0x0, s1;
	[sflag:s0] =	ssyncset.done @!p0 $0x0  }
0x131: {  	[sflag:s0] =	ssyncadd.s32 @!p0 s1  }
0x132: {  	[bflag:$0x3] =	sbarrier.arrive $0xFFFF  }
0x133: {  	_ =	shalt  }

// kernel: kernel.7.cloned.1.call-start
scs
__scs_entry_jumppad:
0x0: {  	(pc) =	sbr.rel $0x88, $3  }
0x1: {  	(tag) =	ssettag $0x0;
	lr =	simm.s32 $0x1  }
0x2: {  	[smem:$0x3F9D] =	sst lr;
	_ =	strace $0xD0000000  }
0x3: {  	_ = 	snop  }
0x4: {  	_ = 	snop  }
0x5: {  	_ = 	snop  }
0x6: {  	_ = 	snop  }
0x7: {  	_ = 	snop  }
__scs_overlays_trampoline_lowered:
0x8: {  	[smem:$0x3FAC] =	sst s0  }
0x9: {  	[smem:$0x3FAD] =	sst s1  }
0xa: {  	[smem:$0x3FAE] =	sst s2  }
0xb: {  	[smem:$0x3FAF] =	sst s3  }
0xc: {  	[smem:$0x3FB0] =	sst s4  }
0xd: {  	[smem:$0x3FB1] =	sst s5  }
0xe: {  	[smem:$0x3FB2] =	sst s6  }
0xf: {  	[smem:$0x3FB3] =	sst s7  }
0x10: {  	[smem:$0x3FB4] =	sst s8  }
0x11: {  	[smem:$0x3FB5] =	sst s9;
	s0 =	simm.s32 @!p0 $0x0  }
0x12: {  	s1 =	sld [smem:$0x3F9B];
	s0 =	simm.s32 @p0 $0x1  }
0x13: {  	[smem:$0x3FB6] =	sst s0;
	s0 =	simm.s32 @!p1 $0x0  }
0x14: {  	s2 =	sld [smem:$0x3F9A];
	s0 =	simm.s32 @p1 $0x1  }
0x15: {  	[smem:$0x3FB7] =	sst s0;
	s0 =	simm.s32 @!p2 $0x0  }
0x16: {  	s3 =	sld [smem:$0x3FDB];
	s0 =	simm.s32 @p2 $0x1  }
0x17: {  	s4 =	simm.s32 $0x1BF5;
	[smem:$0x3FB9] =	sst s0  }
0x18: {  	s0 =	sld [smem:$0x3F9C];
	_ =	swait.ge [sflag:s4], $0x0  }
0x19: {  	s7 =	sld [smem:$0x3F9D]  }
0x1a: {  	s8 =	sadd.s32 $0xFFFFE003, lr  }
0x1b: {  	s9 =	sadd.s32 $0xFFFFFEF7, lr;
	s5 =	simm.s32 $0xFFFFFFFF;
	p2 =	slt.u32 s8, $0xFFFFF086  }
0x1c: {  	p1 =	slt.u32 s9, $0xF7A;
	s5 =	simm.s32 @!p2 $0x0  }
0x1d: {  	s5 =	simm.s32 @p1 $0x1;
	p0 =	seq.s32 s7, s2  }
0x1e: {  	s7 =	smul.u32 @!p0 $0xF7A, s2;
	p2 =	seq.s32 @!p0 s5, $0x0  }
0x1f: {  	s9 =	smul.u32 $0xF7A, s1;
	s8 =	simm.s32 @!p0 $0x1BF5;
	p2 =	por !p2, p0  }
0x20: {  	[sflag:s8] =	ssyncset.s32 @!p0 $0xFFFFF086;
	s6 =	sadd.s32 @!p0 s3, s7;
	s7 =	simm.s32 @!p0 $0x108  }
0x21: {  	s3 =	sadd.s32 s3, s9;
	s6 =	sadd.s32 @!p0 $0x88, s6;
	s7 =	simm.s32 @p2 $0x1082  }
0x22: {  	[simem:s7], [sflag:s8] =	dma.local @!p0 [hbm:s6], $0xF7A  }
0x23: {  	s9 =	sor.u32 $0xD0000000, s2;
	s6 =	simm.s32 $0x108;
	_ =	swait.ge @!p0 [sflag:s8], $0x0  }
0x24: {  	s3 =	sadd.s32 $0x88, s3;
	s6 =	simm.s32 @!p1 $0x1082;
	[sflag:s4] =	ssyncset.s32 $0xFFFFF086  }
0x25: {  	[simem:s6], [sflag:s4] =	dma.local [hbm:s3], $0xF7A  }
0x26: {  	[smem:$0x3F9D] =	sst s1;
	(tag) =	ssettag s2;
	_ =	strace s9  }
0x27: {  	s1 =	sld [smem:$0x3FAD]  }
0x28: {  	s2 =	sld [smem:$0x3FAE]  }
0x29: {  	s4 =	sld [smem:$0x3FB0]  }
0x2a: {  	p0 =	seq.s32 s5, $0x0;
	s5 =	sld [smem:$0x3FB1]  }
0x2b: {  	s6 =	sld [smem:$0x3FB2]  }
0x2c: {  	s7 =	sld [smem:$0x3FB3]  }
0x2d: {  	s3 =	simm.s32 $0x108;
	s8 =	sld [smem:$0x3FB4]  }
0x2e: {  	s3 =	simm.s32 @!p0 $0x1082;
	s9 =	sld [smem:$0x3FB5]  }
0x2f: {  	lr =	sadd.s32 s0, s3;
	s0 =	sld [smem:$0x3FAC]  }
0x30: {  	s3 =	sld [smem:$0x3FAF]  }
0x31: {  	[smem:$0x3FB8] =	sst s10  }
0x32: {  	s10 =	sld [smem:$0x3FB6];
	_ =	sdelay $0x3  }
0x33: {  	p0 =	seq.s32 s10, $0x1;
	s10 =	sld [smem:$0x3FB8];
	_ =	sdelay $0x3  }
0x34: {  	[smem:$0x3FB8] =	sst s10  }
0x35: {  	s10 =	sld [smem:$0x3FB7];
	_ =	sdelay $0x3  }
0x36: {  	p1 =	seq.s32 s10, $0x1;
	s10 =	sld [smem:$0x3FB8];
	_ =	sdelay $0x3  }
0x37: {  	[smem:$0x3FB8] =	sst s10  }
0x38: {  	s10 =	sld [smem:$0x3FB9]  }
0x39: {  	_ = 	snop;
	(pc) =	sbr.ind lr, $3  }
0x3a: {  	_ = 	snop  }
0x3b: {  	_ = 	snop  }
0x3c: {  	p2 =	seq.s32 s10, $0x1;
	s10 =	sld [smem:$0x3FB8]  }
0x3d: {  	_ =	shalt  }
0x3e: {  	_ =	shalt  }
0x3f: {  	_ =	shalt  }
0x40: {  	_ =	shalt  }
0x41: {  	_ =	shalt  }
0x42: {  	_ =	shalt  }
0x43: {  	_ =	shalt  }
0x44: {  	_ =	shalt  }
0x45: {  	_ =	shalt  }
0x46: {  	_ =	shalt  }
0x47: {  	_ =	shalt  }
0x48: {  	_ =	shalt  }
0x49: {  	_ =	shalt  }
0x4a: {  	_ =	shalt  }
0x4b: {  	_ =	shalt  }
0x4c: {  	_ =	shalt  }
0x4d: {  	_ =	shalt  }
0x4e: {  	_ =	shalt  }
0x4f: {  	_ =	shalt  }
0x50: {  	_ =	shalt  }
0x51: {  	_ =	shalt  }
0x52: {  	_ =	shalt  }
0x53: {  	_ =	shalt  }
0x54: {  	_ =	shalt  }
0x55: {  	_ =	shalt  }
0x56: {  	_ =	shalt  }
0x57: {  	_ =	shalt  }
0x58: {  	_ =	shalt  }
0x59: {  	_ =	shalt  }
0x5a: {  	_ =	shalt  }
0x5b: {  	_ =	shalt  }
0x5c: {  	_ =	shalt  }
0x5d: {  	_ =	shalt  }
0x5e: {  	_ =	shalt  }
0x5f: {  	_ =	shalt  }
0x60: {  	_ =	shalt  }
0x61: {  	_ =	shalt  }
0x62: {  	_ =	shalt  }
0x63: {  	_ =	shalt  }
0x64: {  	_ =	shalt  }
0x65: {  	_ =	shalt  }
0x66: {  	_ =	shalt  }
0x67: {  	_ =	shalt  }
0x68: {  	_ =	shalt  }
0x69: {  	_ =	shalt  }
0x6a: {  	_ =	shalt  }
0x6b: {  	_ =	shalt  }
0x6c: {  	_ =	shalt  }
0x6d: {  	_ =	shalt  }
0x6e: {  	_ =	shalt  }
0x6f: {  	_ =	shalt  }
0x70: {  	_ =	shalt  }
0x71: {  	_ =	shalt  }
0x72: {  	_ =	shalt  }
0x73: {  	_ =	shalt  }
0x74: {  	_ =	shalt  }
0x75: {  	_ =	shalt  }
0x76: {  	_ =	shalt  }
0x77: {  	_ =	shalt  }
0x78: {  	_ =	shalt  }
0x79: {  	_ =	shalt  }
0x7a: {  	_ =	shalt  }
0x7b: {  	_ =	shalt  }
0x7c: {  	_ =	shalt  }
0x7d: {  	_ =	shalt  }
0x7e: {  	_ =	shalt  }
0x7f: {  	_ =	shalt  }
0x80: {  	_ =	shalt  }
0x81: {  	_ =	shalt  }
0x82: {  	_ =	shalt  }
0x83: {  	_ =	shalt  }
0x84: {  	_ =	shalt  }
0x85: {  	_ =	shalt  }
0x86: {  	_ =	shalt  }
0x87: {  	_ =	shalt  }
.Lfunc_end0:
.L_simem_size_0:
called_computation_lowered:
.L_overlay_start_0:
0x88: {  	s2 =	sld [smem:$0x3FD9]  }
0x89: {  	s3 =	sld [smem:$0x3FFE];
	_ =	sdelay $0x1  }
0x8a: {  	s1 =	srdreg.scid  }
0x8b: {  	s0 =	sand.u32 $0x1, s1  }
0x8c: {  	s17 =	sshll.u32 s0, $0xA;
	s2 =	sadd.s32 s3, s2  }
0x8d: {  	s2 =	sadd.s32 s2, s17  }
0x8e: {  	[smem:$0x3FC4] =	sst s2  }
0x8f: {  	_ = 	snop  }
0x90: {  	s2 =	sld [smem:$0x3FD0];
	(tm) =	ssettm $0x1  }
0x91: {  	s18 =	sld [smem:$0x3FFB];
	_ =	sdelay $0x3  }
0x92: {  	_ =	strace s18  }
0x93: {  	s3 =	sld [smem:$0x3FFC];
	_ =	sdelay $0x3  }
0x94: {  	_ =	strace s3  }
0x95: {  	s3 =	sld [smem:$0x3FFD];
	_ =	sdelay $0x3  }
0x96: {  	_ =	strace s3  }
0x97: {  	_ =	strace $0x8FFFFFFF  }
0x98: {  	s19 =	sld [smem:$0x3FDB];
	_ =	sdelay $0x1  }
0x99: {  	s4 =	simm.s32 $_scs_section_size  }
0x9a: {  	s5 =	simm.s32 $_size__tile_overlayer_lowered;
	s6 =	simm.s32 $_tile_overlayer_lowered  }
0x9b: {  	s22 =	simm.s32 $0x1BFF;
	s21 =	sshll.u32 s6, $0x1;
	s3 =	sadd.s32 s4, s19  }
0x9c: {  	s7 =	simm.s32 $0x0;
	s20 =	sshll.u32 s5, $0x1;
	s5 =	sadd.s32 s21, s3  }
0x9d: {  	[timem:s7], [sflag:s22] =	dma.local [hbm:s5], s20  }
0x9e: {  	_ =	swait.ge [sflag:s22], s20  }
0x9f: {  	s4 =	ssub.s32 $0x0, s20;
	[sflag:s22] =	ssyncset.done $0x0  }
0xa0: {  	[sflag:s22] =	ssyncadd.s32 s4;
	_ =	sdelay $0x1  }
0xa1: {  	s23 =	simm.s32 $0x1B8B  }
0xa2: {  	_ =	swait.ge [sflag:s23], $0x1  }
0xa3: {  	[sflag:s23] =	ssyncset.done $0x0  }
0xa4: {  	s25 =	simm.s32 $0x1B8E;
	s24 =	sld [smem:$0x3FFE];
	[sflag:s23] =	ssyncadd.s32 $0xFFFFFFFF  }
0xa5: {  	s26 =	simm.s32 $execute0_lowered;
	[smem:$0x3FD2] =	sst s25  }
0xa6: {  	s5 =	sshll.u32 s26, $0x1;
	_ =	strace $0x80000046;
	[dreg:$0x1] =	wrdreg $0xFFFFFFFF  }
0xa7: {  	s28 =	simm.s32 $_size_execute0_lowered;
	s3 =	sadd.s32 s3, s5;
	[dreg:$0x0] =	wrdreg $0x0  }
0xa8: {  	s5 =	sshll.u32 s28, $0x1;
	[dreg:$0x2] =	wrdreg s3  }
0xa9: {  	[dreg:$0x3] =	wrdreg s5  }
0xaa: {  	[dreg:$0x4] =	wrdreg $0xC0  }
0xab: {  	_ =	task [dreg:s7], $0x5FFFF  }
0xac: {  	[dreg:$0x1] =	wrdreg $0xFFFFFFFF  }
0xad: {  	[dreg:$0x0] =	wrdreg $0x60  }
0xae: {  	[dreg:$0x2] =	wrdreg s24  }
0xaf: {  	[dreg:$0x3] =	wrdreg s2  }
0xb0: {  	[dreg:$0x4] =	wrdreg $0x2A800  }
0xb1: {  	[dreg:$0x5] =	wrdreg $0x9  }
0xb2: {  	_ =	task.clear_ibuf [dreg:s7], $0x6FFFF;
	_ =	strace $0x90000046  }
0xb3: {  	s29 =	simm.s32 $0x9;
	_ =	strace $0x80000048  }
0xb4: {  	_ =	swait.ge [sflag:s29], $0x1  }
0xb5: {  	[sflag:s29] =	ssyncadd.s32 $0xFFFFFFFF  }
0xb6: {  	_ =	strace $0x90000048  }
0xb7: {  	_ =	sfence  }
0xb8: {  	s30 =	sld [smem:$0x0];
	_ =	sdelay $0x2  }
0xb9: {  	s31 =	sshll.u32 s1, $0xD;
	s1 =	sshrl.u32 s1, $0x2  }
0xba: {  	s3 =	sand.u32 $0x4000, s31;
	s1 =	sadd.s32 s1, s30  }
0xbb: {  	s0 =	sor.u32 s3, s0;
	s1 =	sshll.u32 s1, $0x11  }
0xbc: {  	s0 =	sor.u32 s1, s0  }
0xbd: {  	s0 =	sadd.s32 $0x8F2B, s0  }
0xbe: {  	[sflag:s0] =	ssyncadd.remote.s32 $0x1  }
0xbf: {  	_ =	sfence.sel $0xFFFF  }
0xc0: {  	[dreg:$0x0] =	wrdreg $0xFFFFFFFF;
	(pc) =	sbr.abs _section_cstart, $3  }
0xc1: {  	[dreg:$0x1] =	wrdreg $0xFFFFFFFF  }
0xc2: {  	_ =	task.clear_ibuf [dreg:s7], $0x2FFFF;
	_ =	strace $0x9FFFFFFF  }
0xc3: {  	(tm) =	ssettm $0x7FFFFFFF  }
tec
execute0_lowered:
.L_overlay_start_1:
0x0: {  	(tag) =	ssettag $0x1  }
0x1: {  	s5 =	rddreg [dreg:$0x0]  }
0x2: {  	s6 =	rddreg [dreg:$0x1]  }
0x3: {  	s0 =	srdreg.scid;
	s2 =	rddreg [dreg:$0x2]  }
0x4: {  	s3 =	simm.s32 $0x0;
	s10 =	simm.s32 $0x50;
	s11 =	simm.s32 $0x2780  }
0x5: {  	s12 =	simm.s32 $0x1;
	s4 =	sand.u32 $0x1, s0;
	s0 =	stileid.u32  }
0x6: {  	s15 =	simm.s32 $0x0;
	[smem:$0x7FF] =	sst s3;
	s8 =	smul.u32 $0x280, s0  }
0x7: {  	s1 =	sshll.u32 s4, $0x4;
	s9 =	smul.u32 $0x2800, s4;
	s4 =	ssub.s32 $0x2, s4  }
0x8: {  	s13 =	sshll.u32 s0, $0x6;
	s1 =	sor.u32 s0, s1;
	s30 =	sshrl.u32 s4, $0x1  }
0x9: {  	s13 =	sor.u32 $0x1C02, s13;
	s7 =	smul.u32 $0x4E2, s1;
	s9 =	sadd.s32 s8, s9  }
0xa: {  	s1 =	rddreg [dreg:$0x3];
	_ =	strace $0x80000047;
	s31 =	sshrl.u32 s9, $0x3  }
0xb: {  	s9 =	simm.s32 $0x2;
	s5 =	sadd.s32 s7, s5;
	s7 =	ssub.s32 s4, s30  }
0xc: {  	s4 =	sadd.s32 s8, s2;
	s6 =	sadd.s32 s6, s31;
	s8 =	simm.s32 $0x2800  }
0xd: {  	v0 =	vimm.f32 $1.000000000e+00;
	v1 =	vimm.f32 $0.0e+00;
	s5 =	sadd.s32 $0xAE00, s5;
	s7 =	smax.u32 s7, $0x1;
	s14 =	sshrl.u32 s4, $0x3  }
.LBB2_1:
0xe: {  	[tilespmem:$0x2780] =	vst v0  }
0xf: {  	[tilespmem:$0x2790] =	vst v0  }
0x10: {  	[tilespmem:$0x27A0] =	vst v0  }
0x11: {  	[tilespmem:$0x27B0] =	vst v0  }
0x12: {  	[tilespmem:$0x27C0] =	vst v0  }
0x13: {  	[tilespmem:$0x2800] =	vst v1  }
0x14: {  	[tilespmem:$0x2810] =	vst v1  }
0x15: {  	[tilespmem:$0x2820] =	vst v1  }
0x16: {  	[tilespmem:$0x2830] =	vst v1  }
0x17: {  	[tilespmem:$0x2840] =	vst v1  }
0x18: {  	[tilespmem:$0x2850] =	vst v1  }
0x19: {  	[tilespmem:$0x2860] =	vst v1  }
0x1a: {  	[tilespmem:$0x2870] =	vst v1  }
0x1b: {  	[tilespmem:$0x2880] =	vst v1  }
0x1c: {  	[tilespmem:$0x2890] =	vst v1  }
0x1d: {  	[tilespmem:$0x28A0] =	vst v1  }
0x1e: {  	[tilespmem:$0x28B0] =	vst v1  }
0x1f: {  	[tilespmem:$0x28C0] =	vst v1  }
0x20: {  	[tilespmem:$0x28D0] =	vst v1  }
0x21: {  	[tilespmem:$0x28E0] =	vst v1  }
0x22: {  	[tilespmem:$0x28F0] =	vst v1  }
0x23: {  	[tilespmem:$0x2900] =	vst v1  }
0x24: {  	[tilespmem:$0x2910] =	vst v1  }
0x25: {  	[tilespmem:$0x2920] =	vst v1  }
0x26: {  	[tilespmem:$0x2930] =	vst v1  }
0x27: {  	[tilespmem:$0x2940] =	vst v1  }
0x28: {  	[tilespmem:$0x2950] =	vst v1  }
0x29: {  	[tilespmem:$0x2960] =	vst v1  }
0x2a: {  	[tilespmem:$0x2970] =	vst v1  }
0x2b: {  	[tilespmem:$0x2980] =	vst v1  }
0x2c: {  	[tilespmem:$0x2990] =	vst v1  }
0x2d: {  	[tilespmem:$0x29A0] =	vst v1  }
0x2e: {  	[tilespmem:$0x29B0] =	vst v1  }
0x2f: {  	[tilespmem:$0x29C0] =	vst v1  }
0x30: {  	[tilespmem:$0x29D0] =	vst v1  }
0x31: {  	[tilespmem:$0x29E0] =	vst v1  }
0x32: {  	[tilespmem:$0x29F0] =	vst v1  }
0x33: {  	[tilespmem:$0x2A00] =	vst v1  }
0x34: {  	[tilespmem:$0x2A10] =	vst v1  }
0x35: {  	[tilespmem:$0x2A20] =	vst v1  }
0x36: {  	[tilespmem:$0x2A30] =	vst v1  }
0x37: {  	[tilespmem:$0x2A40] =	vst v1  }
0x38: {  	[tilespmem:$0x2A50] =	vst v1  }
0x39: {  	[tilespmem:$0x2A60] =	vst v1  }
0x3a: {  	[tilespmem:$0x2A70] =	vst v1  }
0x3b: {  	[spmem:s4] =	stream.linear.scatter [tilespmem:s8], [sflag:$0x2], $0x280, $0x38;
	[tilespmem:$0x2D00] =	vst v63  }
0x3c: {  	_ =	swait.ge [sflag:s9], $0x280  }
0x3d: {  	[sflag:s9] =	ssyncset.done $0x0  }
0x3e: {  	[sflag:s9] =	ssyncadd.s32 $0xFFFFFD80  }
0x3f: {  	[tilespmem:s3], [sflag:$0x2] =	stream.linear.gather [hbm4b:s5+s3], $0x2710, $0x38;
	[tilespmem:$0x2D00] =	vst v63  }
0x40: {  	_ =	swait.ge [sflag:s9], $0x2710  }
0x41: {  	[sflag:s9] =	ssyncset.done $0x0  }
0x42: {  	[sflag:s9] =	ssyncadd.s32 $0xFFFFD8F0  }
0x43: {  	s16 =	simm.s32 $0x0;
	[bflag:$0x0] =	sbarrier.arrive $0xFFFF  }
.LBB2_2:
0x44: {  	p0 =	sne.s32 s16, $0x9B00  }
.Ltmp0:
0x45: {  	_ = 	snop;
	(pc) =	sbr.rel @p0 .LBB2_2-.Ltmp0, $3  }
0x46: {  	_ =	sdelay $0x1  }
0x47: {  	s17 =	sshra.s32 s16, $0x2;
	s16 =	sadd.s32 $0x140, s16  }
0x48: {  	[spmem:s2] =	stream.indirect.scatter.add.f32 [tilespmem:s11], [sflag:$0x1], $0x1, s17, s10, $0xb8;
	[tilespmem:$0x2D00] =	vst v63  }
0x49: {  	_ =	swait.ge [sflag:s12], $0x50  }
0x4a: {  	s16 =	simm.s32 $0x7C;
	[sflag:s12] =	ssyncset.done $0x0  }
.LBB2_4:
0x4b: {  	p0 =	sne.s32 s16, $0x1;
	s16 =	sadd.s32 $0xFFFFFFFF, s16;
	[sflag:s12] =	ssyncadd.s32 $0xFFFFFFB0  }
.Ltmp1:
0x4c: {  	(pc) =	sbr.rel @p0 .LBB2_4-.Ltmp1, $3  }
0x4d: {  	_ =	sdelay $0x1  }
0x4e: {  	_ =	swait.ge [sflag:s12], $0x50  }
0x4f: {  	[sflag:s12] =	ssyncset.done $0x0  }
0x50: {  	s15 =	sadd.s32 $0x1, s15  }
0x51: {  	[sflag:s12] =	ssyncadd.s32 $0xFFFFFFB0;
	p0 =	sne.s32 s15, s7  }
.Ltmp2:
0x52: {  	[bflag:$0x0] =	sbarrier.arrive $0xFFFF;
	(pc) =	sbr.rel @p0 .LBB2_1-.Ltmp2, $4  }
0x53: {  	[hbm:s6], [sflag:s13] =	dma.local [spmem:s14], $0x50  }
0x54: {  	_ =	swait.ge [sflag:s9], $0x50  }
0x55: {  	[sflag:s9] =	ssyncset.done $0x0  }
0x56: {  	[sflag:s9] =	ssyncadd.s32 $0xFFFFFFB0  }
0x57: {  	_ =	sfence.sel $0x180000  }
0x58: {  	[bflag:$0x0] =	sbarrier.arrive $0xFFFF  }
0x59: {  	p0 =	sne.s32 s0, $0x0;
	_ =	strace $0x90000047  }
0x5a: {  	s0 =	sadd.s32 @!p0 $0x100000, s1;
	[bflag:$0x2] =	sbarrier.arrive $0xFFFF  }
0x5b: {  	[sflag:s0] =	ssyncadd.tile.s32 @!p0 $0x1;
	_ =	shalt  }
.Lfunc_end2:
_tile_overlayer_lowered:
.L_overlay_start_2:
0x5c: {  	(tag) =	ssettag $0x2  }
0x5d: {  	s0 =	rddreg [dreg:$0x0];
	s2 =	stileid.u32  }
0x5e: {  	s1 =	rddreg [dreg:$0x1];
	p0 =	sne.s32 s2, $0x0  }
0x5f: {  	s3 =	rddreg [dreg:$0x2];
	[bflag:$0x3] =	sbarrier.arrive $0xFFFF;
	s2 =	simm.s32 @!p0 $0x1C02  }
0x60: {  	[timem:s3], [sflag:s2] =	dma.local @!p0 [hbm:s0], s1  }
0x61: {  	s0 =	simm.s32 @!p0 $0x2  }
0x62: {  	_ =	swait.ge @!p0 [sflag:s0], s1  }
0x63: {  	s1 =	ssub.s32 @!p0 $0x0, s1;
	[sflag:s0] =	ssyncset.done @!p0 $0x0  }
0x64: {  	[sflag:s0] =	ssyncadd.s32 @!p0 s1  }
0x65: {  	[bflag:$0x3] =	sbarrier.arrive $0xFFFF  }
0x66: {  	_ =	shalt  }

</sc_bundles>
